<compile_context>
chip_gen: v7x
topology: tpu7x:2x2x1
jax: 0.10.2.dev20260603
libtpu: 0.0.44.dev20260713+nightly
codegen_flags: <defaults>
</compile_context>

<pallas_src>
import functools

import jax
import jax.numpy as jnp
from jax import lax
from jax.experimental import pallas as pl
from jax.experimental.pallas import tpu as pltpu
from jax.experimental.pallas import tpu_sc as plsc

C = 21
HW = 512 * 512
B = 4
K = 1024
HSIZE = 2 * C * K
NTEC = 32
PER_TEC = HW // NTEC
S = 1024
CPB = PER_TEC // S
NCHUNK = B * CPB
FGOFF = C * K


def _sc_body(preds_hbm, labels_hbm, out_hbm, buf, lbuf, hist, sem0, sem1):
    wid = lax.axis_index("c") * 16 + lax.axis_index("s")
    sems = (sem0, sem1)

    def zero_body(i, _):
        hist[pl.ds(i * 16, 16)] = jnp.zeros((16,), jnp.int32)
        return 0

    lax.fori_loop(0, HSIZE // 16, zero_body, 0)

    def window(t):
        b = t // CPB
        gw = wid * CPB + (t % CPB)
        r0 = (gw // 4) * 8
        c0 = (gw % 4) * 128
        return b, r0, c0

    def issue(t, slot):
        b, r0, c0 = window(t)
        pltpu.async_copy(
            preds_hbm.at[b, :, pl.ds(r0, 8), pl.ds(c0, 128)],
            buf.at[slot],
            sems[slot],
        )
        pltpu.async_copy(
            labels_hbm.at[b, pl.ds(r0, 8), pl.ds(c0, 128)],
            lbuf.at[slot],
            sems[slot],
        )

    def drain(slot):
        pltpu.make_async_copy(
            preds_hbm.at[0, :, pl.ds(0, 8), pl.ds(0, 128)], buf.at[slot], sems[slot]
        ).wait()
        pltpu.make_async_copy(
            labels_hbm.at[0, pl.ds(0, 8), pl.ds(0, 128)], lbuf.at[slot], sems[slot]
        ).wait()

    def compute(slot):
        ones = jnp.ones((16,), jnp.int32)

        def group(i, _):
            r = i // 4
            base = (i % 4) * 32
            subs = []
            for u in range(2):
                s0 = base + u * 16
                es = []
                tot = jnp.zeros((16,), jnp.float32)
                for c in range(C):
                    ex = jnp.exp(buf[slot, c, r, pl.ds(s0, 16)])
                    es.append(ex)
                    tot = tot + ex
                inv = jnp.float32(K) / tot
                lbl = lbuf[slot, r, pl.ds(s0, 16)]
                subs.append((es, inv, lbl))
            for es, inv, lbl in subs:
                for c in range(C):
                    t = es[c] * inv
                    bi0 = jnp.minimum(t.astype(jnp.int32), K - 1)
                    fgb = lbl == c
                    idx = c * K + jnp.where(fgb, (FGOFF + K - 1) - bi0, bi0)
                    plsc.addupdate_scatter(hist, [idx], ones)
            return 0

        lax.fori_loop(0, S // 32, group, 0)

    issue(jnp.int32(0), 0)

    def chunk_pair(j, _):
        t0 = j * 2
        issue(t0 + 1, 1)
        drain(0)
        compute(0)

        @pl.when(t0 + 2 < NCHUNK)
        def _():
            issue(t0 + 2, 0)

        drain(1)
        compute(1)
        return 0

    lax.fori_loop(0, NCHUNK // 2, chunk_pair, 0)

    pltpu.sync_copy(hist, out_hbm.at[pl.ds(wid * HSIZE, HSIZE)])


@functools.cache
def _sc_hist():
    return functools.partial(
        pl.kernel,
        out_type=jax.ShapeDtypeStruct((NTEC * HSIZE,), jnp.int32),
        mesh=plsc.VectorSubcoreMesh(core_axis_name="c", subcore_axis_name="s"),
        compiler_params=pltpu.CompilerParams(needs_layout_passes=False),
        scratch_types=[
            pltpu.VMEM((2, C, 8, 128), jnp.float32),
            pltpu.VMEM((2, 8, 128), jnp.int32),
            pltpu.VMEM((HSIZE,), jnp.int32),
            pltpu.SemaphoreType.DMA,
            pltpu.SemaphoreType.DMA,
        ],
    )(_sc_body)


def _tc_body(hist_ref, out_ref):
    h = hist_ref[...].astype(jnp.float32)
    acc = jnp.sum(h, axis=0)
    hb = acc[0:C, :]
    hf = acc[C : 2 * C, :]

    row = lax.broadcasted_iota(jnp.int32, (K, K), 0)
    col = lax.broadcasted_iota(jnp.int32, (K, K), 1)
    ge = (row >= col).astype(jnp.float32)
    f_incl = jax.lax.dot(hf, ge, preferred_element_type=jnp.float32)
    b_incl = jax.lax.dot(hb, ge, preferred_element_type=jnp.float32)
    f_excl = f_incl - hf
    b_excl = b_incl - hb

    g = jnp.sum(hf, axis=1, keepdims=True)

    def jac(f, bb):
        return 1.0 - (g - f) / jnp.maximum(g + bb, 1.0)

    dj = jac(f_incl, b_incl) - jac(f_excl, b_excl)
    ebar = (lax.broadcasted_iota(jnp.int32, (1, K), 1).astype(jnp.float32) + 0.5) * jnp.float32(1.0 / K)
    loss_c = jnp.sum(ebar * dj, axis=1, keepdims=True)
    present = (g > 0).astype(jnp.float32)
    num = jnp.sum(loss_c * present)
    den = jnp.maximum(jnp.sum(present), 1.0)
    out_ref[...] = jnp.broadcast_to(num / den, (1, 1))


def _tc_finish(hist3):
    return pl.pallas_call(
        _tc_body,
        out_shape=jax.ShapeDtypeStruct((1, 1), jnp.float32),
    )(hist3)


def kernel(preds, target):
    x = preds[0]
    lbl = target
    hist = _sc_hist()(x, lbl)
    hist3 = hist.reshape(NTEC, 2 * C, K)
    out = _tc_finish(hist3)
    return out[0, 0]

# --- scband reference (transcript-rebuilt; emitter-appended) ---
"""Pipeline reference for scband-lovasz-softmax-29240137351490 (READ-ONLY COPY).

The authoritative reference and input builder live on the scoring server;
editing this copy changes nothing except your own understanding.
"""

import jax, jax.numpy as jnp
import numpy as np


def lovasz_grad(gt_sorted, valid_sorted):
    gts = jnp.sum(gt_sorted)
    intersection = gts - jnp.cumsum(gt_sorted)
    union = gts + jnp.cumsum((1.0 - gt_sorted) * valid_sorted)
    jaccard = 1.0 - intersection / union
    jaccard = jnp.concatenate([jaccard[:1], jaccard[1:] - jaccard[:-1]])
    return jaccard


def flatten_probas(probas, labels, ignore):
    B, C, H, W = probas.shape
    probas = jnp.transpose(probas, (0, 2, 3, 1)).reshape(-1, C)
    labels = labels.reshape(-1)
    if ignore is None:
        valid = jnp.ones(labels.shape, dtype=jnp.float32)
        return probas, labels, valid
    valid = (labels != ignore).astype(jnp.float32)
    return probas, labels, valid


def lovasz_softmax_flat(probas, labels, valid):
    C = probas.shape[1]
    losses = []
    presents = []
    for c in range(C):
        fg = ((labels == c).astype(jnp.float32)) * valid
        errors = jnp.abs(fg - probas[:, c]) * valid
        sort_key = jnp.where(valid > 0, errors, -jnp.inf)
        perm = jnp.argsort(-sort_key)
        errors_sorted = errors[perm]
        fg_sorted = fg[perm]
        valid_sorted = valid[perm]
        losses.append(
            jnp.dot(errors_sorted * valid_sorted, lovasz_grad(fg_sorted, valid_sorted))
        )
        presents.append((jnp.sum(fg) > 0).astype(jnp.float32))
    losses = jnp.stack(losses)
    presents = jnp.stack(presents)
    # classes='present': mean over classes that appear in the labels
    return jnp.sum(losses * presents) / jnp.maximum(jnp.sum(presents), 1.0)


def lovasz_softmax(probas, labels, ignore=None):
    vprobas, vlabels, valid = flatten_probas(probas, labels, ignore)
    return lovasz_softmax_flat(vprobas, vlabels, valid)


def setup_inputs(seed: int = 0) -> dict:
    key = jax.random.key(seed)
    k1, k2 = jax.random.split(key)
    preds = jax.random.normal(k1, (1, 4, 21, 512, 512), dtype=jnp.float32)
    target = jax.random.randint(k2, (4, 512, 512), 0, 21, dtype=jnp.int32)
    return {"preds": preds, "target": target}


def reference(preds, target):
    # preds acts as the tuple of multi-head predictions; preds[0] is the main head [B,C,H,W]
    probas = jax.nn.softmax(preds[0], axis=1)
    loss = lovasz_softmax(probas, target, ignore=-1)
    # original module returns dict(loss=loss); we return the scalar loss tensor
    return loss

if __name__ == "__main__":
    import jax
    _d = setup_inputs()
    print(jax.jit(kernel)(*tuple(_d.values())))

</pallas_src>

<mosaic_0001>
#map = affine_map<(d0, d1) -> (0, 0, 0, 0)>
#map1 = affine_map<(d0, d1) -> (0, 0, 0)>
#map2 = affine_map<(d0, d1) -> (0)>
module attributes {stable_mosaic.version = 14 : i64} {
  func.func @_sc_body(%arg0: i32, %arg1: i32, %arg2: memref<4x21x512x512xf32, #tpu.memory_space<hbm>>, %arg3: memref<4x512x512xi32, #tpu.memory_space<hbm>>, %arg4: memref<1376256xi32, #tpu.memory_space<hbm>>, %arg5: memref<2x21x8x128xf32, #tpu.memory_space<vmem>>, %arg6: memref<2x8x128xi32, #tpu.memory_space<vmem>>, %arg7: memref<43008xi32, #tpu.memory_space<vmem>>, %arg8: memref<!tpu.dma_semaphore, #tpu.memory_space<semaphore_mem>>, %arg9: memref<!tpu.dma_semaphore, #tpu.memory_space<semaphore_mem>>) attributes {dimension_semantics = [#tpu.dimension_semantics<core_parallel>, #tpu.dimension_semantics<subcore_parallel>], iteration_bounds = array<i64: 2, 16>, scalar_prefetch = 0 : i64, scratch_operands = 5 : i64, tpu.core_type = #tpu.core_type<sc_vector_subcore>, window_params = [{transform_indices = #map}, {transform_indices = #map1}, {transform_indices = #map2}]} {
    %mul3A = arith.constant 16 : i32
    %mul3A_0 = arith.muli %arg0, %mul3A : i32
    %add3A = arith.addi %mul3A_0, %arg1 : i32
    %scan3A = arith.constant 0 : i32
    %scan3A_1 = arith.constant 0 : i32
    %scan3A_2 = arith.constant 2688 : i32
    %scan3A_3 = arith.addi %scan3A_1, %scan3A_2 : i32
    %scan3A_4 = arith.constant 1 : i32
    %scan3A_5 = scf.for %scan3A_124 = %scan3A_1 to %scan3A_3 step %scan3A_4 iter_args(%scan3A_125 = %scan3A) -> (i32)  : i32 {
      %broadcast_in_dim3A = arith.constant 0 : i32
      %broadcast_in_dim3A_126 = vector.broadcast %broadcast_in_dim3A : i32 to vector<16xi32>
      %mul3A_127 = arith.constant 16 : i32
      %mul3A_128 = arith.muli %scan3A_124, %mul3A_127 : i32
      %swap3A = arith.index_cast %mul3A_128 : i32 to index
      %swap3A_129 = tpu.vector_load %arg7[%swap3A] {strides = array<i32>} : memref<43008xi32, #tpu.memory_space<vmem>>, vector<16xi32>,
      tpu.vector_store %arg7[%swap3A], %broadcast_in_dim3A_126 {strides = array<i32>} : memref<43008xi32, #tpu.memory_space<vmem>>, vector<16xi32>,
      %scan3A_130 = arith.constant 0 : i32
      scf.yield %scan3A_130 : i32
    }
    %scan3A_6 = arith.constant 2688 : i32
    %jit3A = arith.constant 0 : i32
    %jit3A_7 = arith.constant 8 : i32
    %div3A = arith.divsi %jit3A, %jit3A_7 : i32
    %sign3A = arith.constant 0 : i32
    %sign3A_8 = arith.cmpi sgt, %jit3A, %sign3A : i32
    %sign3A_9 = arith.extui %sign3A_8 : i1 to i32
    %sign3A_10 = arith.constant 0 : i32
    %sign3A_11 = arith.cmpi slt, %jit3A, %sign3A_10 : i32
    %sign3A_12 = arith.extui %sign3A_11 : i1 to i32
    %sign3A_13 = arith.subi %sign3A_9, %sign3A_12 : i32
    %sign3A_14 = arith.constant 0 : i32
    %sign3A_15 = arith.cmpi sgt, %jit3A_7, %sign3A_14 : i32
    %sign3A_16 = arith.extui %sign3A_15 : i1 to i32
    %sign3A_17 = arith.constant 0 : i32
    %sign3A_18 = arith.cmpi slt, %jit3A_7, %sign3A_17 : i32
    %sign3A_19 = arith.extui %sign3A_18 : i1 to i32
    %sign3A_20 = arith.subi %sign3A_16, %sign3A_19 : i32
    %ne3A = arith.cmpi ne, %sign3A_13, %sign3A_20 : i32
    %rem3A = arith.remsi %jit3A, %jit3A_7 : i32
    %ne3A_21 = arith.constant 0 : i32
    %ne3A_22 = arith.cmpi ne, %rem3A, %ne3A_21 : i32
    %and3A = arith.andi %ne3A, %ne3A_22 : i1
    %sub3A = arith.constant 1 : i32
    %sub3A_23 = arith.subi %div3A, %sub3A : i32
    %select_n3A = arith.select %and3A, %sub3A_23, %div3A : i32
    %mul3A_24 = arith.constant 8 : i32
    %mul3A_25 = arith.muli %add3A, %mul3A_24 : i32
    %jit3A_26 = arith.constant 0 : i32
    %jit3A_27 = arith.constant 8 : i32
    %eq3A = arith.constant 0 : i32
    %eq3A_28 = arith.cmpi eq, %jit3A_27, %eq3A : i32
    %jit3A_29 = arith.constant 1 : i32
    %select_n3A_30 = arith.select %eq3A_28, %jit3A_29, %jit3A_27 : i32
    %rem3A_31 = arith.remsi %jit3A_26, %select_n3A_30 : i32
    %ne3A_32 = arith.constant 0 : i32
    %ne3A_33 = arith.cmpi ne, %rem3A_31, %ne3A_32 : i32
    %lt3A = arith.constant 0 : i32
    %lt3A_34 = arith.cmpi slt, %rem3A_31, %lt3A : i32
    %lt3A_35 = arith.constant 0 : i32
    %lt3A_36 = arith.cmpi slt, %select_n3A_30, %lt3A_35 : i32
    %ne3A_37 = arith.xori %lt3A_34, %lt3A_36 : i1
    %and3A_38 = arith.andi %ne3A_37, %ne3A_33 : i1
    %add3A_39 = arith.addi %rem3A_31, %select_n3A_30 : i32
    %select_n3A_40 = arith.select %and3A_38, %add3A_39, %rem3A_31 : i32
    %add3A_41 = arith.addi %mul3A_25, %select_n3A_40 : i32
    %jit3A_42 = arith.constant 4 : i32
    %div3A_43 = arith.divsi %add3A_41, %jit3A_42 : i32
    %sign3A_44 = arith.constant 0 : i32
    %sign3A_45 = arith.cmpi sgt, %add3A_41, %sign3A_44 : i32
    %sign3A_46 = arith.extui %sign3A_45 : i1 to i32
    %sign3A_47 = arith.constant 0 : i32
    %sign3A_48 = arith.cmpi slt, %add3A_41, %sign3A_47 : i32
    %sign3A_49 = arith.extui %sign3A_48 : i1 to i32
    %sign3A_50 = arith.subi %sign3A_46, %sign3A_49 : i32
    %sign3A_51 = arith.constant 0 : i32
    %sign3A_52 = arith.cmpi sgt, %jit3A_42, %sign3A_51 : i32
    %sign3A_53 = arith.extui %sign3A_52 : i1 to i32
    %sign3A_54 = arith.constant 0 : i32
    %sign3A_55 = arith.cmpi slt, %jit3A_42, %sign3A_54 : i32
    %sign3A_56 = arith.extui %sign3A_55 : i1 to i32
    %sign3A_57 = arith.subi %sign3A_53, %sign3A_56 : i32
    %ne3A_58 = arith.cmpi ne, %sign3A_50, %sign3A_57 : i32
    %rem3A_59 = arith.remsi %add3A_41, %jit3A_42 : i32
    %ne3A_60 = arith.constant 0 : i32
    %ne3A_61 = arith.cmpi ne, %rem3A_59, %ne3A_60 : i32
    %and3A_62 = arith.andi %ne3A_58, %ne3A_61 : i1
    %sub3A_63 = arith.constant 1 : i32
    %sub3A_64 = arith.subi %div3A_43, %sub3A_63 : i32
    %select_n3A_65 = arith.select %and3A_62, %sub3A_64, %div3A_43 : i32
    %mul3A_66 = arith.constant 8 : i32
    %mul3A_67 = arith.muli %select_n3A_65, %mul3A_66 : i32
    %jit3A_68 = arith.constant 4 : i32
    %eq3A_69 = arith.constant 0 : i32
    %eq3A_70 = arith.cmpi eq, %jit3A_68, %eq3A_69 : i32
    %jit3A_71 = arith.constant 1 : i32
    %select_n3A_72 = arith.select %eq3A_70, %jit3A_71, %jit3A_68 : i32
    %rem3A_73 = arith.remsi %add3A_41, %select_n3A_72 : i32
    %ne3A_74 = arith.constant 0 : i32
    %ne3A_75 = arith.cmpi ne, %rem3A_73, %ne3A_74 : i32
    %lt3A_76 = arith.constant 0 : i32
    %lt3A_77 = arith.cmpi slt, %rem3A_73, %lt3A_76 : i32
    %lt3A_78 = arith.constant 0 : i32
    %lt3A_79 = arith.cmpi slt, %select_n3A_72, %lt3A_78 : i32
    %ne3A_80 = arith.xori %lt3A_77, %lt3A_79 : i1
    %and3A_81 = arith.andi %ne3A_80, %ne3A_75 : i1
    %add3A_82 = arith.addi %rem3A_73, %select_n3A_72 : i32
    %select_n3A_83 = arith.select %and3A_81, %add3A_82, %rem3A_73 : i32
    %mul3A_84 = arith.constant 128 : i32
    %mul3A_85 = arith.muli %select_n3A_83, %mul3A_84 : i32
    %dma_start3A = arith.constant 0 : i32
    %dma_start3A_86 = arith.constant 0 : i32
    %dma_start3A_87 = arith.constant 0 : i32
    %dma_start3A_88 = arith.constant 0 : i32
    %dma_start3A_89 = tpu.memref_slice %arg5[%dma_start3A, %dma_start3A_86, %dma_start3A_87, %dma_start3A_88] : memref<2x21x8x128xf32, #tpu.memory_space<vmem>> -> memref<1x21x8x128xf32, #tpu.memory_space<vmem>>
    %dma_start3A_90 = tpu.memref_squeeze %dma_start3A_89 : memref<1x21x8x128xf32, #tpu.memory_space<vmem>> -> memref<21x8x128xf32, #tpu.memory_space<vmem>>
    %dma_start3A_91 = arith.constant 0 : i32
    %dma_start3A_92 = tpu.memref_slice %arg2[%select_n3A, %dma_start3A_91, %mul3A_67, %mul3A_85] : memref<4x21x512x512xf32, #tpu.memory_space<hbm>> -> memref<1x21x8x128xf32, #tpu.memory_space<hbm>>
    %dma_start3A_93 = tpu.memref_squeeze %dma_start3A_92 : memref<1x21x8x128xf32, #tpu.memory_space<hbm>> -> memref<21x8x128xf32, #tpu.memory_space<hbm>>
    %dma_start3A_94 = arith.constant 0 : i32
    %dma_start3A_95 = arith.constant 0 : i32
    %dma_start3A_96 = arith.constant 0 : i32
    %dma_start3A_97 = tpu.memref_slice %arg5[%dma_start3A, %dma_start3A_94, %dma_start3A_95, %dma_start3A_96] : memref<2x21x8x128xf32, #tpu.memory_space<vmem>> -> memref<1x21x8x128xf32, #tpu.memory_space<vmem>>
    %dma_start3A_98 = tpu.memref_squeeze %dma_start3A_97 : memref<1x21x8x128xf32, #tpu.memory_space<vmem>> -> memref<21x8x128xf32, #tpu.memory_space<vmem>>
    %dma_start3A_99 = arith.constant 0 : i32
    %dma_start3A_100 = tpu.memref_slice %arg2[%select_n3A, %dma_start3A_99, %mul3A_67, %mul3A_85] : memref<4x21x512x512xf32, #tpu.memory_space<hbm>> -> memref<1x21x8x128xf32, #tpu.memory_space<hbm>>
    %dma_start3A_101 = tpu.memref_squeeze %dma_start3A_100 : memref<1x21x8x128xf32, #tpu.memory_space<hbm>> -> memref<21x8x128xf32, #tpu.memory_space<hbm>>
    tpu.enqueue_dma source(%dma_start3A_101 : memref<21x8x128xf32, #tpu.memory_space<hbm>>) target(%dma_start3A_98 : memref<21x8x128xf32, #tpu.memory_space<vmem>>) target_semaphore(%arg8 : memref<!tpu.dma_semaphore, #tpu.memory_space<semaphore_mem>>)
    %dma_start3A_102 = arith.constant 0 : i32
    %dma_start3A_103 = arith.constant 0 : i32
    %dma_start3A_104 = arith.constant 0 : i32
    %dma_start3A_105 = tpu.memref_slice %arg6[%dma_start3A_102, %dma_start3A_103, %dma_start3A_104] : memref<2x8x128xi32, #tpu.memory_space<vmem>> -> memref<1x8x128xi32, #tpu.memory_space<vmem>>
    %dma_start3A_106 = tpu.memref_squeeze %dma_start3A_105 : memref<1x8x128xi32, #tpu.memory_space<vmem>> -> memref<8x128xi32, #tpu.memory_space<vmem>>
    %dma_start3A_107 = tpu.memref_slice %arg3[%select_n3A, %mul3A_67, %mul3A_85] : memref<4x512x512xi32, #tpu.memory_space<hbm>> -> memref<1x8x128xi32, #tpu.memory_space<hbm>>
    %dma_start3A_108 = tpu.memref_squeeze %dma_start3A_107 : memref<1x8x128xi32, #tpu.memory_space<hbm>> -> memref<8x128xi32, #tpu.memory_space<hbm>>
    %dma_start3A_109 = arith.constant 0 : i32
    %dma_start3A_110 = arith.constant 0 : i32
    %dma_start3A_111 = tpu.memref_slice %arg6[%dma_start3A_102, %dma_start3A_109, %dma_start3A_110] : memref<2x8x128xi32, #tpu.memory_space<vmem>> -> memref<1x8x128xi32, #tpu.memory_space<vmem>>
    %dma_start3A_112 = tpu.memref_squeeze %dma_start3A_111 : memref<1x8x128xi32, #tpu.memory_space<vmem>> -> memref<8x128xi32, #tpu.memory_space<vmem>>
    %dma_start3A_113 = tpu.memref_slice %arg3[%select_n3A, %mul3A_67, %mul3A_85] : memref<4x512x512xi32, #tpu.memory_space<hbm>> -> memref<1x8x128xi32, #tpu.memory_space<hbm>>
    %dma_start3A_114 = tpu.memref_squeeze %dma_start3A_113 : memref<1x8x128xi32, #tpu.memory_space<hbm>> -> memref<8x128xi32, #tpu.memory_space<hbm>>
    tpu.enqueue_dma source(%dma_start3A_114 : memref<8x128xi32, #tpu.memory_space<hbm>>) target(%dma_start3A_112 : memref<8x128xi32, #tpu.memory_space<vmem>>) target_semaphore(%arg8 : memref<!tpu.dma_semaphore, #tpu.memory_space<semaphore_mem>>)
    %scan3A_115 = arith.constant 0 : i32
    %scan3A_116 = arith.constant 0 : i32
    %scan3A_117 = arith.constant 16 : i32
    %scan3A_118 = arith.addi %scan3A_116, %scan3A_117 : i32
    %scan3A_119 = arith.constant 1 : i32
    %scan3A_120 = scf.for %scan3A_124 = %scan3A_116 to %scan3A_118 step %scan3A_119 iter_args(%scan3A_125 = %scan3A_115) -> (i32)  : i32 {
      %mul3A_126 = arith.constant 2 : i32
      %mul3A_127 = arith.muli %scan3A_124, %mul3A_126 : i32
      %add3A_128 = arith.constant 1 : i32
      %add3A_129 = arith.addi %mul3A_127, %add3A_128 : i32
      %jit3A_130 = arith.constant 8 : i32
      %div3A_131 = arith.divsi %add3A_129, %jit3A_130 : i32
      %sign3A_132 = arith.constant 0 : i32
      %sign3A_133 = arith.cmpi sgt, %add3A_129, %sign3A_132 : i32
      %sign3A_134 = arith.extui %sign3A_133 : i1 to i32
      %sign3A_135 = arith.constant 0 : i32
      %sign3A_136 = arith.cmpi slt, %add3A_129, %sign3A_135 : i32
      %sign3A_137 = arith.extui %sign3A_136 : i1 to i32
      %sign3A_138 = arith.subi %sign3A_134, %sign3A_137 : i32
      %sign3A_139 = arith.constant 0 : i32
      %sign3A_140 = arith.cmpi sgt, %jit3A_130, %sign3A_139 : i32
      %sign3A_141 = arith.extui %sign3A_140 : i1 to i32
      %sign3A_142 = arith.constant 0 : i32
      %sign3A_143 = arith.cmpi slt, %jit3A_130, %sign3A_142 : i32
      %sign3A_144 = arith.extui %sign3A_143 : i1 to i32
      %sign3A_145 = arith.subi %sign3A_141, %sign3A_144 : i32
      %ne3A_146 = arith.cmpi ne, %sign3A_138, %sign3A_145 : i32
      %rem3A_147 = arith.remsi %add3A_129, %jit3A_130 : i32
      %ne3A_148 = arith.constant 0 : i32
      %ne3A_149 = arith.cmpi ne, %rem3A_147, %ne3A_148 : i32
      %and3A_150 = arith.andi %ne3A_146, %ne3A_149 : i1
      %sub3A_151 = arith.constant 1 : i32
      %sub3A_152 = arith.subi %div3A_131, %sub3A_151 : i32
      %select_n3A_153 = arith.select %and3A_150, %sub3A_152, %div3A_131 : i32
      %mul3A_154 = arith.constant 8 : i32
      %mul3A_155 = arith.muli %add3A, %mul3A_154 : i32
      %jit3A_156 = arith.constant 8 : i32
      %eq3A_157 = arith.constant 0 : i32
      %eq3A_158 = arith.cmpi eq, %jit3A_156, %eq3A_157 : i32
      %jit3A_159 = arith.constant 1 : i32
      %select_n3A_160 = arith.select %eq3A_158, %jit3A_159, %jit3A_156 : i32
      %rem3A_161 = arith.remsi %add3A_129, %select_n3A_160 : i32
      %ne3A_162 = arith.constant 0 : i32
      %ne3A_163 = arith.cmpi ne, %rem3A_161, %ne3A_162 : i32
      %lt3A_164 = arith.constant 0 : i32
      %lt3A_165 = arith.cmpi slt, %rem3A_161, %lt3A_164 : i32
      %lt3A_166 = arith.constant 0 : i32
      %lt3A_167 = arith.cmpi slt, %select_n3A_160, %lt3A_166 : i32
      %ne3A_168 = arith.xori %lt3A_165, %lt3A_167 : i1
      %and3A_169 = arith.andi %ne3A_168, %ne3A_163 : i1
      %add3A_170 = arith.addi %rem3A_161, %select_n3A_160 : i32
      %select_n3A_171 = arith.select %and3A_169, %add3A_170, %rem3A_161 : i32
      %add3A_172 = arith.addi %mul3A_155, %select_n3A_171 : i32
      %jit3A_173 = arith.constant 4 : i32
      %div3A_174 = arith.divsi %add3A_172, %jit3A_173 : i32
      %sign3A_175 = arith.constant 0 : i32
      %sign3A_176 = arith.cmpi sgt, %add3A_172, %sign3A_175 : i32
      %sign3A_177 = arith.extui %sign3A_176 : i1 to i32
      %sign3A_178 = arith.constant 0 : i32
      %sign3A_179 = arith.cmpi slt, %add3A_172, %sign3A_178 : i32
      %sign3A_180 = arith.extui %sign3A_179 : i1 to i32
      %sign3A_181 = arith.subi %sign3A_177, %sign3A_180 : i32
      %sign3A_182 = arith.constant 0 : i32
      %sign3A_183 = arith.cmpi sgt, %jit3A_173, %sign3A_182 : i32
      %sign3A_184 = arith.extui %sign3A_183 : i1 to i32
      %sign3A_185 = arith.constant 0 : i32
      %sign3A_186 = arith.cmpi slt, %jit3A_173, %sign3A_185 : i32
      %sign3A_187 = arith.extui %sign3A_186 : i1 to i32
      %sign3A_188 = arith.subi %sign3A_184, %sign3A_187 : i32
      %ne3A_189 = arith.cmpi ne, %sign3A_181, %sign3A_188 : i32
      %rem3A_190 = arith.remsi %add3A_172, %jit3A_173 : i32
      %ne3A_191 = arith.constant 0 : i32
      %ne3A_192 = arith.cmpi ne, %rem3A_190, %ne3A_191 : i32
      %and3A_193 = arith.andi %ne3A_189, %ne3A_192 : i1
      %sub3A_194 = arith.constant 1 : i32
      %sub3A_195 = arith.subi %div3A_174, %sub3A_194 : i32
      %select_n3A_196 = arith.select %and3A_193, %sub3A_195, %div3A_174 : i32
      %mul3A_197 = arith.constant 8 : i32
      %mul3A_198 = arith.muli %select_n3A_196, %mul3A_197 : i32
      %jit3A_199 = arith.constant 4 : i32
      %eq3A_200 = arith.constant 0 : i32
      %eq3A_201 = arith.cmpi eq, %jit3A_199, %eq3A_200 : i32
      %jit3A_202 = arith.constant 1 : i32
      %select_n3A_203 = arith.select %eq3A_201, %jit3A_202, %jit3A_199 : i32
      %rem3A_204 = arith.remsi %add3A_172, %select_n3A_203 : i32
      %ne3A_205 = arith.constant 0 : i32
      %ne3A_206 = arith.cmpi ne, %rem3A_204, %ne3A_205 : i32
      %lt3A_207 = arith.constant 0 : i32
      %lt3A_208 = arith.cmpi slt, %rem3A_204, %lt3A_207 : i32
      %lt3A_209 = arith.constant 0 : i32
      %lt3A_210 = arith.cmpi slt, %select_n3A_203, %lt3A_209 : i32
      %ne3A_211 = arith.xori %lt3A_208, %lt3A_210 : i1
      %and3A_212 = arith.andi %ne3A_211, %ne3A_206 : i1
      %add3A_213 = arith.addi %rem3A_204, %select_n3A_203 : i32
      %select_n3A_214 = arith.select %and3A_212, %add3A_213, %rem3A_204 : i32
      %mul3A_215 = arith.constant 128 : i32
      %mul3A_216 = arith.muli %select_n3A_214, %mul3A_215 : i32
      %dma_start3A_217 = arith.constant 1 : i32
      %dma_start3A_218 = arith.constant 0 : i32
      %dma_start3A_219 = arith.constant 0 : i32
      %dma_start3A_220 = arith.constant 0 : i32
      %dma_start3A_221 = tpu.memref_slice %arg5[%dma_start3A_217, %dma_start3A_218, %dma_start3A_219, %dma_start3A_220] : memref<2x21x8x128xf32, #tpu.memory_space<vmem>> -> memref<1x21x8x128xf32, #tpu.memory_space<vmem>>
      %dma_start3A_222 = tpu.memref_squeeze %dma_start3A_221 : memref<1x21x8x128xf32, #tpu.memory_space<vmem>> -> memref<21x8x128xf32, #tpu.memory_space<vmem>>
      %dma_start3A_223 = arith.constant 0 : i32
      %dma_start3A_224 = tpu.memref_slice %arg2[%select_n3A_153, %dma_start3A_223, %mul3A_198, %mul3A_216] : memref<4x21x512x512xf32, #tpu.memory_space<hbm>> -> memref<1x21x8x128xf32, #tpu.memory_space<hbm>>
      %dma_start3A_225 = tpu.memref_squeeze %dma_start3A_224 : memref<1x21x8x128xf32, #tpu.memory_space<hbm>> -> memref<21x8x128xf32, #tpu.memory_space<hbm>>
      %dma_start3A_226 = arith.constant 0 : i32
      %dma_start3A_227 = arith.constant 0 : i32
      %dma_start3A_228 = arith.constant 0 : i32
      %dma_start3A_229 = tpu.memref_slice %arg5[%dma_start3A_217, %dma_start3A_226, %dma_start3A_227, %dma_start3A_228] : memref<2x21x8x128xf32, #tpu.memory_space<vmem>> -> memref<1x21x8x128xf32, #tpu.memory_space<vmem>>
      %dma_start3A_230 = tpu.memref_squeeze %dma_start3A_229 : memref<1x21x8x128xf32, #tpu.memory_space<vmem>> -> memref<21x8x128xf32, #tpu.memory_space<vmem>>
      %dma_start3A_231 = arith.constant 0 : i32
      %dma_start3A_232 = tpu.memref_slice %arg2[%select_n3A_153, %dma_start3A_231, %mul3A_198, %mul3A_216] : memref<4x21x512x512xf32, #tpu.memory_space<hbm>> -> memref<1x21x8x128xf32, #tpu.memory_space<hbm>>
      %dma_start3A_233 = tpu.memref_squeeze %dma_start3A_232 : memref<1x21x8x128xf32, #tpu.memory_space<hbm>> -> memref<21x8x128xf32, #tpu.memory_space<hbm>>
      tpu.enqueue_dma source(%dma_start3A_233 : memref<21x8x128xf32, #tpu.memory_space<hbm>>) target(%dma_start3A_230 : memref<21x8x128xf32, #tpu.memory_space<vmem>>) target_semaphore(%arg9 : memref<!tpu.dma_semaphore, #tpu.memory_space<semaphore_mem>>)
      %dma_start3A_234 = arith.constant 1 : i32
      %dma_start3A_235 = arith.constant 0 : i32
      %dma_start3A_236 = arith.constant 0 : i32
      %dma_start3A_237 = tpu.memref_slice %arg6[%dma_start3A_234, %dma_start3A_235, %dma_start3A_236] : memref<2x8x128xi32, #tpu.memory_space<vmem>> -> memref<1x8x128xi32, #tpu.memory_space<vmem>>
      %dma_start3A_238 = tpu.memref_squeeze %dma_start3A_237 : memref<1x8x128xi32, #tpu.memory_space<vmem>> -> memref<8x128xi32, #tpu.memory_space<vmem>>
      %dma_start3A_239 = tpu.memref_slice %arg3[%select_n3A_153, %mul3A_198, %mul3A_216] : memref<4x512x512xi32, #tpu.memory_space<hbm>> -> memref<1x8x128xi32, #tpu.memory_space<hbm>>
      %dma_start3A_240 = tpu.memref_squeeze %dma_start3A_239 : memref<1x8x128xi32, #tpu.memory_space<hbm>> -> memref<8x128xi32, #tpu.memory_space<hbm>>
      %dma_start3A_241 = arith.constant 0 : i32
      %dma_start3A_242 = arith.constant 0 : i32
      %dma_start3A_243 = tpu.memref_slice %arg6[%dma_start3A_234, %dma_start3A_241, %dma_start3A_242] : memref<2x8x128xi32, #tpu.memory_space<vmem>> -> memref<1x8x128xi32, #tpu.memory_space<vmem>>
      %dma_start3A_244 = tpu.memref_squeeze %dma_start3A_243 : memref<1x8x128xi32, #tpu.memory_space<vmem>> -> memref<8x128xi32, #tpu.memory_space<vmem>>
      %dma_start3A_245 = tpu.memref_slice %arg3[%select_n3A_153, %mul3A_198, %mul3A_216] : memref<4x512x512xi32, #tpu.memory_space<hbm>> -> memref<1x8x128xi32, #tpu.memory_space<hbm>>
      %dma_start3A_246 = tpu.memref_squeeze %dma_start3A_245 : memref<1x8x128xi32, #tpu.memory_space<hbm>> -> memref<8x128xi32, #tpu.memory_space<hbm>>
      tpu.enqueue_dma source(%dma_start3A_246 : memref<8x128xi32, #tpu.memory_space<hbm>>) target(%dma_start3A_244 : memref<8x128xi32, #tpu.memory_space<vmem>>) target_semaphore(%arg9 : memref<!tpu.dma_semaphore, #tpu.memory_space<semaphore_mem>>)
      %dma_wait3A = arith.constant 0 : i32
      %dma_wait3A_247 = arith.constant 0 : i32
      %dma_wait3A_248 = arith.constant 0 : i32
      %dma_wait3A_249 = arith.constant 0 : i32
      %dma_wait3A_250 = arith.constant 0 : i32
      %dma_wait3A_251 = tpu.memref_slice %arg5[%dma_wait3A_247, %dma_wait3A_248, %dma_wait3A_249, %dma_wait3A_250] : memref<2x21x8x128xf32, #tpu.memory_space<vmem>> -> memref<1x21x8x128xf32, #tpu.memory_space<vmem>>
      %dma_wait3A_252 = tpu.memref_squeeze %dma_wait3A_251 : memref<1x21x8x128xf32, #tpu.memory_space<vmem>> -> memref<21x8x128xf32, #tpu.memory_space<vmem>>
      %dma_wait3A_253 = arith.constant 0 : i32
      %dma_wait3A_254 = arith.constant 0 : i32
      %dma_wait3A_255 = arith.constant 0 : i32
      %dma_wait3A_256 = tpu.memref_slice %arg2[%dma_wait3A, %dma_wait3A_253, %dma_wait3A_254, %dma_wait3A_255] : memref<4x21x512x512xf32, #tpu.memory_space<hbm>> -> memref<1x21x8x128xf32, #tpu.memory_space<hbm>>
      %dma_wait3A_257 = tpu.memref_squeeze %dma_wait3A_256 : memref<1x21x8x128xf32, #tpu.memory_space<hbm>> -> memref<21x8x128xf32, #tpu.memory_space<hbm>>
      %dma_wait3A_258 = arith.constant 0 : i32
      %dma_wait3A_259 = arith.constant 0 : i32
      %dma_wait3A_260 = arith.constant 0 : i32
      %dma_wait3A_261 = tpu.memref_slice %arg5[%dma_wait3A_247, %dma_wait3A_258, %dma_wait3A_259, %dma_wait3A_260] : memref<2x21x8x128xf32, #tpu.memory_space<vmem>> -> memref<1x21x8x128xf32, #tpu.memory_space<vmem>>
      %dma_wait3A_262 = tpu.memref_squeeze %dma_wait3A_261 : memref<1x21x8x128xf32, #tpu.memory_space<vmem>> -> memref<21x8x128xf32, #tpu.memory_space<vmem>>
      %dma_wait3A_263 = arith.constant 0 : i32
      %dma_wait3A_264 = arith.constant 0 : i32
      %dma_wait3A_265 = arith.constant 0 : i32
      %dma_wait3A_266 = tpu.memref_slice %arg2[%dma_wait3A, %dma_wait3A_263, %dma_wait3A_264, %dma_wait3A_265] : memref<4x21x512x512xf32, #tpu.memory_space<hbm>> -> memref<1x21x8x128xf32, #tpu.memory_space<hbm>>
      %dma_wait3A_267 = tpu.memref_squeeze %dma_wait3A_266 : memref<1x21x8x128xf32, #tpu.memory_space<hbm>> -> memref<21x8x128xf32, #tpu.memory_space<hbm>>
      tpu.wait_dma2 semaphore(%arg8 : memref<!tpu.dma_semaphore, #tpu.memory_space<semaphore_mem>>) src(%dma_wait3A_267 : memref<21x8x128xf32, #tpu.memory_space<hbm>>) dst(%dma_wait3A_262 : memref<21x8x128xf32, #tpu.memory_space<vmem>>)
      %dma_wait3A_268 = arith.constant 0 : i32
      %dma_wait3A_269 = arith.constant 0 : i32
      %dma_wait3A_270 = arith.constant 0 : i32
      %dma_wait3A_271 = arith.constant 0 : i32
      %dma_wait3A_272 = tpu.memref_slice %arg6[%dma_wait3A_269, %dma_wait3A_270, %dma_wait3A_271] : memref<2x8x128xi32, #tpu.memory_space<vmem>> -> memref<1x8x128xi32, #tpu.memory_space<vmem>>
      %dma_wait3A_273 = tpu.memref_squeeze %dma_wait3A_272 : memref<1x8x128xi32, #tpu.memory_space<vmem>> -> memref<8x128xi32, #tpu.memory_space<vmem>>
      %dma_wait3A_274 = arith.constant 0 : i32
      %dma_wait3A_275 = arith.constant 0 : i32
      %dma_wait3A_276 = tpu.memref_slice %arg3[%dma_wait3A_268, %dma_wait3A_274, %dma_wait3A_275] : memref<4x512x512xi32, #tpu.memory_space<hbm>> -> memref<1x8x128xi32, #tpu.memory_space<hbm>>
      %dma_wait3A_277 = tpu.memref_squeeze %dma_wait3A_276 : memref<1x8x128xi32, #tpu.memory_space<hbm>> -> memref<8x128xi32, #tpu.memory_space<hbm>>
      %dma_wait3A_278 = arith.constant 0 : i32
      %dma_wait3A_279 = arith.constant 0 : i32
      %dma_wait3A_280 = tpu.memref_slice %arg6[%dma_wait3A_269, %dma_wait3A_278, %dma_wait3A_279] : memref<2x8x128xi32, #tpu.memory_space<vmem>> -> memref<1x8x128xi32, #tpu.memory_space<vmem>>
      %dma_wait3A_281 = tpu.memref_squeeze %dma_wait3A_280 : memref<1x8x128xi32, #tpu.memory_space<vmem>> -> memref<8x128xi32, #tpu.memory_space<vmem>>
      %dma_wait3A_282 = arith.constant 0 : i32
      %dma_wait3A_283 = arith.constant 0 : i32
      %dma_wait3A_284 = tpu.memref_slice %arg3[%dma_wait3A_268, %dma_wait3A_282, %dma_wait3A_283] : memref<4x512x512xi32, #tpu.memory_space<hbm>> -> memref<1x8x128xi32, #tpu.memory_space<hbm>>
      %dma_wait3A_285 = tpu.memref_squeeze %dma_wait3A_284 : memref<1x8x128xi32, #tpu.memory_space<hbm>> -> memref<8x128xi32, #tpu.memory_space<hbm>>
      tpu.wait_dma2 semaphore(%arg8 : memref<!tpu.dma_semaphore, #tpu.memory_space<semaphore_mem>>) src(%dma_wait3A_285 : memref<8x128xi32, #tpu.memory_space<hbm>>) dst(%dma_wait3A_281 : memref<8x128xi32, #tpu.memory_space<vmem>>)
      %broadcast_in_dim3A = arith.constant 1 : i32
      %broadcast_in_dim3A_286 = vector.broadcast %broadcast_in_dim3A : i32 to vector<16xi32>
      %scan3A_287 = arith.constant 0 : i32
      %scan3A_288 = arith.constant 0 : i32
      %scan3A_289 = arith.constant 32 : i32
      %scan3A_290 = arith.addi %scan3A_288, %scan3A_289 : i32
      %scan3A_291 = arith.constant 1 : i32
      %scan3A_292 = scf.for %scan3A_349 = %scan3A_288 to %scan3A_290 step %scan3A_291 iter_args(%scan3A_350 = %scan3A_287) -> (i32)  : i32 {
        %jit3A_351 = arith.constant 4 : i32
        %div3A_352 = arith.divsi %scan3A_349, %jit3A_351 : i32
        %sign3A_353 = arith.constant 0 : i32
        %sign3A_354 = arith.cmpi sgt, %scan3A_349, %sign3A_353 : i32
        %sign3A_355 = arith.extui %sign3A_354 : i1 to i32
        %sign3A_356 = arith.constant 0 : i32
        %sign3A_357 = arith.cmpi slt, %scan3A_349, %sign3A_356 : i32
        %sign3A_358 = arith.extui %sign3A_357 : i1 to i32
        %sign3A_359 = arith.subi %sign3A_355, %sign3A_358 : i32
        %sign3A_360 = arith.constant 0 : i32
        %sign3A_361 = arith.cmpi sgt, %jit3A_351, %sign3A_360 : i32
        %sign3A_362 = arith.extui %sign3A_361 : i1 to i32
        %sign3A_363 = arith.constant 0 : i32
        %sign3A_364 = arith.cmpi slt, %jit3A_351, %sign3A_363 : i32
        %sign3A_365 = arith.extui %sign3A_364 : i1 to i32
        %sign3A_366 = arith.subi %sign3A_362, %sign3A_365 : i32
        %ne3A_367 = arith.cmpi ne, %sign3A_359, %sign3A_366 : i32
        %rem3A_368 = arith.remsi %scan3A_349, %jit3A_351 : i32
        %ne3A_369 = arith.constant 0 : i32
        %ne3A_370 = arith.cmpi ne, %rem3A_368, %ne3A_369 : i32
        %and3A_371 = arith.andi %ne3A_367, %ne3A_370 : i1
        %sub3A_372 = arith.constant 1 : i32
        %sub3A_373 = arith.subi %div3A_352, %sub3A_372 : i32
        %select_n3A_374 = arith.select %and3A_371, %sub3A_373, %div3A_352 : i32
        %jit3A_375 = arith.constant 4 : i32
        %eq3A_376 = arith.constant 0 : i32
        %eq3A_377 = arith.cmpi eq, %jit3A_375, %eq3A_376 : i32
        %jit3A_378 = arith.constant 1 : i32
        %select_n3A_379 = arith.select %eq3A_377, %jit3A_378, %jit3A_375 : i32
        %rem3A_380 = arith.remsi %scan3A_349, %select_n3A_379 : i32
        %ne3A_381 = arith.constant 0 : i32
        %ne3A_382 = arith.cmpi ne, %rem3A_380, %ne3A_381 : i32
        %lt3A_383 = arith.constant 0 : i32
        %lt3A_384 = arith.cmpi slt, %rem3A_380, %lt3A_383 : i32
        %lt3A_385 = arith.constant 0 : i32
        %lt3A_386 = arith.cmpi slt, %select_n3A_379, %lt3A_385 : i32
        %ne3A_387 = arith.xori %lt3A_384, %lt3A_386 : i1
        %and3A_388 = arith.andi %ne3A_387, %ne3A_382 : i1
        %add3A_389 = arith.addi %rem3A_380, %select_n3A_379 : i32
        %select_n3A_390 = arith.select %and3A_388, %add3A_389, %rem3A_380 : i32
        %mul3A_391 = arith.constant 32 : i32
        %mul3A_392 = arith.muli %select_n3A_390, %mul3A_391 : i32
        %add3A_393 = arith.constant 0 : i32
        %add3A_394 = arith.addi %mul3A_392, %add3A_393 : i32
        %broadcast_in_dim3A_395 = arith.constant 0.000000e+00 : f32
        %broadcast_in_dim3A_396 = vector.broadcast %broadcast_in_dim3A_395 : f32 to vector<16xf32>
        %get3A = arith.constant 0 : i32
        %get3A_397 = arith.constant 0 : i32
        %get3A_398 = arith.index_cast %get3A : i32 to index
        %get3A_399 = arith.index_cast %get3A_397 : i32 to index
        %get3A_400 = arith.index_cast %select_n3A_374 : i32 to index
        %get3A_401 = arith.index_cast %add3A_394 : i32 to index
        %get3A_402 = tpu.vector_load %arg5[%get3A_398, %get3A_399, %get3A_400, %get3A_401] {strides = array<i32>} : memref<2x21x8x128xf32, #tpu.memory_space<vmem>>, vector<16xf32>,
        %exp3A = math.exp %get3A_402 : vector<16xf32>
        %add3A_403 = arith.addf %broadcast_in_dim3A_396, %exp3A : vector<16xf32>
        %get3A_404 = arith.constant 0 : i32
        %get3A_405 = arith.constant 1 : i32
        %get3A_406 = arith.index_cast %get3A_404 : i32 to index
        %get3A_407 = arith.index_cast %get3A_405 : i32 to index
        %get3A_408 = arith.index_cast %select_n3A_374 : i32 to index
        %get3A_409 = arith.index_cast %add3A_394 : i32 to index
        %get3A_410 = tpu.vector_load %arg5[%get3A_406, %get3A_407, %get3A_408, %get3A_409] {strides = array<i32>} : memref<2x21x8x128xf32, #tpu.memory_space<vmem>>, vector<16xf32>,
        %exp3A_411 = math.exp %get3A_410 : vector<16xf32>
        %add3A_412 = arith.addf %add3A_403, %exp3A_411 : vector<16xf32>
        %get3A_413 = arith.constant 0 : i32
        %get3A_414 = arith.constant 2 : i32
        %get3A_415 = arith.index_cast %get3A_413 : i32 to index
        %get3A_416 = arith.index_cast %get3A_414 : i32 to index
        %get3A_417 = arith.index_cast %select_n3A_374 : i32 to index
        %get3A_418 = arith.index_cast %add3A_394 : i32 to index
        %get3A_419 = tpu.vector_load %arg5[%get3A_415, %get3A_416, %get3A_417, %get3A_418] {strides = array<i32>} : memref<2x21x8x128xf32, #tpu.memory_space<vmem>>, vector<16xf32>,
        %exp3A_420 = math.exp %get3A_419 : vector<16xf32>
        %add3A_421 = arith.addf %add3A_412, %exp3A_420 : vector<16xf32>
        %get3A_422 = arith.constant 0 : i32
        %get3A_423 = arith.constant 3 : i32
        %get3A_424 = arith.index_cast %get3A_422 : i32 to index
        %get3A_425 = arith.index_cast %get3A_423 : i32 to index
        %get3A_426 = arith.index_cast %select_n3A_374 : i32 to index
        %get3A_427 = arith.index_cast %add3A_394 : i32 to index
        %get3A_428 = tpu.vector_load %arg5[%get3A_424, %get3A_425, %get3A_426, %get3A_427] {strides = array<i32>} : memref<2x21x8x128xf32, #tpu.memory_space<vmem>>, vector<16xf32>,
        %exp3A_429 = math.exp %get3A_428 : vector<16xf32>
        %add3A_430 = arith.addf %add3A_421, %exp3A_429 : vector<16xf32>
        %get3A_431 = arith.constant 0 : i32
        %get3A_432 = arith.constant 4 : i32
        %get3A_433 = arith.index_cast %get3A_431 : i32 to index
        %get3A_434 = arith.index_cast %get3A_432 : i32 to index
        %get3A_435 = arith.index_cast %select_n3A_374 : i32 to index
        %get3A_436 = arith.index_cast %add3A_394 : i32 to index
        %get3A_437 = tpu.vector_load %arg5[%get3A_433, %get3A_434, %get3A_435, %get3A_436] {strides = array<i32>} : memref<2x21x8x128xf32, #tpu.memory_space<vmem>>, vector<16xf32>,
        %exp3A_438 = math.exp %get3A_437 : vector<16xf32>
        %add3A_439 = arith.addf %add3A_430, %exp3A_438 : vector<16xf32>
        %get3A_440 = arith.constant 0 : i32
        %get3A_441 = arith.constant 5 : i32
        %get3A_442 = arith.index_cast %get3A_440 : i32 to index
        %get3A_443 = arith.index_cast %get3A_441 : i32 to index
        %get3A_444 = arith.index_cast %select_n3A_374 : i32 to index
        %get3A_445 = arith.index_cast %add3A_394 : i32 to index
        %get3A_446 = tpu.vector_load %arg5[%get3A_442, %get3A_443, %get3A_444, %get3A_445] {strides = array<i32>} : memref<2x21x8x128xf32, #tpu.memory_space<vmem>>, vector<16xf32>,
        %exp3A_447 = math.exp %get3A_446 : vector<16xf32>
        %add3A_448 = arith.addf %add3A_439, %exp3A_447 : vector<16xf32>
        %get3A_449 = arith.constant 0 : i32
        %get3A_450 = arith.constant 6 : i32
        %get3A_451 = arith.index_cast %get3A_449 : i32 to index
        %get3A_452 = arith.index_cast %get3A_450 : i32 to index
        %get3A_453 = arith.index_cast %select_n3A_374 : i32 to index
        %get3A_454 = arith.index_cast %add3A_394 : i32 to index
        %get3A_455 = tpu.vector_load %arg5[%get3A_451, %get3A_452, %get3A_453, %get3A_454] {strides = array<i32>} : memref<2x21x8x128xf32, #tpu.memory_space<vmem>>, vector<16xf32>,
        %exp3A_456 = math.exp %get3A_455 : vector<16xf32>
        %add3A_457 = arith.addf %add3A_448, %exp3A_456 : vector<16xf32>
        %get3A_458 = arith.constant 0 : i32
        %get3A_459 = arith.constant 7 : i32
        %get3A_460 = arith.index_cast %get3A_458 : i32 to index
        %get3A_461 = arith.index_cast %get3A_459 : i32 to index
        %get3A_462 = arith.index_cast %select_n3A_374 : i32 to index
        %get3A_463 = arith.index_cast %add3A_394 : i32 to index
        %get3A_464 = tpu.vector_load %arg5[%get3A_460, %get3A_461, %get3A_462, %get3A_463] {strides = array<i32>} : memref<2x21x8x128xf32, #tpu.memory_space<vmem>>, vector<16xf32>,
        %exp3A_465 = math.exp %get3A_464 : vector<16xf32>
        %add3A_466 = arith.addf %add3A_457, %exp3A_465 : vector<16xf32>
        %get3A_467 = arith.constant 0 : i32
        %get3A_468 = arith.constant 8 : i32
        %get3A_469 = arith.index_cast %get3A_467 : i32 to index
        %get3A_470 = arith.index_cast %get3A_468 : i32 to index
        %get3A_471 = arith.index_cast %select_n3A_374 : i32 to index
        %get3A_472 = arith.index_cast %add3A_394 : i32 to index
        %get3A_473 = tpu.vector_load %arg5[%get3A_469, %get3A_470, %get3A_471, %get3A_472] {strides = array<i32>} : memref<2x21x8x128xf32, #tpu.memory_space<vmem>>, vector<16xf32>,
        %exp3A_474 = math.exp %get3A_473 : vector<16xf32>
        %add3A_475 = arith.addf %add3A_466, %exp3A_474 : vector<16xf32>
        %get3A_476 = arith.constant 0 : i32
        %get3A_477 = arith.constant 9 : i32
        %get3A_478 = arith.index_cast %get3A_476 : i32 to index
        %get3A_479 = arith.index_cast %get3A_477 : i32 to index
        %get3A_480 = arith.index_cast %select_n3A_374 : i32 to index
        %get3A_481 = arith.index_cast %add3A_394 : i32 to index
        %get3A_482 = tpu.vector_load %arg5[%get3A_478, %get3A_479, %get3A_480, %get3A_481] {strides = array<i32>} : memref<2x21x8x128xf32, #tpu.memory_space<vmem>>, vector<16xf32>,
        %exp3A_483 = math.exp %get3A_482 : vector<16xf32>
        %add3A_484 = arith.addf %add3A_475, %exp3A_483 : vector<16xf32>
        %get3A_485 = arith.constant 0 : i32
        %get3A_486 = arith.constant 10 : i32
        %get3A_487 = arith.index_cast %get3A_485 : i32 to index
        %get3A_488 = arith.index_cast %get3A_486 : i32 to index
        %get3A_489 = arith.index_cast %select_n3A_374 : i32 to index
        %get3A_490 = arith.index_cast %add3A_394 : i32 to index
        %get3A_491 = tpu.vector_load %arg5[%get3A_487, %get3A_488, %get3A_489, %get3A_490] {strides = array<i32>} : memref<2x21x8x128xf32, #tpu.memory_space<vmem>>, vector<16xf32>,
        %exp3A_492 = math.exp %get3A_491 : vector<16xf32>
        %add3A_493 = arith.addf %add3A_484, %exp3A_492 : vector<16xf32>
        %get3A_494 = arith.constant 0 : i32
        %get3A_495 = arith.constant 11 : i32
        %get3A_496 = arith.index_cast %get3A_494 : i32 to index
        %get3A_497 = arith.index_cast %get3A_495 : i32 to index
        %get3A_498 = arith.index_cast %select_n3A_374 : i32 to index
        %get3A_499 = arith.index_cast %add3A_394 : i32 to index
        %get3A_500 = tpu.vector_load %arg5[%get3A_496, %get3A_497, %get3A_498, %get3A_499] {strides = array<i32>} : memref<2x21x8x128xf32, #tpu.memory_space<vmem>>, vector<16xf32>,
        %exp3A_501 = math.exp %get3A_500 : vector<16xf32>
        %add3A_502 = arith.addf %add3A_493, %exp3A_501 : vector<16xf32>
        %get3A_503 = arith.constant 0 : i32
        %get3A_504 = arith.constant 12 : i32
        %get3A_505 = arith.index_cast %get3A_503 : i32 to index
        %get3A_506 = arith.index_cast %get3A_504 : i32 to index
        %get3A_507 = arith.index_cast %select_n3A_374 : i32 to index
        %get3A_508 = arith.index_cast %add3A_394 : i32 to index
        %get3A_509 = tpu.vector_load %arg5[%get3A_505, %get3A_506, %get3A_507, %get3A_508] {strides = array<i32>} : memref<2x21x8x128xf32, #tpu.memory_space<vmem>>, vector<16xf32>,
        %exp3A_510 = math.exp %get3A_509 : vector<16xf32>
        %add3A_511 = arith.addf %add3A_502, %exp3A_510 : vector<16xf32>
        %get3A_512 = arith.constant 0 : i32
        %get3A_513 = arith.constant 13 : i32
        %get3A_514 = arith.index_cast %get3A_512 : i32 to index
        %get3A_515 = arith.index_cast %get3A_513 : i32 to index
        %get3A_516 = arith.index_cast %select_n3A_374 : i32 to index
        %get3A_517 = arith.index_cast %add3A_394 : i32 to index
        %get3A_518 = tpu.vector_load %arg5[%get3A_514, %get3A_515, %get3A_516, %get3A_517] {strides = array<i32>} : memref<2x21x8x128xf32, #tpu.memory_space<vmem>>, vector<16xf32>,
        %exp3A_519 = math.exp %get3A_518 : vector<16xf32>
        %add3A_520 = arith.addf %add3A_511, %exp3A_519 : vector<16xf32>
        %get3A_521 = arith.constant 0 : i32
        %get3A_522 = arith.constant 14 : i32
        %get3A_523 = arith.index_cast %get3A_521 : i32 to index
        %get3A_524 = arith.index_cast %get3A_522 : i32 to index
        %get3A_525 = arith.index_cast %select_n3A_374 : i32 to index
        %get3A_526 = arith.index_cast %add3A_394 : i32 to index
        %get3A_527 = tpu.vector_load %arg5[%get3A_523, %get3A_524, %get3A_525, %get3A_526] {strides = array<i32>} : memref<2x21x8x128xf32, #tpu.memory_space<vmem>>, vector<16xf32>,
        %exp3A_528 = math.exp %get3A_527 : vector<16xf32>
        %add3A_529 = arith.addf %add3A_520, %exp3A_528 : vector<16xf32>
        %get3A_530 = arith.constant 0 : i32
        %get3A_531 = arith.constant 15 : i32
        %get3A_532 = arith.index_cast %get3A_530 : i32 to index
        %get3A_533 = arith.index_cast %get3A_531 : i32 to index
        %get3A_534 = arith.index_cast %select_n3A_374 : i32 to index
        %get3A_535 = arith.index_cast %add3A_394 : i32 to index
        %get3A_536 = tpu.vector_load %arg5[%get3A_532, %get3A_533, %get3A_534, %get3A_535] {strides = array<i32>} : memref<2x21x8x128xf32, #tpu.memory_space<vmem>>, vector<16xf32>,
        %exp3A_537 = math.exp %get3A_536 : vector<16xf32>
        %add3A_538 = arith.addf %add3A_529, %exp3A_537 : vector<16xf32>
        %get3A_539 = arith.constant 0 : i32
        %get3A_540 = arith.constant 16 : i32
        %get3A_541 = arith.index_cast %get3A_539 : i32 to index
        %get3A_542 = arith.index_cast %get3A_540 : i32 to index
        %get3A_543 = arith.index_cast %select_n3A_374 : i32 to index
        %get3A_544 = arith.index_cast %add3A_394 : i32 to index
        %get3A_545 = tpu.vector_load %arg5[%get3A_541, %get3A_542, %get3A_543, %get3A_544] {strides = array<i32>} : memref<2x21x8x128xf32, #tpu.memory_space<vmem>>, vector<16xf32>,
        %exp3A_546 = math.exp %get3A_545 : vector<16xf32>
        %add3A_547 = arith.addf %add3A_538, %exp3A_546 : vector<16xf32>
        %get3A_548 = arith.constant 0 : i32
        %get3A_549 = arith.constant 17 : i32
        %get3A_550 = arith.index_cast %get3A_548 : i32 to index
        %get3A_551 = arith.index_cast %get3A_549 : i32 to index
        %get3A_552 = arith.index_cast %select_n3A_374 : i32 to index
        %get3A_553 = arith.index_cast %add3A_394 : i32 to index
        %get3A_554 = tpu.vector_load %arg5[%get3A_550, %get3A_551, %get3A_552, %get3A_553] {strides = array<i32>} : memref<2x21x8x128xf32, #tpu.memory_space<vmem>>, vector<16xf32>,
        %exp3A_555 = math.exp %get3A_554 : vector<16xf32>
        %add3A_556 = arith.addf %add3A_547, %exp3A_555 : vector<16xf32>
        %get3A_557 = arith.constant 0 : i32
        %get3A_558 = arith.constant 18 : i32
        %get3A_559 = arith.index_cast %get3A_557 : i32 to index
        %get3A_560 = arith.index_cast %get3A_558 : i32 to index
        %get3A_561 = arith.index_cast %select_n3A_374 : i32 to index
        %get3A_562 = arith.index_cast %add3A_394 : i32 to index
        %get3A_563 = tpu.vector_load %arg5[%get3A_559, %get3A_560, %get3A_561, %get3A_562] {strides = array<i32>} : memref<2x21x8x128xf32, #tpu.memory_space<vmem>>, vector<16xf32>,
        %exp3A_564 = math.exp %get3A_563 : vector<16xf32>
        %add3A_565 = arith.addf %add3A_556, %exp3A_564 : vector<16xf32>
        %get3A_566 = arith.constant 0 : i32
        %get3A_567 = arith.constant 19 : i32
        %get3A_568 = arith.index_cast %get3A_566 : i32 to index
        %get3A_569 = arith.index_cast %get3A_567 : i32 to index
        %get3A_570 = arith.index_cast %select_n3A_374 : i32 to index
        %get3A_571 = arith.index_cast %add3A_394 : i32 to index
        %get3A_572 = tpu.vector_load %arg5[%get3A_568, %get3A_569, %get3A_570, %get3A_571] {strides = array<i32>} : memref<2x21x8x128xf32, #tpu.memory_space<vmem>>, vector<16xf32>,
        %exp3A_573 = math.exp %get3A_572 : vector<16xf32>
        %add3A_574 = arith.addf %add3A_565, %exp3A_573 : vector<16xf32>
        %get3A_575 = arith.constant 0 : i32
        %get3A_576 = arith.constant 20 : i32
        %get3A_577 = arith.index_cast %get3A_575 : i32 to index
        %get3A_578 = arith.index_cast %get3A_576 : i32 to index
        %get3A_579 = arith.index_cast %select_n3A_374 : i32 to index
        %get3A_580 = arith.index_cast %add3A_394 : i32 to index
        %get3A_581 = tpu.vector_load %arg5[%get3A_577, %get3A_578, %get3A_579, %get3A_580] {strides = array<i32>} : memref<2x21x8x128xf32, #tpu.memory_space<vmem>>, vector<16xf32>,
        %exp3A_582 = math.exp %get3A_581 : vector<16xf32>
        %add3A_583 = arith.addf %add3A_574, %exp3A_582 : vector<16xf32>
        %div3A_584 = arith.constant 1.024000e+03 : f32
        %div3A_585 = vector.broadcast %div3A_584 : f32 to vector<16xf32>
        %div3A_586 = arith.divf %div3A_585, %add3A_583 : vector<16xf32>
        %get3A_587 = arith.constant 0 : i32
        %get3A_588 = arith.index_cast %get3A_587 : i32 to index
        %get3A_589 = arith.index_cast %select_n3A_374 : i32 to index
        %get3A_590 = arith.index_cast %add3A_394 : i32 to index
        %get3A_591 = tpu.vector_load %arg6[%get3A_588, %get3A_589, %get3A_590] {strides = array<i32>} : memref<2x8x128xi32, #tpu.memory_space<vmem>>, vector<16xi32>,
        %add3A_592 = arith.constant 16 : i32
        %add3A_593 = arith.addi %mul3A_392, %add3A_592 : i32
        %broadcast_in_dim3A_594 = arith.constant 0.000000e+00 : f32
        %broadcast_in_dim3A_595 = vector.broadcast %broadcast_in_dim3A_594 : f32 to vector<16xf32>
        %get3A_596 = arith.constant 0 : i32
        %get3A_597 = arith.constant 0 : i32
        %get3A_598 = arith.index_cast %get3A_596 : i32 to index
        %get3A_599 = arith.index_cast %get3A_597 : i32 to index
        %get3A_600 = arith.index_cast %select_n3A_374 : i32 to index
        %get3A_601 = arith.index_cast %add3A_593 : i32 to index
        %get3A_602 = tpu.vector_load %arg5[%get3A_598, %get3A_599, %get3A_600, %get3A_601] {strides = array<i32>} : memref<2x21x8x128xf32, #tpu.memory_space<vmem>>, vector<16xf32>,
        %exp3A_603 = math.exp %get3A_602 : vector<16xf32>
        %add3A_604 = arith.addf %broadcast_in_dim3A_595, %exp3A_603 : vector<16xf32>
        %get3A_605 = arith.constant 0 : i32
        %get3A_606 = arith.constant 1 : i32
        %get3A_607 = arith.index_cast %get3A_605 : i32 to index
        %get3A_608 = arith.index_cast %get3A_606 : i32 to index
        %get3A_609 = arith.index_cast %select_n3A_374 : i32 to index
        %get3A_610 = arith.index_cast %add3A_593 : i32 to index
        %get3A_611 = tpu.vector_load %arg5[%get3A_607, %get3A_608, %get3A_609, %get3A_610] {strides = array<i32>} : memref<2x21x8x128xf32, #tpu.memory_space<vmem>>, vector<16xf32>,
        %exp3A_612 = math.exp %get3A_611 : vector<16xf32>
        %add3A_613 = arith.addf %add3A_604, %exp3A_612 : vector<16xf32>
        %get3A_614 = arith.constant 0 : i32
        %get3A_615 = arith.constant 2 : i32
        %get3A_616 = arith.index_cast %get3A_614 : i32 to index
        %get3A_617 = arith.index_cast %get3A_615 : i32 to index
        %get3A_618 = arith.index_cast %select_n3A_374 : i32 to index
        %get3A_619 = arith.index_cast %add3A_593 : i32 to index
        %get3A_620 = tpu.vector_load %arg5[%get3A_616, %get3A_617, %get3A_618, %get3A_619] {strides = array<i32>} : memref<2x21x8x128xf32, #tpu.memory_space<vmem>>, vector<16xf32>,
        %exp3A_621 = math.exp %get3A_620 : vector<16xf32>
        %add3A_622 = arith.addf %add3A_613, %exp3A_621 : vector<16xf32>
        %get3A_623 = arith.constant 0 : i32
        %get3A_624 = arith.constant 3 : i32
        %get3A_625 = arith.index_cast %get3A_623 : i32 to index
        %get3A_626 = arith.index_cast %get3A_624 : i32 to index
        %get3A_627 = arith.index_cast %select_n3A_374 : i32 to index
        %get3A_628 = arith.index_cast %add3A_593 : i32 to index
        %get3A_629 = tpu.vector_load %arg5[%get3A_625, %get3A_626, %get3A_627, %get3A_628] {strides = array<i32>} : memref<2x21x8x128xf32, #tpu.memory_space<vmem>>, vector<16xf32>,
        %exp3A_630 = math.exp %get3A_629 : vector<16xf32>
        %add3A_631 = arith.addf %add3A_622, %exp3A_630 : vector<16xf32>
        %get3A_632 = arith.constant 0 : i32
        %get3A_633 = arith.constant 4 : i32
        %get3A_634 = arith.index_cast %get3A_632 : i32 to index
        %get3A_635 = arith.index_cast %get3A_633 : i32 to index
        %get3A_636 = arith.index_cast %select_n3A_374 : i32 to index
        %get3A_637 = arith.index_cast %add3A_593 : i32 to index
        %get3A_638 = tpu.vector_load %arg5[%get3A_634, %get3A_635, %get3A_636, %get3A_637] {strides = array<i32>} : memref<2x21x8x128xf32, #tpu.memory_space<vmem>>, vector<16xf32>,
        %exp3A_639 = math.exp %get3A_638 : vector<16xf32>
        %add3A_640 = arith.addf %add3A_631, %exp3A_639 : vector<16xf32>
        %get3A_641 = arith.constant 0 : i32
        %get3A_642 = arith.constant 5 : i32
        %get3A_643 = arith.index_cast %get3A_641 : i32 to index
        %get3A_644 = arith.index_cast %get3A_642 : i32 to index
        %get3A_645 = arith.index_cast %select_n3A_374 : i32 to index
        %get3A_646 = arith.index_cast %add3A_593 : i32 to index
        %get3A_647 = tpu.vector_load %arg5[%get3A_643, %get3A_644, %get3A_645, %get3A_646] {strides = array<i32>} : memref<2x21x8x128xf32, #tpu.memory_space<vmem>>, vector<16xf32>,
        %exp3A_648 = math.exp %get3A_647 : vector<16xf32>
        %add3A_649 = arith.addf %add3A_640, %exp3A_648 : vector<16xf32>
        %get3A_650 = arith.constant 0 : i32
        %get3A_651 = arith.constant 6 : i32
        %get3A_652 = arith.index_cast %get3A_650 : i32 to index
        %get3A_653 = arith.index_cast %get3A_651 : i32 to index
        %get3A_654 = arith.index_cast %select_n3A_374 : i32 to index
        %get3A_655 = arith.index_cast %add3A_593 : i32 to index
        %get3A_656 = tpu.vector_load %arg5[%get3A_652, %get3A_653, %get3A_654, %get3A_655] {strides = array<i32>} : memref<2x21x8x128xf32, #tpu.memory_space<vmem>>, vector<16xf32>,
        %exp3A_657 = math.exp %get3A_656 : vector<16xf32>
        %add3A_658 = arith.addf %add3A_649, %exp3A_657 : vector<16xf32>
        %get3A_659 = arith.constant 0 : i32
        %get3A_660 = arith.constant 7 : i32
        %get3A_661 = arith.index_cast %get3A_659 : i32 to index
        %get3A_662 = arith.index_cast %get3A_660 : i32 to index
        %get3A_663 = arith.index_cast %select_n3A_374 : i32 to index
        %get3A_664 = arith.index_cast %add3A_593 : i32 to index
        %get3A_665 = tpu.vector_load %arg5[%get3A_661, %get3A_662, %get3A_663, %get3A_664] {strides = array<i32>} : memref<2x21x8x128xf32, #tpu.memory_space<vmem>>, vector<16xf32>,
        %exp3A_666 = math.exp %get3A_665 : vector<16xf32>
        %add3A_667 = arith.addf %add3A_658, %exp3A_666 : vector<16xf32>
        %get3A_668 = arith.constant 0 : i32
        %get3A_669 = arith.constant 8 : i32
        %get3A_670 = arith.index_cast %get3A_668 : i32 to index
        %get3A_671 = arith.index_cast %get3A_669 : i32 to index
        %get3A_672 = arith.index_cast %select_n3A_374 : i32 to index
        %get3A_673 = arith.index_cast %add3A_593 : i32 to index
        %get3A_674 = tpu.vector_load %arg5[%get3A_670, %get3A_671, %get3A_672, %get3A_673] {strides = array<i32>} : memref<2x21x8x128xf32, #tpu.memory_space<vmem>>, vector<16xf32>,
        %exp3A_675 = math.exp %get3A_674 : vector<16xf32>
        %add3A_676 = arith.addf %add3A_667, %exp3A_675 : vector<16xf32>
        %get3A_677 = arith.constant 0 : i32
        %get3A_678 = arith.constant 9 : i32
        %get3A_679 = arith.index_cast %get3A_677 : i32 to index
        %get3A_680 = arith.index_cast %get3A_678 : i32 to index
        %get3A_681 = arith.index_cast %select_n3A_374 : i32 to index
        %get3A_682 = arith.index_cast %add3A_593 : i32 to index
        %get3A_683 = tpu.vector_load %arg5[%get3A_679, %get3A_680, %get3A_681, %get3A_682] {strides = array<i32>} : memref<2x21x8x128xf32, #tpu.memory_space<vmem>>, vector<16xf32>,
        %exp3A_684 = math.exp %get3A_683 : vector<16xf32>
        %add3A_685 = arith.addf %add3A_676, %exp3A_684 : vector<16xf32>
        %get3A_686 = arith.constant 0 : i32
        %get3A_687 = arith.constant 10 : i32
        %get3A_688 = arith.index_cast %get3A_686 : i32 to index
        %get3A_689 = arith.index_cast %get3A_687 : i32 to index
        %get3A_690 = arith.index_cast %select_n3A_374 : i32 to index
        %get3A_691 = arith.index_cast %add3A_593 : i32 to index
        %get3A_692 = tpu.vector_load %arg5[%get3A_688, %get3A_689, %get3A_690, %get3A_691] {strides = array<i32>} : memref<2x21x8x128xf32, #tpu.memory_space<vmem>>, vector<16xf32>,
        %exp3A_693 = math.exp %get3A_692 : vector<16xf32>
        %add3A_694 = arith.addf %add3A_685, %exp3A_693 : vector<16xf32>
        %get3A_695 = arith.constant 0 : i32
        %get3A_696 = arith.constant 11 : i32
        %get3A_697 = arith.index_cast %get3A_695 : i32 to index
        %get3A_698 = arith.index_cast %get3A_696 : i32 to index
        %get3A_699 = arith.index_cast %select_n3A_374 : i32 to index
        %get3A_700 = arith.index_cast %add3A_593 : i32 to index
        %get3A_701 = tpu.vector_load %arg5[%get3A_697, %get3A_698, %get3A_699, %get3A_700] {strides = array<i32>} : memref<2x21x8x128xf32, #tpu.memory_space<vmem>>, vector<16xf32>,
        %exp3A_702 = math.exp %get3A_701 : vector<16xf32>
        %add3A_703 = arith.addf %add3A_694, %exp3A_702 : vector<16xf32>
        %get3A_704 = arith.constant 0 : i32
        %get3A_705 = arith.constant 12 : i32
        %get3A_706 = arith.index_cast %get3A_704 : i32 to index
        %get3A_707 = arith.index_cast %get3A_705 : i32 to index
        %get3A_708 = arith.index_cast %select_n3A_374 : i32 to index
        %get3A_709 = arith.index_cast %add3A_593 : i32 to index
        %get3A_710 = tpu.vector_load %arg5[%get3A_706, %get3A_707, %get3A_708, %get3A_709] {strides = array<i32>} : memref<2x21x8x128xf32, #tpu.memory_space<vmem>>, vector<16xf32>,
        %exp3A_711 = math.exp %get3A_710 : vector<16xf32>
        %add3A_712 = arith.addf %add3A_703, %exp3A_711 : vector<16xf32>
        %get3A_713 = arith.constant 0 : i32
        %get3A_714 = arith.constant 13 : i32
        %get3A_715 = arith.index_cast %get3A_713 : i32 to index
        %get3A_716 = arith.index_cast %get3A_714 : i32 to index
        %get3A_717 = arith.index_cast %select_n3A_374 : i32 to index
        %get3A_718 = arith.index_cast %add3A_593 : i32 to index
        %get3A_719 = tpu.vector_load %arg5[%get3A_715, %get3A_716, %get3A_717, %get3A_718] {strides = array<i32>} : memref<2x21x8x128xf32, #tpu.memory_space<vmem>>, vector<16xf32>,
        %exp3A_720 = math.exp %get3A_719 : vector<16xf32>
        %add3A_721 = arith.addf %add3A_712, %exp3A_720 : vector<16xf32>
        %get3A_722 = arith.constant 0 : i32
        %get3A_723 = arith.constant 14 : i32
        %get3A_724 = arith.index_cast %get3A_722 : i32 to index
        %get3A_725 = arith.index_cast %get3A_723 : i32 to index
        %get3A_726 = arith.index_cast %select_n3A_374 : i32 to index
        %get3A_727 = arith.index_cast %add3A_593 : i32 to index
        %get3A_728 = tpu.vector_load %arg5[%get3A_724, %get3A_725, %get3A_726, %get3A_727] {strides = array<i32>} : memref<2x21x8x128xf32, #tpu.memory_space<vmem>>, vector<16xf32>,
        %exp3A_729 = math.exp %get3A_728 : vector<16xf32>
        %add3A_730 = arith.addf %add3A_721, %exp3A_729 : vector<16xf32>
        %get3A_731 = arith.constant 0 : i32
        %get3A_732 = arith.constant 15 : i32
        %get3A_733 = arith.index_cast %get3A_731 : i32 to index
        %get3A_734 = arith.index_cast %get3A_732 : i32 to index
        %get3A_735 = arith.index_cast %select_n3A_374 : i32 to index
        %get3A_736 = arith.index_cast %add3A_593 : i32 to index
        %get3A_737 = tpu.vector_load %arg5[%get3A_733, %get3A_734, %get3A_735, %get3A_736] {strides = array<i32>} : memref<2x21x8x128xf32, #tpu.memory_space<vmem>>, vector<16xf32>,
        %exp3A_738 = math.exp %get3A_737 : vector<16xf32>
        %add3A_739 = arith.addf %add3A_730, %exp3A_738 : vector<16xf32>
        %get3A_740 = arith.constant 0 : i32
        %get3A_741 = arith.constant 16 : i32
        %get3A_742 = arith.index_cast %get3A_740 : i32 to index
        %get3A_743 = arith.index_cast %get3A_741 : i32 to index
        %get3A_744 = arith.index_cast %select_n3A_374 : i32 to index
        %get3A_745 = arith.index_cast %add3A_593 : i32 to index
        %get3A_746 = tpu.vector_load %arg5[%get3A_742, %get3A_743, %get3A_744, %get3A_745] {strides = array<i32>} : memref<2x21x8x128xf32, #tpu.memory_space<vmem>>, vector<16xf32>,
        %exp3A_747 = math.exp %get3A_746 : vector<16xf32>
        %add3A_748 = arith.addf %add3A_739, %exp3A_747 : vector<16xf32>
        %get3A_749 = arith.constant 0 : i32
        %get3A_750 = arith.constant 17 : i32
        %get3A_751 = arith.index_cast %get3A_749 : i32 to index
        %get3A_752 = arith.index_cast %get3A_750 : i32 to index
        %get3A_753 = arith.index_cast %select_n3A_374 : i32 to index
        %get3A_754 = arith.index_cast %add3A_593 : i32 to index
        %get3A_755 = tpu.vector_load %arg5[%get3A_751, %get3A_752, %get3A_753, %get3A_754] {strides = array<i32>} : memref<2x21x8x128xf32, #tpu.memory_space<vmem>>, vector<16xf32>,
        %exp3A_756 = math.exp %get3A_755 : vector<16xf32>
        %add3A_757 = arith.addf %add3A_748, %exp3A_756 : vector<16xf32>
        %get3A_758 = arith.constant 0 : i32
        %get3A_759 = arith.constant 18 : i32
        %get3A_760 = arith.index_cast %get3A_758 : i32 to index
        %get3A_761 = arith.index_cast %get3A_759 : i32 to index
        %get3A_762 = arith.index_cast %select_n3A_374 : i32 to index
        %get3A_763 = arith.index_cast %add3A_593 : i32 to index
        %get3A_764 = tpu.vector_load %arg5[%get3A_760, %get3A_761, %get3A_762, %get3A_763] {strides = array<i32>} : memref<2x21x8x128xf32, #tpu.memory_space<vmem>>, vector<16xf32>,
        %exp3A_765 = math.exp %get3A_764 : vector<16xf32>
        %add3A_766 = arith.addf %add3A_757, %exp3A_765 : vector<16xf32>
        %get3A_767 = arith.constant 0 : i32
        %get3A_768 = arith.constant 19 : i32
        %get3A_769 = arith.index_cast %get3A_767 : i32 to index
        %get3A_770 = arith.index_cast %get3A_768 : i32 to index
        %get3A_771 = arith.index_cast %select_n3A_374 : i32 to index
        %get3A_772 = arith.index_cast %add3A_593 : i32 to index
        %get3A_773 = tpu.vector_load %arg5[%get3A_769, %get3A_770, %get3A_771, %get3A_772] {strides = array<i32>} : memref<2x21x8x128xf32, #tpu.memory_space<vmem>>, vector<16xf32>,
        %exp3A_774 = math.exp %get3A_773 : vector<16xf32>
        %add3A_775 = arith.addf %add3A_766, %exp3A_774 : vector<16xf32>
        %get3A_776 = arith.constant 0 : i32
        %get3A_777 = arith.constant 20 : i32
        %get3A_778 = arith.index_cast %get3A_776 : i32 to index
        %get3A_779 = arith.index_cast %get3A_777 : i32 to index
        %get3A_780 = arith.index_cast %select_n3A_374 : i32 to index
        %get3A_781 = arith.index_cast %add3A_593 : i32 to index
        %get3A_782 = tpu.vector_load %arg5[%get3A_778, %get3A_779, %get3A_780, %get3A_781] {strides = array<i32>} : memref<2x21x8x128xf32, #tpu.memory_space<vmem>>, vector<16xf32>,
        %exp3A_783 = math.exp %get3A_782 : vector<16xf32>
        %add3A_784 = arith.addf %add3A_775, %exp3A_783 : vector<16xf32>
        %div3A_785 = arith.constant 1.024000e+03 : f32
        %div3A_786 = vector.broadcast %div3A_785 : f32 to vector<16xf32>
        %div3A_787 = arith.divf %div3A_786, %add3A_784 : vector<16xf32>
        %get3A_788 = arith.constant 0 : i32
        %get3A_789 = arith.index_cast %get3A_788 : i32 to index
        %get3A_790 = arith.index_cast %select_n3A_374 : i32 to index
        %get3A_791 = arith.index_cast %add3A_593 : i32 to index
        %get3A_792 = tpu.vector_load %arg6[%get3A_789, %get3A_790, %get3A_791] {strides = array<i32>} : memref<2x8x128xi32, #tpu.memory_space<vmem>>, vector<16xi32>,
        %mul3A_793 = arith.mulf %exp3A, %div3A_586 : vector<16xf32>
        %convert_element_type3A_794 = arith.fptosi %mul3A_793 : vector<16xf32> to vector<16xi32>
        %min3A = arith.constant 1023 : i32
        %min3A_795 = vector.broadcast %min3A : i32 to vector<16xi32>
        %min3A_796 = arith.minsi %convert_element_type3A_794, %min3A_795 : vector<16xi32>
        %eq3A_797 = arith.constant 0 : i32
        %eq3A_798 = vector.broadcast %eq3A_797 : i32 to vector<16xi32>
        %eq3A_799 = arith.cmpi eq, %get3A_591, %eq3A_798 : vector<16xi32>
        %sub3A_800 = arith.constant 22527 : i32
        %sub3A_801 = vector.broadcast %sub3A_800 : i32 to vector<16xi32>
        %sub3A_802 = arith.subi %sub3A_801, %min3A_796 : vector<16xi32>
        %select_n3A_803 = arith.select %eq3A_799, %sub3A_802, %min3A_796 : vector<16xi1>, vector<16xi32>
        %add3A_804 = arith.constant 0 : i32
        %add3A_805 = vector.broadcast %add3A_804 : i32 to vector<16xi32>
        %add3A_806 = arith.addi %add3A_805, %select_n3A_803 : vector<16xi32>
        tpu.vector_store_idx %arg7[%add3A_806], %broadcast_in_dim3A_286 {add = true} : memref<43008xi32, #tpu.memory_space<vmem>>[vector<16xi32>], vector<16xi32>,
        %mul3A_807 = arith.mulf %exp3A_411, %div3A_586 : vector<16xf32>
        %convert_element_type3A_808 = arith.fptosi %mul3A_807 : vector<16xf32> to vector<16xi32>
        %min3A_809 = arith.constant 1023 : i32
        %min3A_810 = vector.broadcast %min3A_809 : i32 to vector<16xi32>
        %min3A_811 = arith.minsi %convert_element_type3A_808, %min3A_810 : vector<16xi32>
        %eq3A_812 = arith.constant 1 : i32
        %eq3A_813 = vector.broadcast %eq3A_812 : i32 to vector<16xi32>
        %eq3A_814 = arith.cmpi eq, %get3A_591, %eq3A_813 : vector<16xi32>
        %sub3A_815 = arith.constant 22527 : i32
        %sub3A_816 = vector.broadcast %sub3A_815 : i32 to vector<16xi32>
        %sub3A_817 = arith.subi %sub3A_816, %min3A_811 : vector<16xi32>
        %select_n3A_818 = arith.select %eq3A_814, %sub3A_817, %min3A_811 : vector<16xi1>, vector<16xi32>
        %add3A_819 = arith.constant 1024 : i32
        %add3A_820 = vector.broadcast %add3A_819 : i32 to vector<16xi32>
        %add3A_821 = arith.addi %add3A_820, %select_n3A_818 : vector<16xi32>
        tpu.vector_store_idx %arg7[%add3A_821], %broadcast_in_dim3A_286 {add = true} : memref<43008xi32, #tpu.memory_space<vmem>>[vector<16xi32>], vector<16xi32>,
        %mul3A_822 = arith.mulf %exp3A_420, %div3A_586 : vector<16xf32>
        %convert_element_type3A_823 = arith.fptosi %mul3A_822 : vector<16xf32> to vector<16xi32>
        %min3A_824 = arith.constant 1023 : i32
        %min3A_825 = vector.broadcast %min3A_824 : i32 to vector<16xi32>
        %min3A_826 = arith.minsi %convert_element_type3A_823, %min3A_825 : vector<16xi32>
        %eq3A_827 = arith.constant 2 : i32
        %eq3A_828 = vector.broadcast %eq3A_827 : i32 to vector<16xi32>
        %eq3A_829 = arith.cmpi eq, %get3A_591, %eq3A_828 : vector<16xi32>
        %sub3A_830 = arith.constant 22527 : i32
        %sub3A_831 = vector.broadcast %sub3A_830 : i32 to vector<16xi32>
        %sub3A_832 = arith.subi %sub3A_831, %min3A_826 : vector<16xi32>
        %select_n3A_833 = arith.select %eq3A_829, %sub3A_832, %min3A_826 : vector<16xi1>, vector<16xi32>
        %add3A_834 = arith.constant 2048 : i32
        %add3A_835 = vector.broadcast %add3A_834 : i32 to vector<16xi32>
        %add3A_836 = arith.addi %add3A_835, %select_n3A_833 : vector<16xi32>
        tpu.vector_store_idx %arg7[%add3A_836], %broadcast_in_dim3A_286 {add = true} : memref<43008xi32, #tpu.memory_space<vmem>>[vector<16xi32>], vector<16xi32>,
        %mul3A_837 = arith.mulf %exp3A_429, %div3A_586 : vector<16xf32>
        %convert_element_type3A_838 = arith.fptosi %mul3A_837 : vector<16xf32> to vector<16xi32>
        %min3A_839 = arith.constant 1023 : i32
        %min3A_840 = vector.broadcast %min3A_839 : i32 to vector<16xi32>
        %min3A_841 = arith.minsi %convert_element_type3A_838, %min3A_840 : vector<16xi32>
        %eq3A_842 = arith.constant 3 : i32
        %eq3A_843 = vector.broadcast %eq3A_842 : i32 to vector<16xi32>
        %eq3A_844 = arith.cmpi eq, %get3A_591, %eq3A_843 : vector<16xi32>
        %sub3A_845 = arith.constant 22527 : i32
        %sub3A_846 = vector.broadcast %sub3A_845 : i32 to vector<16xi32>
        %sub3A_847 = arith.subi %sub3A_846, %min3A_841 : vector<16xi32>
        %select_n3A_848 = arith.select %eq3A_844, %sub3A_847, %min3A_841 : vector<16xi1>, vector<16xi32>
        %add3A_849 = arith.constant 3072 : i32
        %add3A_850 = vector.broadcast %add3A_849 : i32 to vector<16xi32>
        %add3A_851 = arith.addi %add3A_850, %select_n3A_848 : vector<16xi32>
        tpu.vector_store_idx %arg7[%add3A_851], %broadcast_in_dim3A_286 {add = true} : memref<43008xi32, #tpu.memory_space<vmem>>[vector<16xi32>], vector<16xi32>,
        %mul3A_852 = arith.mulf %exp3A_438, %div3A_586 : vector<16xf32>
        %convert_element_type3A_853 = arith.fptosi %mul3A_852 : vector<16xf32> to vector<16xi32>
        %min3A_854 = arith.constant 1023 : i32
        %min3A_855 = vector.broadcast %min3A_854 : i32 to vector<16xi32>
        %min3A_856 = arith.minsi %convert_element_type3A_853, %min3A_855 : vector<16xi32>
        %eq3A_857 = arith.constant 4 : i32
        %eq3A_858 = vector.broadcast %eq3A_857 : i32 to vector<16xi32>
        %eq3A_859 = arith.cmpi eq, %get3A_591, %eq3A_858 : vector<16xi32>
        %sub3A_860 = arith.constant 22527 : i32
        %sub3A_861 = vector.broadcast %sub3A_860 : i32 to vector<16xi32>
        %sub3A_862 = arith.subi %sub3A_861, %min3A_856 : vector<16xi32>
        %select_n3A_863 = arith.select %eq3A_859, %sub3A_862, %min3A_856 : vector<16xi1>, vector<16xi32>
        %add3A_864 = arith.constant 4096 : i32
        %add3A_865 = vector.broadcast %add3A_864 : i32 to vector<16xi32>
        %add3A_866 = arith.addi %add3A_865, %select_n3A_863 : vector<16xi32>
        tpu.vector_store_idx %arg7[%add3A_866], %broadcast_in_dim3A_286 {add = true} : memref<43008xi32, #tpu.memory_space<vmem>>[vector<16xi32>], vector<16xi32>,
        %mul3A_867 = arith.mulf %exp3A_447, %div3A_586 : vector<16xf32>
        %convert_element_type3A_868 = arith.fptosi %mul3A_867 : vector<16xf32> to vector<16xi32>
        %min3A_869 = arith.constant 1023 : i32
        %min3A_870 = vector.broadcast %min3A_869 : i32 to vector<16xi32>
        %min3A_871 = arith.minsi %convert_element_type3A_868, %min3A_870 : vector<16xi32>
        %eq3A_872 = arith.constant 5 : i32
        %eq3A_873 = vector.broadcast %eq3A_872 : i32 to vector<16xi32>
        %eq3A_874 = arith.cmpi eq, %get3A_591, %eq3A_873 : vector<16xi32>
        %sub3A_875 = arith.constant 22527 : i32
        %sub3A_876 = vector.broadcast %sub3A_875 : i32 to vector<16xi32>
        %sub3A_877 = arith.subi %sub3A_876, %min3A_871 : vector<16xi32>
        %select_n3A_878 = arith.select %eq3A_874, %sub3A_877, %min3A_871 : vector<16xi1>, vector<16xi32>
        %add3A_879 = arith.constant 5120 : i32
        %add3A_880 = vector.broadcast %add3A_879 : i32 to vector<16xi32>
        %add3A_881 = arith.addi %add3A_880, %select_n3A_878 : vector<16xi32>
        tpu.vector_store_idx %arg7[%add3A_881], %broadcast_in_dim3A_286 {add = true} : memref<43008xi32, #tpu.memory_space<vmem>>[vector<16xi32>], vector<16xi32>,
        %mul3A_882 = arith.mulf %exp3A_456, %div3A_586 : vector<16xf32>
        %convert_element_type3A_883 = arith.fptosi %mul3A_882 : vector<16xf32> to vector<16xi32>
        %min3A_884 = arith.constant 1023 : i32
        %min3A_885 = vector.broadcast %min3A_884 : i32 to vector<16xi32>
        %min3A_886 = arith.minsi %convert_element_type3A_883, %min3A_885 : vector<16xi32>
        %eq3A_887 = arith.constant 6 : i32
        %eq3A_888 = vector.broadcast %eq3A_887 : i32 to vector<16xi32>
        %eq3A_889 = arith.cmpi eq, %get3A_591, %eq3A_888 : vector<16xi32>
        %sub3A_890 = arith.constant 22527 : i32
        %sub3A_891 = vector.broadcast %sub3A_890 : i32 to vector<16xi32>
        %sub3A_892 = arith.subi %sub3A_891, %min3A_886 : vector<16xi32>
        %select_n3A_893 = arith.select %eq3A_889, %sub3A_892, %min3A_886 : vector<16xi1>, vector<16xi32>
        %add3A_894 = arith.constant 6144 : i32
        %add3A_895 = vector.broadcast %add3A_894 : i32 to vector<16xi32>
        %add3A_896 = arith.addi %add3A_895, %select_n3A_893 : vector<16xi32>
        tpu.vector_store_idx %arg7[%add3A_896], %broadcast_in_dim3A_286 {add = true} : memref<43008xi32, #tpu.memory_space<vmem>>[vector<16xi32>], vector<16xi32>,
        %mul3A_897 = arith.mulf %exp3A_465, %div3A_586 : vector<16xf32>
        %convert_element_type3A_898 = arith.fptosi %mul3A_897 : vector<16xf32> to vector<16xi32>
        %min3A_899 = arith.constant 1023 : i32
        %min3A_900 = vector.broadcast %min3A_899 : i32 to vector<16xi32>
        %min3A_901 = arith.minsi %convert_element_type3A_898, %min3A_900 : vector<16xi32>
        %eq3A_902 = arith.constant 7 : i32
        %eq3A_903 = vector.broadcast %eq3A_902 : i32 to vector<16xi32>
        %eq3A_904 = arith.cmpi eq, %get3A_591, %eq3A_903 : vector<16xi32>
        %sub3A_905 = arith.constant 22527 : i32
        %sub3A_906 = vector.broadcast %sub3A_905 : i32 to vector<16xi32>
        %sub3A_907 = arith.subi %sub3A_906, %min3A_901 : vector<16xi32>
        %select_n3A_908 = arith.select %eq3A_904, %sub3A_907, %min3A_901 : vector<16xi1>, vector<16xi32>
        %add3A_909 = arith.constant 7168 : i32
        %add3A_910 = vector.broadcast %add3A_909 : i32 to vector<16xi32>
        %add3A_911 = arith.addi %add3A_910, %select_n3A_908 : vector<16xi32>
        tpu.vector_store_idx %arg7[%add3A_911], %broadcast_in_dim3A_286 {add = true} : memref<43008xi32, #tpu.memory_space<vmem>>[vector<16xi32>], vector<16xi32>,
        %mul3A_912 = arith.mulf %exp3A_474, %div3A_586 : vector<16xf32>
        %convert_element_type3A_913 = arith.fptosi %mul3A_912 : vector<16xf32> to vector<16xi32>
        %min3A_914 = arith.constant 1023 : i32
        %min3A_915 = vector.broadcast %min3A_914 : i32 to vector<16xi32>
        %min3A_916 = arith.minsi %convert_element_type3A_913, %min3A_915 : vector<16xi32>
        %eq3A_917 = arith.constant 8 : i32
        %eq3A_918 = vector.broadcast %eq3A_917 : i32 to vector<16xi32>
        %eq3A_919 = arith.cmpi eq, %get3A_591, %eq3A_918 : vector<16xi32>
        %sub3A_920 = arith.constant 22527 : i32
        %sub3A_921 = vector.broadcast %sub3A_920 : i32 to vector<16xi32>
        %sub3A_922 = arith.subi %sub3A_921, %min3A_916 : vector<16xi32>
        %select_n3A_923 = arith.select %eq3A_919, %sub3A_922, %min3A_916 : vector<16xi1>, vector<16xi32>
        %add3A_924 = arith.constant 8192 : i32
        %add3A_925 = vector.broadcast %add3A_924 : i32 to vector<16xi32>
        %add3A_926 = arith.addi %add3A_925, %select_n3A_923 : vector<16xi32>
        tpu.vector_store_idx %arg7[%add3A_926], %broadcast_in_dim3A_286 {add = true} : memref<43008xi32, #tpu.memory_space<vmem>>[vector<16xi32>], vector<16xi32>,
        %mul3A_927 = arith.mulf %exp3A_483, %div3A_586 : vector<16xf32>
        %convert_element_type3A_928 = arith.fptosi %mul3A_927 : vector<16xf32> to vector<16xi32>
        %min3A_929 = arith.constant 1023 : i32
        %min3A_930 = vector.broadcast %min3A_929 : i32 to vector<16xi32>
        %min3A_931 = arith.minsi %convert_element_type3A_928, %min3A_930 : vector<16xi32>
        %eq3A_932 = arith.constant 9 : i32
        %eq3A_933 = vector.broadcast %eq3A_932 : i32 to vector<16xi32>
        %eq3A_934 = arith.cmpi eq, %get3A_591, %eq3A_933 : vector<16xi32>
        %sub3A_935 = arith.constant 22527 : i32
        %sub3A_936 = vector.broadcast %sub3A_935 : i32 to vector<16xi32>
        %sub3A_937 = arith.subi %sub3A_936, %min3A_931 : vector<16xi32>
        %select_n3A_938 = arith.select %eq3A_934, %sub3A_937, %min3A_931 : vector<16xi1>, vector<16xi32>
        %add3A_939 = arith.constant 9216 : i32
        %add3A_940 = vector.broadcast %add3A_939 : i32 to vector<16xi32>
        %add3A_941 = arith.addi %add3A_940, %select_n3A_938 : vector<16xi32>
        tpu.vector_store_idx %arg7[%add3A_941], %broadcast_in_dim3A_286 {add = true} : memref<43008xi32, #tpu.memory_space<vmem>>[vector<16xi32>], vector<16xi32>,
        %mul3A_942 = arith.mulf %exp3A_492, %div3A_586 : vector<16xf32>
        %convert_element_type3A_943 = arith.fptosi %mul3A_942 : vector<16xf32> to vector<16xi32>
        %min3A_944 = arith.constant 1023 : i32
        %min3A_945 = vector.broadcast %min3A_944 : i32 to vector<16xi32>
        %min3A_946 = arith.minsi %convert_element_type3A_943, %min3A_945 : vector<16xi32>
        %eq3A_947 = arith.constant 10 : i32
        %eq3A_948 = vector.broadcast %eq3A_947 : i32 to vector<16xi32>
        %eq3A_949 = arith.cmpi eq, %get3A_591, %eq3A_948 : vector<16xi32>
        %sub3A_950 = arith.constant 22527 : i32
        %sub3A_951 = vector.broadcast %sub3A_950 : i32 to vector<16xi32>
        %sub3A_952 = arith.subi %sub3A_951, %min3A_946 : vector<16xi32>
        %select_n3A_953 = arith.select %eq3A_949, %sub3A_952, %min3A_946 : vector<16xi1>, vector<16xi32>
        %add3A_954 = arith.constant 10240 : i32
        %add3A_955 = vector.broadcast %add3A_954 : i32 to vector<16xi32>
        %add3A_956 = arith.addi %add3A_955, %select_n3A_953 : vector<16xi32>
        tpu.vector_store_idx %arg7[%add3A_956], %broadcast_in_dim3A_286 {add = true} : memref<43008xi32, #tpu.memory_space<vmem>>[vector<16xi32>], vector<16xi32>,
        %mul3A_957 = arith.mulf %exp3A_501, %div3A_586 : vector<16xf32>
        %convert_element_type3A_958 = arith.fptosi %mul3A_957 : vector<16xf32> to vector<16xi32>
        %min3A_959 = arith.constant 1023 : i32
        %min3A_960 = vector.broadcast %min3A_959 : i32 to vector<16xi32>
        %min3A_961 = arith.minsi %convert_element_type3A_958, %min3A_960 : vector<16xi32>
        %eq3A_962 = arith.constant 11 : i32
        %eq3A_963 = vector.broadcast %eq3A_962 : i32 to vector<16xi32>
        %eq3A_964 = arith.cmpi eq, %get3A_591, %eq3A_963 : vector<16xi32>
        %sub3A_965 = arith.constant 22527 : i32
        %sub3A_966 = vector.broadcast %sub3A_965 : i32 to vector<16xi32>
        %sub3A_967 = arith.subi %sub3A_966, %min3A_961 : vector<16xi32>
        %select_n3A_968 = arith.select %eq3A_964, %sub3A_967, %min3A_961 : vector<16xi1>, vector<16xi32>
        %add3A_969 = arith.constant 11264 : i32
        %add3A_970 = vector.broadcast %add3A_969 : i32 to vector<16xi32>
        %add3A_971 = arith.addi %add3A_970, %select_n3A_968 : vector<16xi32>
        tpu.vector_store_idx %arg7[%add3A_971], %broadcast_in_dim3A_286 {add = true} : memref<43008xi32, #tpu.memory_space<vmem>>[vector<16xi32>], vector<16xi32>,
        %mul3A_972 = arith.mulf %exp3A_510, %div3A_586 : vector<16xf32>
        %convert_element_type3A_973 = arith.fptosi %mul3A_972 : vector<16xf32> to vector<16xi32>
        %min3A_974 = arith.constant 1023 : i32
        %min3A_975 = vector.broadcast %min3A_974 : i32 to vector<16xi32>
        %min3A_976 = arith.minsi %convert_element_type3A_973, %min3A_975 : vector<16xi32>
        %eq3A_977 = arith.constant 12 : i32
        %eq3A_978 = vector.broadcast %eq3A_977 : i32 to vector<16xi32>
        %eq3A_979 = arith.cmpi eq, %get3A_591, %eq3A_978 : vector<16xi32>
        %sub3A_980 = arith.constant 22527 : i32
        %sub3A_981 = vector.broadcast %sub3A_980 : i32 to vector<16xi32>
        %sub3A_982 = arith.subi %sub3A_981, %min3A_976 : vector<16xi32>
        %select_n3A_983 = arith.select %eq3A_979, %sub3A_982, %min3A_976 : vector<16xi1>, vector<16xi32>
        %add3A_984 = arith.constant 12288 : i32
        %add3A_985 = vector.broadcast %add3A_984 : i32 to vector<16xi32>
        %add3A_986 = arith.addi %add3A_985, %select_n3A_983 : vector<16xi32>
        tpu.vector_store_idx %arg7[%add3A_986], %broadcast_in_dim3A_286 {add = true} : memref<43008xi32, #tpu.memory_space<vmem>>[vector<16xi32>], vector<16xi32>,
        %mul3A_987 = arith.mulf %exp3A_519, %div3A_586 : vector<16xf32>
        %convert_element_type3A_988 = arith.fptosi %mul3A_987 : vector<16xf32> to vector<16xi32>
        %min3A_989 = arith.constant 1023 : i32
        %min3A_990 = vector.broadcast %min3A_989 : i32 to vector<16xi32>
        %min3A_991 = arith.minsi %convert_element_type3A_988, %min3A_990 : vector<16xi32>
        %eq3A_992 = arith.constant 13 : i32
        %eq3A_993 = vector.broadcast %eq3A_992 : i32 to vector<16xi32>
        %eq3A_994 = arith.cmpi eq, %get3A_591, %eq3A_993 : vector<16xi32>
        %sub3A_995 = arith.constant 22527 : i32
        %sub3A_996 = vector.broadcast %sub3A_995 : i32 to vector<16xi32>
        %sub3A_997 = arith.subi %sub3A_996, %min3A_991 : vector<16xi32>
        %select_n3A_998 = arith.select %eq3A_994, %sub3A_997, %min3A_991 : vector<16xi1>, vector<16xi32>
        %add3A_999 = arith.constant 13312 : i32
        %add3A_1000 = vector.broadcast %add3A_999 : i32 to vector<16xi32>
        %add3A_1001 = arith.addi %add3A_1000, %select_n3A_998 : vector<16xi32>
        tpu.vector_store_idx %arg7[%add3A_1001], %broadcast_in_dim3A_286 {add = true} : memref<43008xi32, #tpu.memory_space<vmem>>[vector<16xi32>], vector<16xi32>,
        %mul3A_1002 = arith.mulf %exp3A_528, %div3A_586 : vector<16xf32>
        %convert_element_type3A_1003 = arith.fptosi %mul3A_1002 : vector<16xf32> to vector<16xi32>
        %min3A_1004 = arith.constant 1023 : i32
        %min3A_1005 = vector.broadcast %min3A_1004 : i32 to vector<16xi32>
        %min3A_1006 = arith.minsi %convert_element_type3A_1003, %min3A_1005 : vector<16xi32>
        %eq3A_1007 = arith.constant 14 : i32
        %eq3A_1008 = vector.broadcast %eq3A_1007 : i32 to vector<16xi32>
        %eq3A_1009 = arith.cmpi eq, %get3A_591, %eq3A_1008 : vector<16xi32>
        %sub3A_1010 = arith.constant 22527 : i32
        %sub3A_1011 = vector.broadcast %sub3A_1010 : i32 to vector<16xi32>
        %sub3A_1012 = arith.subi %sub3A_1011, %min3A_1006 : vector<16xi32>
        %select_n3A_1013 = arith.select %eq3A_1009, %sub3A_1012, %min3A_1006 : vector<16xi1>, vector<16xi32>
        %add3A_1014 = arith.constant 14336 : i32
        %add3A_1015 = vector.broadcast %add3A_1014 : i32 to vector<16xi32>
        %add3A_1016 = arith.addi %add3A_1015, %select_n3A_1013 : vector<16xi32>
        tpu.vector_store_idx %arg7[%add3A_1016], %broadcast_in_dim3A_286 {add = true} : memref<43008xi32, #tpu.memory_space<vmem>>[vector<16xi32>], vector<16xi32>,
        %mul3A_1017 = arith.mulf %exp3A_537, %div3A_586 : vector<16xf32>
        %convert_element_type3A_1018 = arith.fptosi %mul3A_1017 : vector<16xf32> to vector<16xi32>
        %min3A_1019 = arith.constant 1023 : i32
        %min3A_1020 = vector.broadcast %min3A_1019 : i32 to vector<16xi32>
        %min3A_1021 = arith.minsi %convert_element_type3A_1018, %min3A_1020 : vector<16xi32>
        %eq3A_1022 = arith.constant 15 : i32
        %eq3A_1023 = vector.broadcast %eq3A_1022 : i32 to vector<16xi32>
        %eq3A_1024 = arith.cmpi eq, %get3A_591, %eq3A_1023 : vector<16xi32>
        %sub3A_1025 = arith.constant 22527 : i32
        %sub3A_1026 = vector.broadcast %sub3A_1025 : i32 to vector<16xi32>
        %sub3A_1027 = arith.subi %sub3A_1026, %min3A_1021 : vector<16xi32>
        %select_n3A_1028 = arith.select %eq3A_1024, %sub3A_1027, %min3A_1021 : vector<16xi1>, vector<16xi32>
        %add3A_1029 = arith.constant 15360 : i32
        %add3A_1030 = vector.broadcast %add3A_1029 : i32 to vector<16xi32>
        %add3A_1031 = arith.addi %add3A_1030, %select_n3A_1028 : vector<16xi32>
        tpu.vector_store_idx %arg7[%add3A_1031], %broadcast_in_dim3A_286 {add = true} : memref<43008xi32, #tpu.memory_space<vmem>>[vector<16xi32>], vector<16xi32>,
        %mul3A_1032 = arith.mulf %exp3A_546, %div3A_586 : vector<16xf32>
        %convert_element_type3A_1033 = arith.fptosi %mul3A_1032 : vector<16xf32> to vector<16xi32>
        %min3A_1034 = arith.constant 1023 : i32
        %min3A_1035 = vector.broadcast %min3A_1034 : i32 to vector<16xi32>
        %min3A_1036 = arith.minsi %convert_element_type3A_1033, %min3A_1035 : vector<16xi32>
        %eq3A_1037 = arith.constant 16 : i32
        %eq3A_1038 = vector.broadcast %eq3A_1037 : i32 to vector<16xi32>
        %eq3A_1039 = arith.cmpi eq, %get3A_591, %eq3A_1038 : vector<16xi32>
        %sub3A_1040 = arith.constant 22527 : i32
        %sub3A_1041 = vector.broadcast %sub3A_1040 : i32 to vector<16xi32>
        %sub3A_1042 = arith.subi %sub3A_1041, %min3A_1036 : vector<16xi32>
        %select_n3A_1043 = arith.select %eq3A_1039, %sub3A_1042, %min3A_1036 : vector<16xi1>, vector<16xi32>
        %add3A_1044 = arith.constant 16384 : i32
        %add3A_1045 = vector.broadcast %add3A_1044 : i32 to vector<16xi32>
        %add3A_1046 = arith.addi %add3A_1045, %select_n3A_1043 : vector<16xi32>
        tpu.vector_store_idx %arg7[%add3A_1046], %broadcast_in_dim3A_286 {add = true} : memref<43008xi32, #tpu.memory_space<vmem>>[vector<16xi32>], vector<16xi32>,
        %mul3A_1047 = arith.mulf %exp3A_555, %div3A_586 : vector<16xf32>
        %convert_element_type3A_1048 = arith.fptosi %mul3A_1047 : vector<16xf32> to vector<16xi32>
        %min3A_1049 = arith.constant 1023 : i32
        %min3A_1050 = vector.broadcast %min3A_1049 : i32 to vector<16xi32>
        %min3A_1051 = arith.minsi %convert_element_type3A_1048, %min3A_1050 : vector<16xi32>
        %eq3A_1052 = arith.constant 17 : i32
        %eq3A_1053 = vector.broadcast %eq3A_1052 : i32 to vector<16xi32>
        %eq3A_1054 = arith.cmpi eq, %get3A_591, %eq3A_1053 : vector<16xi32>
        %sub3A_1055 = arith.constant 22527 : i32
        %sub3A_1056 = vector.broadcast %sub3A_1055 : i32 to vector<16xi32>
        %sub3A_1057 = arith.subi %sub3A_1056, %min3A_1051 : vector<16xi32>
        %select_n3A_1058 = arith.select %eq3A_1054, %sub3A_1057, %min3A_1051 : vector<16xi1>, vector<16xi32>
        %add3A_1059 = arith.constant 17408 : i32
        %add3A_1060 = vector.broadcast %add3A_1059 : i32 to vector<16xi32>
        %add3A_1061 = arith.addi %add3A_1060, %select_n3A_1058 : vector<16xi32>
        tpu.vector_store_idx %arg7[%add3A_1061], %broadcast_in_dim3A_286 {add = true} : memref<43008xi32, #tpu.memory_space<vmem>>[vector<16xi32>], vector<16xi32>,
        %mul3A_1062 = arith.mulf %exp3A_564, %div3A_586 : vector<16xf32>
        %convert_element_type3A_1063 = arith.fptosi %mul3A_1062 : vector<16xf32> to vector<16xi32>
        %min3A_1064 = arith.constant 1023 : i32
        %min3A_1065 = vector.broadcast %min3A_1064 : i32 to vector<16xi32>
        %min3A_1066 = arith.minsi %convert_element_type3A_1063, %min3A_1065 : vector<16xi32>
        %eq3A_1067 = arith.constant 18 : i32
        %eq3A_1068 = vector.broadcast %eq3A_1067 : i32 to vector<16xi32>
        %eq3A_1069 = arith.cmpi eq, %get3A_591, %eq3A_1068 : vector<16xi32>
        %sub3A_1070 = arith.constant 22527 : i32
        %sub3A_1071 = vector.broadcast %sub3A_1070 : i32 to vector<16xi32>
        %sub3A_1072 = arith.subi %sub3A_1071, %min3A_1066 : vector<16xi32>
        %select_n3A_1073 = arith.select %eq3A_1069, %sub3A_1072, %min3A_1066 : vector<16xi1>, vector<16xi32>
        %add3A_1074 = arith.constant 18432 : i32
        %add3A_1075 = vector.broadcast %add3A_1074 : i32 to vector<16xi32>
        %add3A_1076 = arith.addi %add3A_1075, %select_n3A_1073 : vector<16xi32>
        tpu.vector_store_idx %arg7[%add3A_1076], %broadcast_in_dim3A_286 {add = true} : memref<43008xi32, #tpu.memory_space<vmem>>[vector<16xi32>], vector<16xi32>,
        %mul3A_1077 = arith.mulf %exp3A_573, %div3A_586 : vector<16xf32>
        %convert_element_type3A_1078 = arith.fptosi %mul3A_1077 : vector<16xf32> to vector<16xi32>
        %min3A_1079 = arith.constant 1023 : i32
        %min3A_1080 = vector.broadcast %min3A_1079 : i32 to vector<16xi32>
        %min3A_1081 = arith.minsi %convert_element_type3A_1078, %min3A_1080 : vector<16xi32>
        %eq3A_1082 = arith.constant 19 : i32
        %eq3A_1083 = vector.broadcast %eq3A_1082 : i32 to vector<16xi32>
        %eq3A_1084 = arith.cmpi eq, %get3A_591, %eq3A_1083 : vector<16xi32>
        %sub3A_1085 = arith.constant 22527 : i32
        %sub3A_1086 = vector.broadcast %sub3A_1085 : i32 to vector<16xi32>
        %sub3A_1087 = arith.subi %sub3A_1086, %min3A_1081 : vector<16xi32>
        %select_n3A_1088 = arith.select %eq3A_1084, %sub3A_1087, %min3A_1081 : vector<16xi1>, vector<16xi32>
        %add3A_1089 = arith.constant 19456 : i32
        %add3A_1090 = vector.broadcast %add3A_1089 : i32 to vector<16xi32>
        %add3A_1091 = arith.addi %add3A_1090, %select_n3A_1088 : vector<16xi32>
        tpu.vector_store_idx %arg7[%add3A_1091], %broadcast_in_dim3A_286 {add = true} : memref<43008xi32, #tpu.memory_space<vmem>>[vector<16xi32>], vector<16xi32>,
        %mul3A_1092 = arith.mulf %exp3A_582, %div3A_586 : vector<16xf32>
        %convert_element_type3A_1093 = arith.fptosi %mul3A_1092 : vector<16xf32> to vector<16xi32>
        %min3A_1094 = arith.constant 1023 : i32
        %min3A_1095 = vector.broadcast %min3A_1094 : i32 to vector<16xi32>
        %min3A_1096 = arith.minsi %convert_element_type3A_1093, %min3A_1095 : vector<16xi32>
        %eq3A_1097 = arith.constant 20 : i32
        %eq3A_1098 = vector.broadcast %eq3A_1097 : i32 to vector<16xi32>
        %eq3A_1099 = arith.cmpi eq, %get3A_591, %eq3A_1098 : vector<16xi32>
        %sub3A_1100 = arith.constant 22527 : i32
        %sub3A_1101 = vector.broadcast %sub3A_1100 : i32 to vector<16xi32>
        %sub3A_1102 = arith.subi %sub3A_1101, %min3A_1096 : vector<16xi32>
        %select_n3A_1103 = arith.select %eq3A_1099, %sub3A_1102, %min3A_1096 : vector<16xi1>, vector<16xi32>
        %add3A_1104 = arith.constant 20480 : i32
        %add3A_1105 = vector.broadcast %add3A_1104 : i32 to vector<16xi32>
        %add3A_1106 = arith.addi %add3A_1105, %select_n3A_1103 : vector<16xi32>
        tpu.vector_store_idx %arg7[%add3A_1106], %broadcast_in_dim3A_286 {add = true} : memref<43008xi32, #tpu.memory_space<vmem>>[vector<16xi32>], vector<16xi32>,
        %mul3A_1107 = arith.mulf %exp3A_603, %div3A_787 : vector<16xf32>
        %convert_element_type3A_1108 = arith.fptosi %mul3A_1107 : vector<16xf32> to vector<16xi32>
        %min3A_1109 = arith.constant 1023 : i32
        %min3A_1110 = vector.broadcast %min3A_1109 : i32 to vector<16xi32>
        %min3A_1111 = arith.minsi %convert_element_type3A_1108, %min3A_1110 : vector<16xi32>
        %eq3A_1112 = arith.constant 0 : i32
        %eq3A_1113 = vector.broadcast %eq3A_1112 : i32 to vector<16xi32>
        %eq3A_1114 = arith.cmpi eq, %get3A_792, %eq3A_1113 : vector<16xi32>
        %sub3A_1115 = arith.constant 22527 : i32
        %sub3A_1116 = vector.broadcast %sub3A_1115 : i32 to vector<16xi32>
        %sub3A_1117 = arith.subi %sub3A_1116, %min3A_1111 : vector<16xi32>
        %select_n3A_1118 = arith.select %eq3A_1114, %sub3A_1117, %min3A_1111 : vector<16xi1>, vector<16xi32>
        %add3A_1119 = arith.constant 0 : i32
        %add3A_1120 = vector.broadcast %add3A_1119 : i32 to vector<16xi32>
        %add3A_1121 = arith.addi %add3A_1120, %select_n3A_1118 : vector<16xi32>
        tpu.vector_store_idx %arg7[%add3A_1121], %broadcast_in_dim3A_286 {add = true} : memref<43008xi32, #tpu.memory_space<vmem>>[vector<16xi32>], vector<16xi32>,
        %mul3A_1122 = arith.mulf %exp3A_612, %div3A_787 : vector<16xf32>
        %convert_element_type3A_1123 = arith.fptosi %mul3A_1122 : vector<16xf32> to vector<16xi32>
        %min3A_1124 = arith.constant 1023 : i32
        %min3A_1125 = vector.broadcast %min3A_1124 : i32 to vector<16xi32>
        %min3A_1126 = arith.minsi %convert_element_type3A_1123, %min3A_1125 : vector<16xi32>
        %eq3A_1127 = arith.constant 1 : i32
        %eq3A_1128 = vector.broadcast %eq3A_1127 : i32 to vector<16xi32>
        %eq3A_1129 = arith.cmpi eq, %get3A_792, %eq3A_1128 : vector<16xi32>
        %sub3A_1130 = arith.constant 22527 : i32
        %sub3A_1131 = vector.broadcast %sub3A_1130 : i32 to vector<16xi32>
        %sub3A_1132 = arith.subi %sub3A_1131, %min3A_1126 : vector<16xi32>
        %select_n3A_1133 = arith.select %eq3A_1129, %sub3A_1132, %min3A_1126 : vector<16xi1>, vector<16xi32>
        %add3A_1134 = arith.constant 1024 : i32
        %add3A_1135 = vector.broadcast %add3A_1134 : i32 to vector<16xi32>
        %add3A_1136 = arith.addi %add3A_1135, %select_n3A_1133 : vector<16xi32>
        tpu.vector_store_idx %arg7[%add3A_1136], %broadcast_in_dim3A_286 {add = true} : memref<43008xi32, #tpu.memory_space<vmem>>[vector<16xi32>], vector<16xi32>,
        %mul3A_1137 = arith.mulf %exp3A_621, %div3A_787 : vector<16xf32>
        %convert_element_type3A_1138 = arith.fptosi %mul3A_1137 : vector<16xf32> to vector<16xi32>
        %min3A_1139 = arith.constant 1023 : i32
        %min3A_1140 = vector.broadcast %min3A_1139 : i32 to vector<16xi32>
        %min3A_1141 = arith.minsi %convert_element_type3A_1138, %min3A_1140 : vector<16xi32>
        %eq3A_1142 = arith.constant 2 : i32
        %eq3A_1143 = vector.broadcast %eq3A_1142 : i32 to vector<16xi32>
        %eq3A_1144 = arith.cmpi eq, %get3A_792, %eq3A_1143 : vector<16xi32>
        %sub3A_1145 = arith.constant 22527 : i32
        %sub3A_1146 = vector.broadcast %sub3A_1145 : i32 to vector<16xi32>
        %sub3A_1147 = arith.subi %sub3A_1146, %min3A_1141 : vector<16xi32>
        %select_n3A_1148 = arith.select %eq3A_1144, %sub3A_1147, %min3A_1141 : vector<16xi1>, vector<16xi32>
        %add3A_1149 = arith.constant 2048 : i32
        %add3A_1150 = vector.broadcast %add3A_1149 : i32 to vector<16xi32>
        %add3A_1151 = arith.addi %add3A_1150, %select_n3A_1148 : vector<16xi32>
        tpu.vector_store_idx %arg7[%add3A_1151], %broadcast_in_dim3A_286 {add = true} : memref<43008xi32, #tpu.memory_space<vmem>>[vector<16xi32>], vector<16xi32>,
        %mul3A_1152 = arith.mulf %exp3A_630, %div3A_787 : vector<16xf32>
        %convert_element_type3A_1153 = arith.fptosi %mul3A_1152 : vector<16xf32> to vector<16xi32>
        %min3A_1154 = arith.constant 1023 : i32
        %min3A_1155 = vector.broadcast %min3A_1154 : i32 to vector<16xi32>
        %min3A_1156 = arith.minsi %convert_element_type3A_1153, %min3A_1155 : vector<16xi32>
        %eq3A_1157 = arith.constant 3 : i32
        %eq3A_1158 = vector.broadcast %eq3A_1157 : i32 to vector<16xi32>
        %eq3A_1159 = arith.cmpi eq, %get3A_792, %eq3A_1158 : vector<16xi32>
        %sub3A_1160 = arith.constant 22527 : i32
        %sub3A_1161 = vector.broadcast %sub3A_1160 : i32 to vector<16xi32>
        %sub3A_1162 = arith.subi %sub3A_1161, %min3A_1156 : vector<16xi32>
        %select_n3A_1163 = arith.select %eq3A_1159, %sub3A_1162, %min3A_1156 : vector<16xi1>, vector<16xi32>
        %add3A_1164 = arith.constant 3072 : i32
        %add3A_1165 = vector.broadcast %add3A_1164 : i32 to vector<16xi32>
        %add3A_1166 = arith.addi %add3A_1165, %select_n3A_1163 : vector<16xi32>
        tpu.vector_store_idx %arg7[%add3A_1166], %broadcast_in_dim3A_286 {add = true} : memref<43008xi32, #tpu.memory_space<vmem>>[vector<16xi32>], vector<16xi32>,
        %mul3A_1167 = arith.mulf %exp3A_639, %div3A_787 : vector<16xf32>
        %convert_element_type3A_1168 = arith.fptosi %mul3A_1167 : vector<16xf32> to vector<16xi32>
        %min3A_1169 = arith.constant 1023 : i32
        %min3A_1170 = vector.broadcast %min3A_1169 : i32 to vector<16xi32>
        %min3A_1171 = arith.minsi %convert_element_type3A_1168, %min3A_1170 : vector<16xi32>
        %eq3A_1172 = arith.constant 4 : i32
        %eq3A_1173 = vector.broadcast %eq3A_1172 : i32 to vector<16xi32>
        %eq3A_1174 = arith.cmpi eq, %get3A_792, %eq3A_1173 : vector<16xi32>
        %sub3A_1175 = arith.constant 22527 : i32
        %sub3A_1176 = vector.broadcast %sub3A_1175 : i32 to vector<16xi32>
        %sub3A_1177 = arith.subi %sub3A_1176, %min3A_1171 : vector<16xi32>
        %select_n3A_1178 = arith.select %eq3A_1174, %sub3A_1177, %min3A_1171 : vector<16xi1>, vector<16xi32>
        %add3A_1179 = arith.constant 4096 : i32
        %add3A_1180 = vector.broadcast %add3A_1179 : i32 to vector<16xi32>
        %add3A_1181 = arith.addi %add3A_1180, %select_n3A_1178 : vector<16xi32>
        tpu.vector_store_idx %arg7[%add3A_1181], %broadcast_in_dim3A_286 {add = true} : memref<43008xi32, #tpu.memory_space<vmem>>[vector<16xi32>], vector<16xi32>,
        %mul3A_1182 = arith.mulf %exp3A_648, %div3A_787 : vector<16xf32>
        %convert_element_type3A_1183 = arith.fptosi %mul3A_1182 : vector<16xf32> to vector<16xi32>
        %min3A_1184 = arith.constant 1023 : i32
        %min3A_1185 = vector.broadcast %min3A_1184 : i32 to vector<16xi32>
        %min3A_1186 = arith.minsi %convert_element_type3A_1183, %min3A_1185 : vector<16xi32>
        %eq3A_1187 = arith.constant 5 : i32
        %eq3A_1188 = vector.broadcast %eq3A_1187 : i32 to vector<16xi32>
        %eq3A_1189 = arith.cmpi eq, %get3A_792, %eq3A_1188 : vector<16xi32>
        %sub3A_1190 = arith.constant 22527 : i32
        %sub3A_1191 = vector.broadcast %sub3A_1190 : i32 to vector<16xi32>
        %sub3A_1192 = arith.subi %sub3A_1191, %min3A_1186 : vector<16xi32>
        %select_n3A_1193 = arith.select %eq3A_1189, %sub3A_1192, %min3A_1186 : vector<16xi1>, vector<16xi32>
        %add3A_1194 = arith.constant 5120 : i32
        %add3A_1195 = vector.broadcast %add3A_1194 : i32 to vector<16xi32>
        %add3A_1196 = arith.addi %add3A_1195, %select_n3A_1193 : vector<16xi32>
        tpu.vector_store_idx %arg7[%add3A_1196], %broadcast_in_dim3A_286 {add = true} : memref<43008xi32, #tpu.memory_space<vmem>>[vector<16xi32>], vector<16xi32>,
        %mul3A_1197 = arith.mulf %exp3A_657, %div3A_787 : vector<16xf32>
        %convert_element_type3A_1198 = arith.fptosi %mul3A_1197 : vector<16xf32> to vector<16xi32>
        %min3A_1199 = arith.constant 1023 : i32
        %min3A_1200 = vector.broadcast %min3A_1199 : i32 to vector<16xi32>
        %min3A_1201 = arith.minsi %convert_element_type3A_1198, %min3A_1200 : vector<16xi32>
        %eq3A_1202 = arith.constant 6 : i32
        %eq3A_1203 = vector.broadcast %eq3A_1202 : i32 to vector<16xi32>
        %eq3A_1204 = arith.cmpi eq, %get3A_792, %eq3A_1203 : vector<16xi32>
        %sub3A_1205 = arith.constant 22527 : i32
        %sub3A_1206 = vector.broadcast %sub3A_1205 : i32 to vector<16xi32>
        %sub3A_1207 = arith.subi %sub3A_1206, %min3A_1201 : vector<16xi32>
        %select_n3A_1208 = arith.select %eq3A_1204, %sub3A_1207, %min3A_1201 : vector<16xi1>, vector<16xi32>
        %add3A_1209 = arith.constant 6144 : i32
        %add3A_1210 = vector.broadcast %add3A_1209 : i32 to vector<16xi32>
        %add3A_1211 = arith.addi %add3A_1210, %select_n3A_1208 : vector<16xi32>
        tpu.vector_store_idx %arg7[%add3A_1211], %broadcast_in_dim3A_286 {add = true} : memref<43008xi32, #tpu.memory_space<vmem>>[vector<16xi32>], vector<16xi32>,
        %mul3A_1212 = arith.mulf %exp3A_666, %div3A_787 : vector<16xf32>
        %convert_element_type3A_1213 = arith.fptosi %mul3A_1212 : vector<16xf32> to vector<16xi32>
        %min3A_1214 = arith.constant 1023 : i32
        %min3A_1215 = vector.broadcast %min3A_1214 : i32 to vector<16xi32>
        %min3A_1216 = arith.minsi %convert_element_type3A_1213, %min3A_1215 : vector<16xi32>
        %eq3A_1217 = arith.constant 7 : i32
        %eq3A_1218 = vector.broadcast %eq3A_1217 : i32 to vector<16xi32>
        %eq3A_1219 = arith.cmpi eq, %get3A_792, %eq3A_1218 : vector<16xi32>
        %sub3A_1220 = arith.constant 22527 : i32
        %sub3A_1221 = vector.broadcast %sub3A_1220 : i32 to vector<16xi32>
        %sub3A_1222 = arith.subi %sub3A_1221, %min3A_1216 : vector<16xi32>
        %select_n3A_1223 = arith.select %eq3A_1219, %sub3A_1222, %min3A_1216 : vector<16xi1>, vector<16xi32>
        %add3A_1224 = arith.constant 7168 : i32
        %add3A_1225 = vector.broadcast %add3A_1224 : i32 to vector<16xi32>
        %add3A_1226 = arith.addi %add3A_1225, %select_n3A_1223 : vector<16xi32>
        tpu.vector_store_idx %arg7[%add3A_1226], %broadcast_in_dim3A_286 {add = true} : memref<43008xi32, #tpu.memory_space<vmem>>[vector<16xi32>], vector<16xi32>,
        %mul3A_1227 = arith.mulf %exp3A_675, %div3A_787 : vector<16xf32>
        %convert_element_type3A_1228 = arith.fptosi %mul3A_1227 : vector<16xf32> to vector<16xi32>
        %min3A_1229 = arith.constant 1023 : i32
        %min3A_1230 = vector.broadcast %min3A_1229 : i32 to vector<16xi32>
        %min3A_1231 = arith.minsi %convert_element_type3A_1228, %min3A_1230 : vector<16xi32>
        %eq3A_1232 = arith.constant 8 : i32
        %eq3A_1233 = vector.broadcast %eq3A_1232 : i32 to vector<16xi32>
        %eq3A_1234 = arith.cmpi eq, %get3A_792, %eq3A_1233 : vector<16xi32>
        %sub3A_1235 = arith.constant 22527 : i32
        %sub3A_1236 = vector.broadcast %sub3A_1235 : i32 to vector<16xi32>
        %sub3A_1237 = arith.subi %sub3A_1236, %min3A_1231 : vector<16xi32>
        %select_n3A_1238 = arith.select %eq3A_1234, %sub3A_1237, %min3A_1231 : vector<16xi1>, vector<16xi32>
        %add3A_1239 = arith.constant 8192 : i32
        %add3A_1240 = vector.broadcast %add3A_1239 : i32 to vector<16xi32>
        %add3A_1241 = arith.addi %add3A_1240, %select_n3A_1238 : vector<16xi32>
        tpu.vector_store_idx %arg7[%add3A_1241], %broadcast_in_dim3A_286 {add = true} : memref<43008xi32, #tpu.memory_space<vmem>>[vector<16xi32>], vector<16xi32>,
        %mul3A_1242 = arith.mulf %exp3A_684, %div3A_787 : vector<16xf32>
        %convert_element_type3A_1243 = arith.fptosi %mul3A_1242 : vector<16xf32> to vector<16xi32>
        %min3A_1244 = arith.constant 1023 : i32
        %min3A_1245 = vector.broadcast %min3A_1244 : i32 to vector<16xi32>
        %min3A_1246 = arith.minsi %convert_element_type3A_1243, %min3A_1245 : vector<16xi32>
        %eq3A_1247 = arith.constant 9 : i32
        %eq3A_1248 = vector.broadcast %eq3A_1247 : i32 to vector<16xi32>
        %eq3A_1249 = arith.cmpi eq, %get3A_792, %eq3A_1248 : vector<16xi32>
        %sub3A_1250 = arith.constant 22527 : i32
        %sub3A_1251 = vector.broadcast %sub3A_1250 : i32 to vector<16xi32>
        %sub3A_1252 = arith.subi %sub3A_1251, %min3A_1246 : vector<16xi32>
        %select_n3A_1253 = arith.select %eq3A_1249, %sub3A_1252, %min3A_1246 : vector<16xi1>, vector<16xi32>
        %add3A_1254 = arith.constant 9216 : i32
        %add3A_1255 = vector.broadcast %add3A_1254 : i32 to vector<16xi32>
        %add3A_1256 = arith.addi %add3A_1255, %select_n3A_1253 : vector<16xi32>
        tpu.vector_store_idx %arg7[%add3A_1256], %broadcast_in_dim3A_286 {add = true} : memref<43008xi32, #tpu.memory_space<vmem>>[vector<16xi32>], vector<16xi32>,
        %mul3A_1257 = arith.mulf %exp3A_693, %div3A_787 : vector<16xf32>
        %convert_element_type3A_1258 = arith.fptosi %mul3A_1257 : vector<16xf32> to vector<16xi32>
        %min3A_1259 = arith.constant 1023 : i32
        %min3A_1260 = vector.broadcast %min3A_1259 : i32 to vector<16xi32>
        %min3A_1261 = arith.minsi %convert_element_type3A_1258, %min3A_1260 : vector<16xi32>
        %eq3A_1262 = arith.constant 10 : i32
        %eq3A_1263 = vector.broadcast %eq3A_1262 : i32 to vector<16xi32>
        %eq3A_1264 = arith.cmpi eq, %get3A_792, %eq3A_1263 : vector<16xi32>
        %sub3A_1265 = arith.constant 22527 : i32
        %sub3A_1266 = vector.broadcast %sub3A_1265 : i32 to vector<16xi32>
        %sub3A_1267 = arith.subi %sub3A_1266, %min3A_1261 : vector<16xi32>
        %select_n3A_1268 = arith.select %eq3A_1264, %sub3A_1267, %min3A_1261 : vector<16xi1>, vector<16xi32>
        %add3A_1269 = arith.constant 10240 : i32
        %add3A_1270 = vector.broadcast %add3A_1269 : i32 to vector<16xi32>
        %add3A_1271 = arith.addi %add3A_1270, %select_n3A_1268 : vector<16xi32>
        tpu.vector_store_idx %arg7[%add3A_1271], %broadcast_in_dim3A_286 {add = true} : memref<43008xi32, #tpu.memory_space<vmem>>[vector<16xi32>], vector<16xi32>,
        %mul3A_1272 = arith.mulf %exp3A_702, %div3A_787 : vector<16xf32>
        %convert_element_type3A_1273 = arith.fptosi %mul3A_1272 : vector<16xf32> to vector<16xi32>
        %min3A_1274 = arith.constant 1023 : i32
        %min3A_1275 = vector.broadcast %min3A_1274 : i32 to vector<16xi32>
        %min3A_1276 = arith.minsi %convert_element_type3A_1273, %min3A_1275 : vector<16xi32>
        %eq3A_1277 = arith.constant 11 : i32
        %eq3A_1278 = vector.broadcast %eq3A_1277 : i32 to vector<16xi32>
        %eq3A_1279 = arith.cmpi eq, %get3A_792, %eq3A_1278 : vector<16xi32>
        %sub3A_1280 = arith.constant 22527 : i32
        %sub3A_1281 = vector.broadcast %sub3A_1280 : i32 to vector<16xi32>
        %sub3A_1282 = arith.subi %sub3A_1281, %min3A_1276 : vector<16xi32>
        %select_n3A_1283 = arith.select %eq3A_1279, %sub3A_1282, %min3A_1276 : vector<16xi1>, vector<16xi32>
        %add3A_1284 = arith.constant 11264 : i32
        %add3A_1285 = vector.broadcast %add3A_1284 : i32 to vector<16xi32>
        %add3A_1286 = arith.addi %add3A_1285, %select_n3A_1283 : vector<16xi32>
        tpu.vector_store_idx %arg7[%add3A_1286], %broadcast_in_dim3A_286 {add = true} : memref<43008xi32, #tpu.memory_space<vmem>>[vector<16xi32>], vector<16xi32>,
        %mul3A_1287 = arith.mulf %exp3A_711, %div3A_787 : vector<16xf32>
        %convert_element_type3A_1288 = arith.fptosi %mul3A_1287 : vector<16xf32> to vector<16xi32>
        %min3A_1289 = arith.constant 1023 : i32
        %min3A_1290 = vector.broadcast %min3A_1289 : i32 to vector<16xi32>
        %min3A_1291 = arith.minsi %convert_element_type3A_1288, %min3A_1290 : vector<16xi32>
        %eq3A_1292 = arith.constant 12 : i32
        %eq3A_1293 = vector.broadcast %eq3A_1292 : i32 to vector<16xi32>
        %eq3A_1294 = arith.cmpi eq, %get3A_792, %eq3A_1293 : vector<16xi32>
        %sub3A_1295 = arith.constant 22527 : i32
        %sub3A_1296 = vector.broadcast %sub3A_1295 : i32 to vector<16xi32>
        %sub3A_1297 = arith.subi %sub3A_1296, %min3A_1291 : vector<16xi32>
        %select_n3A_1298 = arith.select %eq3A_1294, %sub3A_1297, %min3A_1291 : vector<16xi1>, vector<16xi32>
        %add3A_1299 = arith.constant 12288 : i32
        %add3A_1300 = vector.broadcast %add3A_1299 : i32 to vector<16xi32>
        %add3A_1301 = arith.addi %add3A_1300, %select_n3A_1298 : vector<16xi32>
        tpu.vector_store_idx %arg7[%add3A_1301], %broadcast_in_dim3A_286 {add = true} : memref<43008xi32, #tpu.memory_space<vmem>>[vector<16xi32>], vector<16xi32>,
        %mul3A_1302 = arith.mulf %exp3A_720, %div3A_787 : vector<16xf32>
        %convert_element_type3A_1303 = arith.fptosi %mul3A_1302 : vector<16xf32> to vector<16xi32>
        %min3A_1304 = arith.constant 1023 : i32
        %min3A_1305 = vector.broadcast %min3A_1304 : i32 to vector<16xi32>
        %min3A_1306 = arith.minsi %convert_element_type3A_1303, %min3A_1305 : vector<16xi32>
        %eq3A_1307 = arith.constant 13 : i32
        %eq3A_1308 = vector.broadcast %eq3A_1307 : i32 to vector<16xi32>
        %eq3A_1309 = arith.cmpi eq, %get3A_792, %eq3A_1308 : vector<16xi32>
        %sub3A_1310 = arith.constant 22527 : i32
        %sub3A_1311 = vector.broadcast %sub3A_1310 : i32 to vector<16xi32>
        %sub3A_1312 = arith.subi %sub3A_1311, %min3A_1306 : vector<16xi32>
        %select_n3A_1313 = arith.select %eq3A_1309, %sub3A_1312, %min3A_1306 : vector<16xi1>, vector<16xi32>
        %add3A_1314 = arith.constant 13312 : i32
        %add3A_1315 = vector.broadcast %add3A_1314 : i32 to vector<16xi32>
        %add3A_1316 = arith.addi %add3A_1315, %select_n3A_1313 : vector<16xi32>
        tpu.vector_store_idx %arg7[%add3A_1316], %broadcast_in_dim3A_286 {add = true} : memref<43008xi32, #tpu.memory_space<vmem>>[vector<16xi32>], vector<16xi32>,
        %mul3A_1317 = arith.mulf %exp3A_729, %div3A_787 : vector<16xf32>
        %convert_element_type3A_1318 = arith.fptosi %mul3A_1317 : vector<16xf32> to vector<16xi32>
        %min3A_1319 = arith.constant 1023 : i32
        %min3A_1320 = vector.broadcast %min3A_1319 : i32 to vector<16xi32>
        %min3A_1321 = arith.minsi %convert_element_type3A_1318, %min3A_1320 : vector<16xi32>
        %eq3A_1322 = arith.constant 14 : i32
        %eq3A_1323 = vector.broadcast %eq3A_1322 : i32 to vector<16xi32>
        %eq3A_1324 = arith.cmpi eq, %get3A_792, %eq3A_1323 : vector<16xi32>
        %sub3A_1325 = arith.constant 22527 : i32
        %sub3A_1326 = vector.broadcast %sub3A_1325 : i32 to vector<16xi32>
        %sub3A_1327 = arith.subi %sub3A_1326, %min3A_1321 : vector<16xi32>
        %select_n3A_1328 = arith.select %eq3A_1324, %sub3A_1327, %min3A_1321 : vector<16xi1>, vector<16xi32>
        %add3A_1329 = arith.constant 14336 : i32
        %add3A_1330 = vector.broadcast %add3A_1329 : i32 to vector<16xi32>
        %add3A_1331 = arith.addi %add3A_1330, %select_n3A_1328 : vector<16xi32>
        tpu.vector_store_idx %arg7[%add3A_1331], %broadcast_in_dim3A_286 {add = true} : memref<43008xi32, #tpu.memory_space<vmem>>[vector<16xi32>], vector<16xi32>,
        %mul3A_1332 = arith.mulf %exp3A_738, %div3A_787 : vector<16xf32>
        %convert_element_type3A_1333 = arith.fptosi %mul3A_1332 : vector<16xf32> to vector<16xi32>
        %min3A_1334 = arith.constant 1023 : i32
        %min3A_1335 = vector.broadcast %min3A_1334 : i32 to vector<16xi32>
        %min3A_1336 = arith.minsi %convert_element_type3A_1333, %min3A_1335 : vector<16xi32>
        %eq3A_1337 = arith.constant 15 : i32
        %eq3A_1338 = vector.broadcast %eq3A_1337 : i32 to vector<16xi32>
        %eq3A_1339 = arith.cmpi eq, %get3A_792, %eq3A_1338 : vector<16xi32>
        %sub3A_1340 = arith.constant 22527 : i32
        %sub3A_1341 = vector.broadcast %sub3A_1340 : i32 to vector<16xi32>
        %sub3A_1342 = arith.subi %sub3A_1341, %min3A_1336 : vector<16xi32>
        %select_n3A_1343 = arith.select %eq3A_1339, %sub3A_1342, %min3A_1336 : vector<16xi1>, vector<16xi32>
        %add3A_1344 = arith.constant 15360 : i32
        %add3A_1345 = vector.broadcast %add3A_1344 : i32 to vector<16xi32>
        %add3A_1346 = arith.addi %add3A_1345, %select_n3A_1343 : vector<16xi32>
        tpu.vector_store_idx %arg7[%add3A_1346], %broadcast_in_dim3A_286 {add = true} : memref<43008xi32, #tpu.memory_space<vmem>>[vector<16xi32>], vector<16xi32>,
        %mul3A_1347 = arith.mulf %exp3A_747, %div3A_787 : vector<16xf32>
        %convert_element_type3A_1348 = arith.fptosi %mul3A_1347 : vector<16xf32> to vector<16xi32>
        %min3A_1349 = arith.constant 1023 : i32
        %min3A_1350 = vector.broadcast %min3A_1349 : i32 to vector<16xi32>
        %min3A_1351 = arith.minsi %convert_element_type3A_1348, %min3A_1350 : vector<16xi32>
        %eq3A_1352 = arith.constant 16 : i32
        %eq3A_1353 = vector.broadcast %eq3A_1352 : i32 to vector<16xi32>
        %eq3A_1354 = arith.cmpi eq, %get3A_792, %eq3A_1353 : vector<16xi32>
        %sub3A_1355 = arith.constant 22527 : i32
        %sub3A_1356 = vector.broadcast %sub3A_1355 : i32 to vector<16xi32>
        %sub3A_1357 = arith.subi %sub3A_1356, %min3A_1351 : vector<16xi32>
        %select_n3A_1358 = arith.select %eq3A_1354, %sub3A_1357, %min3A_1351 : vector<16xi1>, vector<16xi32>
        %add3A_1359 = arith.constant 16384 : i32
        %add3A_1360 = vector.broadcast %add3A_1359 : i32 to vector<16xi32>
        %add3A_1361 = arith.addi %add3A_1360, %select_n3A_1358 : vector<16xi32>
        tpu.vector_store_idx %arg7[%add3A_1361], %broadcast_in_dim3A_286 {add = true} : memref<43008xi32, #tpu.memory_space<vmem>>[vector<16xi32>], vector<16xi32>,
        %mul3A_1362 = arith.mulf %exp3A_756, %div3A_787 : vector<16xf32>
        %convert_element_type3A_1363 = arith.fptosi %mul3A_1362 : vector<16xf32> to vector<16xi32>
        %min3A_1364 = arith.constant 1023 : i32
        %min3A_1365 = vector.broadcast %min3A_1364 : i32 to vector<16xi32>
        %min3A_1366 = arith.minsi %convert_element_type3A_1363, %min3A_1365 : vector<16xi32>
        %eq3A_1367 = arith.constant 17 : i32
        %eq3A_1368 = vector.broadcast %eq3A_1367 : i32 to vector<16xi32>
        %eq3A_1369 = arith.cmpi eq, %get3A_792, %eq3A_1368 : vector<16xi32>
        %sub3A_1370 = arith.constant 22527 : i32
        %sub3A_1371 = vector.broadcast %sub3A_1370 : i32 to vector<16xi32>
        %sub3A_1372 = arith.subi %sub3A_1371, %min3A_1366 : vector<16xi32>
        %select_n3A_1373 = arith.select %eq3A_1369, %sub3A_1372, %min3A_1366 : vector<16xi1>, vector<16xi32>
        %add3A_1374 = arith.constant 17408 : i32
        %add3A_1375 = vector.broadcast %add3A_1374 : i32 to vector<16xi32>
        %add3A_1376 = arith.addi %add3A_1375, %select_n3A_1373 : vector<16xi32>
        tpu.vector_store_idx %arg7[%add3A_1376], %broadcast_in_dim3A_286 {add = true} : memref<43008xi32, #tpu.memory_space<vmem>>[vector<16xi32>], vector<16xi32>,
        %mul3A_1377 = arith.mulf %exp3A_765, %div3A_787 : vector<16xf32>
        %convert_element_type3A_1378 = arith.fptosi %mul3A_1377 : vector<16xf32> to vector<16xi32>
        %min3A_1379 = arith.constant 1023 : i32
        %min3A_1380 = vector.broadcast %min3A_1379 : i32 to vector<16xi32>
        %min3A_1381 = arith.minsi %convert_element_type3A_1378, %min3A_1380 : vector<16xi32>
        %eq3A_1382 = arith.constant 18 : i32
        %eq3A_1383 = vector.broadcast %eq3A_1382 : i32 to vector<16xi32>
        %eq3A_1384 = arith.cmpi eq, %get3A_792, %eq3A_1383 : vector<16xi32>
        %sub3A_1385 = arith.constant 22527 : i32
        %sub3A_1386 = vector.broadcast %sub3A_1385 : i32 to vector<16xi32>
        %sub3A_1387 = arith.subi %sub3A_1386, %min3A_1381 : vector<16xi32>
        %select_n3A_1388 = arith.select %eq3A_1384, %sub3A_1387, %min3A_1381 : vector<16xi1>, vector<16xi32>
        %add3A_1389 = arith.constant 18432 : i32
        %add3A_1390 = vector.broadcast %add3A_1389 : i32 to vector<16xi32>
        %add3A_1391 = arith.addi %add3A_1390, %select_n3A_1388 : vector<16xi32>
        tpu.vector_store_idx %arg7[%add3A_1391], %broadcast_in_dim3A_286 {add = true} : memref<43008xi32, #tpu.memory_space<vmem>>[vector<16xi32>], vector<16xi32>,
        %mul3A_1392 = arith.mulf %exp3A_774, %div3A_787 : vector<16xf32>
        %convert_element_type3A_1393 = arith.fptosi %mul3A_1392 : vector<16xf32> to vector<16xi32>
        %min3A_1394 = arith.constant 1023 : i32
        %min3A_1395 = vector.broadcast %min3A_1394 : i32 to vector<16xi32>
        %min3A_1396 = arith.minsi %convert_element_type3A_1393, %min3A_1395 : vector<16xi32>
        %eq3A_1397 = arith.constant 19 : i32
        %eq3A_1398 = vector.broadcast %eq3A_1397 : i32 to vector<16xi32>
        %eq3A_1399 = arith.cmpi eq, %get3A_792, %eq3A_1398 : vector<16xi32>
        %sub3A_1400 = arith.constant 22527 : i32
        %sub3A_1401 = vector.broadcast %sub3A_1400 : i32 to vector<16xi32>
        %sub3A_1402 = arith.subi %sub3A_1401, %min3A_1396 : vector<16xi32>
        %select_n3A_1403 = arith.select %eq3A_1399, %sub3A_1402, %min3A_1396 : vector<16xi1>, vector<16xi32>
        %add3A_1404 = arith.constant 19456 : i32
        %add3A_1405 = vector.broadcast %add3A_1404 : i32 to vector<16xi32>
        %add3A_1406 = arith.addi %add3A_1405, %select_n3A_1403 : vector<16xi32>
        tpu.vector_store_idx %arg7[%add3A_1406], %broadcast_in_dim3A_286 {add = true} : memref<43008xi32, #tpu.memory_space<vmem>>[vector<16xi32>], vector<16xi32>,
        %mul3A_1407 = arith.mulf %exp3A_783, %div3A_787 : vector<16xf32>
        %convert_element_type3A_1408 = arith.fptosi %mul3A_1407 : vector<16xf32> to vector<16xi32>
        %min3A_1409 = arith.constant 1023 : i32
        %min3A_1410 = vector.broadcast %min3A_1409 : i32 to vector<16xi32>
        %min3A_1411 = arith.minsi %convert_element_type3A_1408, %min3A_1410 : vector<16xi32>
        %eq3A_1412 = arith.constant 20 : i32
        %eq3A_1413 = vector.broadcast %eq3A_1412 : i32 to vector<16xi32>
        %eq3A_1414 = arith.cmpi eq, %get3A_792, %eq3A_1413 : vector<16xi32>
        %sub3A_1415 = arith.constant 22527 : i32
        %sub3A_1416 = vector.broadcast %sub3A_1415 : i32 to vector<16xi32>
        %sub3A_1417 = arith.subi %sub3A_1416, %min3A_1411 : vector<16xi32>
        %select_n3A_1418 = arith.select %eq3A_1414, %sub3A_1417, %min3A_1411 : vector<16xi1>, vector<16xi32>
        %add3A_1419 = arith.constant 20480 : i32
        %add3A_1420 = vector.broadcast %add3A_1419 : i32 to vector<16xi32>
        %add3A_1421 = arith.addi %add3A_1420, %select_n3A_1418 : vector<16xi32>
        tpu.vector_store_idx %arg7[%add3A_1421], %broadcast_in_dim3A_286 {add = true} : memref<43008xi32, #tpu.memory_space<vmem>>[vector<16xi32>], vector<16xi32>,
        %scan3A_1422 = arith.constant 0 : i32
        scf.yield %scan3A_1422 : i32
      }
      %scan3A_293 = arith.constant 32 : i32
      %add3A_294 = arith.constant 2 : i32
      %add3A_295 = arith.addi %mul3A_127, %add3A_294 : i32
      %lt3A_296 = arith.constant 32 : i32
      %lt3A_297 = arith.cmpi slt, %add3A_295, %lt3A_296 : i32
      %convert_element_type3A = arith.extui %lt3A_297 : i1 to i32
      %cond3A = arith.constant 0 : i32
      %cond3A_298 = arith.cmpi ne, %convert_element_type3A, %cond3A : i32
      scf.if %cond3A_298 {
        %add3A_349 = arith.constant 2 : i32
        %add3A_350 = arith.addi %mul3A_127, %add3A_349 : i32
        %jit3A_351 = arith.constant 8 : i32
        %div3A_352 = arith.divsi %add3A_350, %jit3A_351 : i32
        %sign3A_353 = arith.constant 0 : i32
        %sign3A_354 = arith.cmpi sgt, %add3A_350, %sign3A_353 : i32
        %sign3A_355 = arith.extui %sign3A_354 : i1 to i32
        %sign3A_356 = arith.constant 0 : i32
        %sign3A_357 = arith.cmpi slt, %add3A_350, %sign3A_356 : i32
        %sign3A_358 = arith.extui %sign3A_357 : i1 to i32
        %sign3A_359 = arith.subi %sign3A_355, %sign3A_358 : i32
        %sign3A_360 = arith.constant 0 : i32
        %sign3A_361 = arith.cmpi sgt, %jit3A_351, %sign3A_360 : i32
        %sign3A_362 = arith.extui %sign3A_361 : i1 to i32
        %sign3A_363 = arith.constant 0 : i32
        %sign3A_364 = arith.cmpi slt, %jit3A_351, %sign3A_363 : i32
        %sign3A_365 = arith.extui %sign3A_364 : i1 to i32
        %sign3A_366 = arith.subi %sign3A_362, %sign3A_365 : i32
        %ne3A_367 = arith.cmpi ne, %sign3A_359, %sign3A_366 : i32
        %rem3A_368 = arith.remsi %add3A_350, %jit3A_351 : i32
        %ne3A_369 = arith.constant 0 : i32
        %ne3A_370 = arith.cmpi ne, %rem3A_368, %ne3A_369 : i32
        %and3A_371 = arith.andi %ne3A_367, %ne3A_370 : i1
        %sub3A_372 = arith.constant 1 : i32
        %sub3A_373 = arith.subi %div3A_352, %sub3A_372 : i32
        %select_n3A_374 = arith.select %and3A_371, %sub3A_373, %div3A_352 : i32
        %mul3A_375 = arith.constant 8 : i32
        %mul3A_376 = arith.muli %add3A, %mul3A_375 : i32
        %jit3A_377 = arith.constant 8 : i32
        %eq3A_378 = arith.constant 0 : i32
        %eq3A_379 = arith.cmpi eq, %jit3A_377, %eq3A_378 : i32
        %jit3A_380 = arith.constant 1 : i32
        %select_n3A_381 = arith.select %eq3A_379, %jit3A_380, %jit3A_377 : i32
        %rem3A_382 = arith.remsi %add3A_350, %select_n3A_381 : i32
        %ne3A_383 = arith.constant 0 : i32
        %ne3A_384 = arith.cmpi ne, %rem3A_382, %ne3A_383 : i32
        %lt3A_385 = arith.constant 0 : i32
        %lt3A_386 = arith.cmpi slt, %rem3A_382, %lt3A_385 : i32
        %lt3A_387 = arith.constant 0 : i32
        %lt3A_388 = arith.cmpi slt, %select_n3A_381, %lt3A_387 : i32
        %ne3A_389 = arith.xori %lt3A_386, %lt3A_388 : i1
        %and3A_390 = arith.andi %ne3A_389, %ne3A_384 : i1
        %add3A_391 = arith.addi %rem3A_382, %select_n3A_381 : i32
        %select_n3A_392 = arith.select %and3A_390, %add3A_391, %rem3A_382 : i32
        %add3A_393 = arith.addi %mul3A_376, %select_n3A_392 : i32
        %jit3A_394 = arith.constant 4 : i32
        %div3A_395 = arith.divsi %add3A_393, %jit3A_394 : i32
        %sign3A_396 = arith.constant 0 : i32
        %sign3A_397 = arith.cmpi sgt, %add3A_393, %sign3A_396 : i32
        %sign3A_398 = arith.extui %sign3A_397 : i1 to i32
        %sign3A_399 = arith.constant 0 : i32
        %sign3A_400 = arith.cmpi slt, %add3A_393, %sign3A_399 : i32
        %sign3A_401 = arith.extui %sign3A_400 : i1 to i32
        %sign3A_402 = arith.subi %sign3A_398, %sign3A_401 : i32
        %sign3A_403 = arith.constant 0 : i32
        %sign3A_404 = arith.cmpi sgt, %jit3A_394, %sign3A_403 : i32
        %sign3A_405 = arith.extui %sign3A_404 : i1 to i32
        %sign3A_406 = arith.constant 0 : i32
        %sign3A_407 = arith.cmpi slt, %jit3A_394, %sign3A_406 : i32
        %sign3A_408 = arith.extui %sign3A_407 : i1 to i32
        %sign3A_409 = arith.subi %sign3A_405, %sign3A_408 : i32
        %ne3A_410 = arith.cmpi ne, %sign3A_402, %sign3A_409 : i32
        %rem3A_411 = arith.remsi %add3A_393, %jit3A_394 : i32
        %ne3A_412 = arith.constant 0 : i32
        %ne3A_413 = arith.cmpi ne, %rem3A_411, %ne3A_412 : i32
        %and3A_414 = arith.andi %ne3A_410, %ne3A_413 : i1
        %sub3A_415 = arith.constant 1 : i32
        %sub3A_416 = arith.subi %div3A_395, %sub3A_415 : i32
        %select_n3A_417 = arith.select %and3A_414, %sub3A_416, %div3A_395 : i32
        %mul3A_418 = arith.constant 8 : i32
        %mul3A_419 = arith.muli %select_n3A_417, %mul3A_418 : i32
        %jit3A_420 = arith.constant 4 : i32
        %eq3A_421 = arith.constant 0 : i32
        %eq3A_422 = arith.cmpi eq, %jit3A_420, %eq3A_421 : i32
        %jit3A_423 = arith.constant 1 : i32
        %select_n3A_424 = arith.select %eq3A_422, %jit3A_423, %jit3A_420 : i32
        %rem3A_425 = arith.remsi %add3A_393, %select_n3A_424 : i32
        %ne3A_426 = arith.constant 0 : i32
        %ne3A_427 = arith.cmpi ne, %rem3A_425, %ne3A_426 : i32
        %lt3A_428 = arith.constant 0 : i32
        %lt3A_429 = arith.cmpi slt, %rem3A_425, %lt3A_428 : i32
        %lt3A_430 = arith.constant 0 : i32
        %lt3A_431 = arith.cmpi slt, %select_n3A_424, %lt3A_430 : i32
        %ne3A_432 = arith.xori %lt3A_429, %lt3A_431 : i1
        %and3A_433 = arith.andi %ne3A_432, %ne3A_427 : i1
        %add3A_434 = arith.addi %rem3A_425, %select_n3A_424 : i32
        %select_n3A_435 = arith.select %and3A_433, %add3A_434, %rem3A_425 : i32
        %mul3A_436 = arith.constant 128 : i32
        %mul3A_437 = arith.muli %select_n3A_435, %mul3A_436 : i32
        %dma_start3A_438 = arith.constant 0 : i32
        %dma_start3A_439 = arith.constant 0 : i32
        %dma_start3A_440 = arith.constant 0 : i32
        %dma_start3A_441 = arith.constant 0 : i32
        %dma_start3A_442 = tpu.memref_slice %arg5[%dma_start3A_438, %dma_start3A_439, %dma_start3A_440, %dma_start3A_441] : memref<2x21x8x128xf32, #tpu.memory_space<vmem>> -> memref<1x21x8x128xf32, #tpu.memory_space<vmem>>
        %dma_start3A_443 = tpu.memref_squeeze %dma_start3A_442 : memref<1x21x8x128xf32, #tpu.memory_space<vmem>> -> memref<21x8x128xf32, #tpu.memory_space<vmem>>
        %dma_start3A_444 = arith.constant 0 : i32
        %dma_start3A_445 = tpu.memref_slice %arg2[%select_n3A_374, %dma_start3A_444, %mul3A_419, %mul3A_437] : memref<4x21x512x512xf32, #tpu.memory_space<hbm>> -> memref<1x21x8x128xf32, #tpu.memory_space<hbm>>
        %dma_start3A_446 = tpu.memref_squeeze %dma_start3A_445 : memref<1x21x8x128xf32, #tpu.memory_space<hbm>> -> memref<21x8x128xf32, #tpu.memory_space<hbm>>
        %dma_start3A_447 = arith.constant 0 : i32
        %dma_start3A_448 = arith.constant 0 : i32
        %dma_start3A_449 = arith.constant 0 : i32
        %dma_start3A_450 = tpu.memref_slice %arg5[%dma_start3A_438, %dma_start3A_447, %dma_start3A_448, %dma_start3A_449] : memref<2x21x8x128xf32, #tpu.memory_space<vmem>> -> memref<1x21x8x128xf32, #tpu.memory_space<vmem>>
        %dma_start3A_451 = tpu.memref_squeeze %dma_start3A_450 : memref<1x21x8x128xf32, #tpu.memory_space<vmem>> -> memref<21x8x128xf32, #tpu.memory_space<vmem>>
        %dma_start3A_452 = arith.constant 0 : i32
        %dma_start3A_453 = tpu.memref_slice %arg2[%select_n3A_374, %dma_start3A_452, %mul3A_419, %mul3A_437] : memref<4x21x512x512xf32, #tpu.memory_space<hbm>> -> memref<1x21x8x128xf32, #tpu.memory_space<hbm>>
        %dma_start3A_454 = tpu.memref_squeeze %dma_start3A_453 : memref<1x21x8x128xf32, #tpu.memory_space<hbm>> -> memref<21x8x128xf32, #tpu.memory_space<hbm>>
        tpu.enqueue_dma source(%dma_start3A_454 : memref<21x8x128xf32, #tpu.memory_space<hbm>>) target(%dma_start3A_451 : memref<21x8x128xf32, #tpu.memory_space<vmem>>) target_semaphore(%arg8 : memref<!tpu.dma_semaphore, #tpu.memory_space<semaphore_mem>>)
        %dma_start3A_455 = arith.constant 0 : i32
        %dma_start3A_456 = arith.constant 0 : i32
        %dma_start3A_457 = arith.constant 0 : i32
        %dma_start3A_458 = tpu.memref_slice %arg6[%dma_start3A_455, %dma_start3A_456, %dma_start3A_457] : memref<2x8x128xi32, #tpu.memory_space<vmem>> -> memref<1x8x128xi32, #tpu.memory_space<vmem>>
        %dma_start3A_459 = tpu.memref_squeeze %dma_start3A_458 : memref<1x8x128xi32, #tpu.memory_space<vmem>> -> memref<8x128xi32, #tpu.memory_space<vmem>>
        %dma_start3A_460 = tpu.memref_slice %arg3[%select_n3A_374, %mul3A_419, %mul3A_437] : memref<4x512x512xi32, #tpu.memory_space<hbm>> -> memref<1x8x128xi32, #tpu.memory_space<hbm>>
        %dma_start3A_461 = tpu.memref_squeeze %dma_start3A_460 : memref<1x8x128xi32, #tpu.memory_space<hbm>> -> memref<8x128xi32, #tpu.memory_space<hbm>>
        %dma_start3A_462 = arith.constant 0 : i32
        %dma_start3A_463 = arith.constant 0 : i32
        %dma_start3A_464 = tpu.memref_slice %arg6[%dma_start3A_455, %dma_start3A_462, %dma_start3A_463] : memref<2x8x128xi32, #tpu.memory_space<vmem>> -> memref<1x8x128xi32, #tpu.memory_space<vmem>>
        %dma_start3A_465 = tpu.memref_squeeze %dma_start3A_464 : memref<1x8x128xi32, #tpu.memory_space<vmem>> -> memref<8x128xi32, #tpu.memory_space<vmem>>
        %dma_start3A_466 = tpu.memref_slice %arg3[%select_n3A_374, %mul3A_419, %mul3A_437] : memref<4x512x512xi32, #tpu.memory_space<hbm>> -> memref<1x8x128xi32, #tpu.memory_space<hbm>>
        %dma_start3A_467 = tpu.memref_squeeze %dma_start3A_466 : memref<1x8x128xi32, #tpu.memory_space<hbm>> -> memref<8x128xi32, #tpu.memory_space<hbm>>
        tpu.enqueue_dma source(%dma_start3A_467 : memref<8x128xi32, #tpu.memory_space<hbm>>) target(%dma_start3A_465 : memref<8x128xi32, #tpu.memory_space<vmem>>) target_semaphore(%arg8 : memref<!tpu.dma_semaphore, #tpu.memory_space<semaphore_mem>>)
      } else {
      }
      %dma_wait3A_299 = arith.constant 0 : i32
      %dma_wait3A_300 = arith.constant 1 : i32
      %dma_wait3A_301 = arith.constant 0 : i32
      %dma_wait3A_302 = arith.constant 0 : i32
      %dma_wait3A_303 = arith.constant 0 : i32
      %dma_wait3A_304 = tpu.memref_slice %arg5[%dma_wait3A_300, %dma_wait3A_301, %dma_wait3A_302, %dma_wait3A_303] : memref<2x21x8x128xf32, #tpu.memory_space<vmem>> -> memref<1x21x8x128xf32, #tpu.memory_space<vmem>>
      %dma_wait3A_305 = tpu.memref_squeeze %dma_wait3A_304 : memref<1x21x8x128xf32, #tpu.memory_space<vmem>> -> memref<21x8x128xf32, #tpu.memory_space<vmem>>
      %dma_wait3A_306 = arith.constant 0 : i32
      %dma_wait3A_307 = arith.constant 0 : i32
      %dma_wait3A_308 = arith.constant 0 : i32
      %dma_wait3A_309 = tpu.memref_slice %arg2[%dma_wait3A_299, %dma_wait3A_306, %dma_wait3A_307, %dma_wait3A_308] : memref<4x21x512x512xf32, #tpu.memory_space<hbm>> -> memref<1x21x8x128xf32, #tpu.memory_space<hbm>>
      %dma_wait3A_310 = tpu.memref_squeeze %dma_wait3A_309 : memref<1x21x8x128xf32, #tpu.memory_space<hbm>> -> memref<21x8x128xf32, #tpu.memory_space<hbm>>
      %dma_wait3A_311 = arith.constant 0 : i32
      %dma_wait3A_312 = arith.constant 0 : i32
      %dma_wait3A_313 = arith.constant 0 : i32
      %dma_wait3A_314 = tpu.memref_slice %arg5[%dma_wait3A_300, %dma_wait3A_311, %dma_wait3A_312, %dma_wait3A_313] : memref<2x21x8x128xf32, #tpu.memory_space<vmem>> -> memref<1x21x8x128xf32, #tpu.memory_space<vmem>>
      %dma_wait3A_315 = tpu.memref_squeeze %dma_wait3A_314 : memref<1x21x8x128xf32, #tpu.memory_space<vmem>> -> memref<21x8x128xf32, #tpu.memory_space<vmem>>
      %dma_wait3A_316 = arith.constant 0 : i32
      %dma_wait3A_317 = arith.constant 0 : i32
      %dma_wait3A_318 = arith.constant 0 : i32
      %dma_wait3A_319 = tpu.memref_slice %arg2[%dma_wait3A_299, %dma_wait3A_316, %dma_wait3A_317, %dma_wait3A_318] : memref<4x21x512x512xf32, #tpu.memory_space<hbm>> -> memref<1x21x8x128xf32, #tpu.memory_space<hbm>>
      %dma_wait3A_320 = tpu.memref_squeeze %dma_wait3A_319 : memref<1x21x8x128xf32, #tpu.memory_space<hbm>> -> memref<21x8x128xf32, #tpu.memory_space<hbm>>
      tpu.wait_dma2 semaphore(%arg9 : memref<!tpu.dma_semaphore, #tpu.memory_space<semaphore_mem>>) src(%dma_wait3A_320 : memref<21x8x128xf32, #tpu.memory_space<hbm>>) dst(%dma_wait3A_315 : memref<21x8x128xf32, #tpu.memory_space<vmem>>)
      %dma_wait3A_321 = arith.constant 0 : i32
      %dma_wait3A_322 = arith.constant 1 : i32
      %dma_wait3A_323 = arith.constant 0 : i32
      %dma_wait3A_324 = arith.constant 0 : i32
      %dma_wait3A_325 = tpu.memref_slice %arg6[%dma_wait3A_322, %dma_wait3A_323, %dma_wait3A_324] : memref<2x8x128xi32, #tpu.memory_space<vmem>> -> memref<1x8x128xi32, #tpu.memory_space<vmem>>
      %dma_wait3A_326 = tpu.memref_squeeze %dma_wait3A_325 : memref<1x8x128xi32, #tpu.memory_space<vmem>> -> memref<8x128xi32, #tpu.memory_space<vmem>>
      %dma_wait3A_327 = arith.constant 0 : i32
      %dma_wait3A_328 = arith.constant 0 : i32
      %dma_wait3A_329 = tpu.memref_slice %arg3[%dma_wait3A_321, %dma_wait3A_327, %dma_wait3A_328] : memref<4x512x512xi32, #tpu.memory_space<hbm>> -> memref<1x8x128xi32, #tpu.memory_space<hbm>>
      %dma_wait3A_330 = tpu.memref_squeeze %dma_wait3A_329 : memref<1x8x128xi32, #tpu.memory_space<hbm>> -> memref<8x128xi32, #tpu.memory_space<hbm>>
      %dma_wait3A_331 = arith.constant 0 : i32
      %dma_wait3A_332 = arith.constant 0 : i32
      %dma_wait3A_333 = tpu.memref_slice %arg6[%dma_wait3A_322, %dma_wait3A_331, %dma_wait3A_332] : memref<2x8x128xi32, #tpu.memory_space<vmem>> -> memref<1x8x128xi32, #tpu.memory_space<vmem>>
      %dma_wait3A_334 = tpu.memref_squeeze %dma_wait3A_333 : memref<1x8x128xi32, #tpu.memory_space<vmem>> -> memref<8x128xi32, #tpu.memory_space<vmem>>
      %dma_wait3A_335 = arith.constant 0 : i32
      %dma_wait3A_336 = arith.constant 0 : i32
      %dma_wait3A_337 = tpu.memref_slice %arg3[%dma_wait3A_321, %dma_wait3A_335, %dma_wait3A_336] : memref<4x512x512xi32, #tpu.memory_space<hbm>> -> memref<1x8x128xi32, #tpu.memory_space<hbm>>
      %dma_wait3A_338 = tpu.memref_squeeze %dma_wait3A_337 : memref<1x8x128xi32, #tpu.memory_space<hbm>> -> memref<8x128xi32, #tpu.memory_space<hbm>>
      tpu.wait_dma2 semaphore(%arg9 : memref<!tpu.dma_semaphore, #tpu.memory_space<semaphore_mem>>) src(%dma_wait3A_338 : memref<8x128xi32, #tpu.memory_space<hbm>>) dst(%dma_wait3A_334 : memref<8x128xi32, #tpu.memory_space<vmem>>)
      %broadcast_in_dim3A_339 = arith.constant 1 : i32
      %broadcast_in_dim3A_340 = vector.broadcast %broadcast_in_dim3A_339 : i32 to vector<16xi32>
      %scan3A_341 = arith.constant 0 : i32
      %scan3A_342 = arith.constant 0 : i32
      %scan3A_343 = arith.constant 32 : i32
      %scan3A_344 = arith.addi %scan3A_342, %scan3A_343 : i32
      %scan3A_345 = arith.constant 1 : i32
      %scan3A_346 = scf.for %scan3A_349 = %scan3A_342 to %scan3A_344 step %scan3A_345 iter_args(%scan3A_350 = %scan3A_341) -> (i32)  : i32 {
        %jit3A_351 = arith.constant 4 : i32
        %div3A_352 = arith.divsi %scan3A_349, %jit3A_351 : i32
        %sign3A_353 = arith.constant 0 : i32
        %sign3A_354 = arith.cmpi sgt, %scan3A_349, %sign3A_353 : i32
        %sign3A_355 = arith.extui %sign3A_354 : i1 to i32
        %sign3A_356 = arith.constant 0 : i32
        %sign3A_357 = arith.cmpi slt, %scan3A_349, %sign3A_356 : i32
        %sign3A_358 = arith.extui %sign3A_357 : i1 to i32
        %sign3A_359 = arith.subi %sign3A_355, %sign3A_358 : i32
        %sign3A_360 = arith.constant 0 : i32
        %sign3A_361 = arith.cmpi sgt, %jit3A_351, %sign3A_360 : i32
        %sign3A_362 = arith.extui %sign3A_361 : i1 to i32
        %sign3A_363 = arith.constant 0 : i32
        %sign3A_364 = arith.cmpi slt, %jit3A_351, %sign3A_363 : i32
        %sign3A_365 = arith.extui %sign3A_364 : i1 to i32
        %sign3A_366 = arith.subi %sign3A_362, %sign3A_365 : i32
        %ne3A_367 = arith.cmpi ne, %sign3A_359, %sign3A_366 : i32
        %rem3A_368 = arith.remsi %scan3A_349, %jit3A_351 : i32
        %ne3A_369 = arith.constant 0 : i32
        %ne3A_370 = arith.cmpi ne, %rem3A_368, %ne3A_369 : i32
        %and3A_371 = arith.andi %ne3A_367, %ne3A_370 : i1
        %sub3A_372 = arith.constant 1 : i32
        %sub3A_373 = arith.subi %div3A_352, %sub3A_372 : i32
        %select_n3A_374 = arith.select %and3A_371, %sub3A_373, %div3A_352 : i32
        %jit3A_375 = arith.constant 4 : i32
        %eq3A_376 = arith.constant 0 : i32
        %eq3A_377 = arith.cmpi eq, %jit3A_375, %eq3A_376 : i32
        %jit3A_378 = arith.constant 1 : i32
        %select_n3A_379 = arith.select %eq3A_377, %jit3A_378, %jit3A_375 : i32
        %rem3A_380 = arith.remsi %scan3A_349, %select_n3A_379 : i32
        %ne3A_381 = arith.constant 0 : i32
        %ne3A_382 = arith.cmpi ne, %rem3A_380, %ne3A_381 : i32
        %lt3A_383 = arith.constant 0 : i32
        %lt3A_384 = arith.cmpi slt, %rem3A_380, %lt3A_383 : i32
        %lt3A_385 = arith.constant 0 : i32
        %lt3A_386 = arith.cmpi slt, %select_n3A_379, %lt3A_385 : i32
        %ne3A_387 = arith.xori %lt3A_384, %lt3A_386 : i1
        %and3A_388 = arith.andi %ne3A_387, %ne3A_382 : i1
        %add3A_389 = arith.addi %rem3A_380, %select_n3A_379 : i32
        %select_n3A_390 = arith.select %and3A_388, %add3A_389, %rem3A_380 : i32
        %mul3A_391 = arith.constant 32 : i32
        %mul3A_392 = arith.muli %select_n3A_390, %mul3A_391 : i32
        %add3A_393 = arith.constant 0 : i32
        %add3A_394 = arith.addi %mul3A_392, %add3A_393 : i32
        %broadcast_in_dim3A_395 = arith.constant 0.000000e+00 : f32
        %broadcast_in_dim3A_396 = vector.broadcast %broadcast_in_dim3A_395 : f32 to vector<16xf32>
        %get3A = arith.constant 1 : i32
        %get3A_397 = arith.constant 0 : i32
        %get3A_398 = arith.index_cast %get3A : i32 to index
        %get3A_399 = arith.index_cast %get3A_397 : i32 to index
        %get3A_400 = arith.index_cast %select_n3A_374 : i32 to index
        %get3A_401 = arith.index_cast %add3A_394 : i32 to index
        %get3A_402 = tpu.vector_load %arg5[%get3A_398, %get3A_399, %get3A_400, %get3A_401] {strides = array<i32>} : memref<2x21x8x128xf32, #tpu.memory_space<vmem>>, vector<16xf32>,
        %exp3A = math.exp %get3A_402 : vector<16xf32>
        %add3A_403 = arith.addf %broadcast_in_dim3A_396, %exp3A : vector<16xf32>
        %get3A_404 = arith.constant 1 : i32
        %get3A_405 = arith.constant 1 : i32
        %get3A_406 = arith.index_cast %get3A_404 : i32 to index
        %get3A_407 = arith.index_cast %get3A_405 : i32 to index
        %get3A_408 = arith.index_cast %select_n3A_374 : i32 to index
        %get3A_409 = arith.index_cast %add3A_394 : i32 to index
        %get3A_410 = tpu.vector_load %arg5[%get3A_406, %get3A_407, %get3A_408, %get3A_409] {strides = array<i32>} : memref<2x21x8x128xf32, #tpu.memory_space<vmem>>, vector<16xf32>,
        %exp3A_411 = math.exp %get3A_410 : vector<16xf32>
        %add3A_412 = arith.addf %add3A_403, %exp3A_411 : vector<16xf32>
        %get3A_413 = arith.constant 1 : i32
        %get3A_414 = arith.constant 2 : i32
        %get3A_415 = arith.index_cast %get3A_413 : i32 to index
        %get3A_416 = arith.index_cast %get3A_414 : i32 to index
        %get3A_417 = arith.index_cast %select_n3A_374 : i32 to index
        %get3A_418 = arith.index_cast %add3A_394 : i32 to index
        %get3A_419 = tpu.vector_load %arg5[%get3A_415, %get3A_416, %get3A_417, %get3A_418] {strides = array<i32>} : memref<2x21x8x128xf32, #tpu.memory_space<vmem>>, vector<16xf32>,
        %exp3A_420 = math.exp %get3A_419 : vector<16xf32>
        %add3A_421 = arith.addf %add3A_412, %exp3A_420 : vector<16xf32>
        %get3A_422 = arith.constant 1 : i32
        %get3A_423 = arith.constant 3 : i32
        %get3A_424 = arith.index_cast %get3A_422 : i32 to index
        %get3A_425 = arith.index_cast %get3A_423 : i32 to index
        %get3A_426 = arith.index_cast %select_n3A_374 : i32 to index
        %get3A_427 = arith.index_cast %add3A_394 : i32 to index
        %get3A_428 = tpu.vector_load %arg5[%get3A_424, %get3A_425, %get3A_426, %get3A_427] {strides = array<i32>} : memref<2x21x8x128xf32, #tpu.memory_space<vmem>>, vector<16xf32>,
        %exp3A_429 = math.exp %get3A_428 : vector<16xf32>
        %add3A_430 = arith.addf %add3A_421, %exp3A_429 : vector<16xf32>
        %get3A_431 = arith.constant 1 : i32
        %get3A_432 = arith.constant 4 : i32
        %get3A_433 = arith.index_cast %get3A_431 : i32 to index
        %get3A_434 = arith.index_cast %get3A_432 : i32 to index
        %get3A_435 = arith.index_cast %select_n3A_374 : i32 to index
        %get3A_436 = arith.index_cast %add3A_394 : i32 to index
        %get3A_437 = tpu.vector_load %arg5[%get3A_433, %get3A_434, %get3A_435, %get3A_436] {strides = array<i32>} : memref<2x21x8x128xf32, #tpu.memory_space<vmem>>, vector<16xf32>,
        %exp3A_438 = math.exp %get3A_437 : vector<16xf32>
        %add3A_439 = arith.addf %add3A_430, %exp3A_438 : vector<16xf32>
        %get3A_440 = arith.constant 1 : i32
        %get3A_441 = arith.constant 5 : i32
        %get3A_442 = arith.index_cast %get3A_440 : i32 to index
        %get3A_443 = arith.index_cast %get3A_441 : i32 to index
        %get3A_444 = arith.index_cast %select_n3A_374 : i32 to index
        %get3A_445 = arith.index_cast %add3A_394 : i32 to index
        %get3A_446 = tpu.vector_load %arg5[%get3A_442, %get3A_443, %get3A_444, %get3A_445] {strides = array<i32>} : memref<2x21x8x128xf32, #tpu.memory_space<vmem>>, vector<16xf32>,
        %exp3A_447 = math.exp %get3A_446 : vector<16xf32>
        %add3A_448 = arith.addf %add3A_439, %exp3A_447 : vector<16xf32>
        %get3A_449 = arith.constant 1 : i32
        %get3A_450 = arith.constant 6 : i32
        %get3A_451 = arith.index_cast %get3A_449 : i32 to index
        %get3A_452 = arith.index_cast %get3A_450 : i32 to index
        %get3A_453 = arith.index_cast %select_n3A_374 : i32 to index
        %get3A_454 = arith.index_cast %add3A_394 : i32 to index
        %get3A_455 = tpu.vector_load %arg5[%get3A_451, %get3A_452, %get3A_453, %get3A_454] {strides = array<i32>} : memref<2x21x8x128xf32, #tpu.memory_space<vmem>>, vector<16xf32>,
        %exp3A_456 = math.exp %get3A_455 : vector<16xf32>
        %add3A_457 = arith.addf %add3A_448, %exp3A_456 : vector<16xf32>
        %get3A_458 = arith.constant 1 : i32
        %get3A_459 = arith.constant 7 : i32
        %get3A_460 = arith.index_cast %get3A_458 : i32 to index
        %get3A_461 = arith.index_cast %get3A_459 : i32 to index
        %get3A_462 = arith.index_cast %select_n3A_374 : i32 to index
        %get3A_463 = arith.index_cast %add3A_394 : i32 to index
        %get3A_464 = tpu.vector_load %arg5[%get3A_460, %get3A_461, %get3A_462, %get3A_463] {strides = array<i32>} : memref<2x21x8x128xf32, #tpu.memory_space<vmem>>, vector<16xf32>,
        %exp3A_465 = math.exp %get3A_464 : vector<16xf32>
        %add3A_466 = arith.addf %add3A_457, %exp3A_465 : vector<16xf32>
        %get3A_467 = arith.constant 1 : i32
        %get3A_468 = arith.constant 8 : i32
        %get3A_469 = arith.index_cast %get3A_467 : i32 to index
        %get3A_470 = arith.index_cast %get3A_468 : i32 to index
        %get3A_471 = arith.index_cast %select_n3A_374 : i32 to index
        %get3A_472 = arith.index_cast %add3A_394 : i32 to index
        %get3A_473 = tpu.vector_load %arg5[%get3A_469, %get3A_470, %get3A_471, %get3A_472] {strides = array<i32>} : memref<2x21x8x128xf32, #tpu.memory_space<vmem>>, vector<16xf32>,
        %exp3A_474 = math.exp %get3A_473 : vector<16xf32>
        %add3A_475 = arith.addf %add3A_466, %exp3A_474 : vector<16xf32>
        %get3A_476 = arith.constant 1 : i32
        %get3A_477 = arith.constant 9 : i32
        %get3A_478 = arith.index_cast %get3A_476 : i32 to index
        %get3A_479 = arith.index_cast %get3A_477 : i32 to index
        %get3A_480 = arith.index_cast %select_n3A_374 : i32 to index
        %get3A_481 = arith.index_cast %add3A_394 : i32 to index
        %get3A_482 = tpu.vector_load %arg5[%get3A_478, %get3A_479, %get3A_480, %get3A_481] {strides = array<i32>} : memref<2x21x8x128xf32, #tpu.memory_space<vmem>>, vector<16xf32>,
        %exp3A_483 = math.exp %get3A_482 : vector<16xf32>
        %add3A_484 = arith.addf %add3A_475, %exp3A_483 : vector<16xf32>
        %get3A_485 = arith.constant 1 : i32
        %get3A_486 = arith.constant 10 : i32
        %get3A_487 = arith.index_cast %get3A_485 : i32 to index
        %get3A_488 = arith.index_cast %get3A_486 : i32 to index
        %get3A_489 = arith.index_cast %select_n3A_374 : i32 to index
        %get3A_490 = arith.index_cast %add3A_394 : i32 to index
        %get3A_491 = tpu.vector_load %arg5[%get3A_487, %get3A_488, %get3A_489, %get3A_490] {strides = array<i32>} : memref<2x21x8x128xf32, #tpu.memory_space<vmem>>, vector<16xf32>,
        %exp3A_492 = math.exp %get3A_491 : vector<16xf32>
        %add3A_493 = arith.addf %add3A_484, %exp3A_492 : vector<16xf32>
        %get3A_494 = arith.constant 1 : i32
        %get3A_495 = arith.constant 11 : i32
        %get3A_496 = arith.index_cast %get3A_494 : i32 to index
        %get3A_497 = arith.index_cast %get3A_495 : i32 to index
        %get3A_498 = arith.index_cast %select_n3A_374 : i32 to index
        %get3A_499 = arith.index_cast %add3A_394 : i32 to index
        %get3A_500 = tpu.vector_load %arg5[%get3A_496, %get3A_497, %get3A_498, %get3A_499] {strides = array<i32>} : memref<2x21x8x128xf32, #tpu.memory_space<vmem>>, vector<16xf32>,
        %exp3A_501 = math.exp %get3A_500 : vector<16xf32>
        %add3A_502 = arith.addf %add3A_493, %exp3A_501 : vector<16xf32>
        %get3A_503 = arith.constant 1 : i32
        %get3A_504 = arith.constant 12 : i32
        %get3A_505 = arith.index_cast %get3A_503 : i32 to index
        %get3A_506 = arith.index_cast %get3A_504 : i32 to index
        %get3A_507 = arith.index_cast %select_n3A_374 : i32 to index
        %get3A_508 = arith.index_cast %add3A_394 : i32 to index
        %get3A_509 = tpu.vector_load %arg5[%get3A_505, %get3A_506, %get3A_507, %get3A_508] {strides = array<i32>} : memref<2x21x8x128xf32, #tpu.memory_space<vmem>>, vector<16xf32>,
        %exp3A_510 = math.exp %get3A_509 : vector<16xf32>
        %add3A_511 = arith.addf %add3A_502, %exp3A_510 : vector<16xf32>
        %get3A_512 = arith.constant 1 : i32
        %get3A_513 = arith.constant 13 : i32
        %get3A_514 = arith.index_cast %get3A_512 : i32 to index
        %get3A_515 = arith.index_cast %get3A_513 : i32 to index
        %get3A_516 = arith.index_cast %select_n3A_374 : i32 to index
        %get3A_517 = arith.index_cast %add3A_394 : i32 to index
        %get3A_518 = tpu.vector_load %arg5[%get3A_514, %get3A_515, %get3A_516, %get3A_517] {strides = array<i32>} : memref<2x21x8x128xf32, #tpu.memory_space<vmem>>, vector<16xf32>,
        %exp3A_519 = math.exp %get3A_518 : vector<16xf32>
        %add3A_520 = arith.addf %add3A_511, %exp3A_519 : vector<16xf32>
        %get3A_521 = arith.constant 1 : i32
        %get3A_522 = arith.constant 14 : i32
        %get3A_523 = arith.index_cast %get3A_521 : i32 to index
        %get3A_524 = arith.index_cast %get3A_522 : i32 to index
        %get3A_525 = arith.index_cast %select_n3A_374 : i32 to index
        %get3A_526 = arith.index_cast %add3A_394 : i32 to index
        %get3A_527 = tpu.vector_load %arg5[%get3A_523, %get3A_524, %get3A_525, %get3A_526] {strides = array<i32>} : memref<2x21x8x128xf32, #tpu.memory_space<vmem>>, vector<16xf32>,
        %exp3A_528 = math.exp %get3A_527 : vector<16xf32>
        %add3A_529 = arith.addf %add3A_520, %exp3A_528 : vector<16xf32>
        %get3A_530 = arith.constant 1 : i32
        %get3A_531 = arith.constant 15 : i32
        %get3A_532 = arith.index_cast %get3A_530 : i32 to index
        %get3A_533 = arith.index_cast %get3A_531 : i32 to index
        %get3A_534 = arith.index_cast %select_n3A_374 : i32 to index
        %get3A_535 = arith.index_cast %add3A_394 : i32 to index
        %get3A_536 = tpu.vector_load %arg5[%get3A_532, %get3A_533, %get3A_534, %get3A_535] {strides = array<i32>} : memref<2x21x8x128xf32, #tpu.memory_space<vmem>>, vector<16xf32>,
        %exp3A_537 = math.exp %get3A_536 : vector<16xf32>
        %add3A_538 = arith.addf %add3A_529, %exp3A_537 : vector<16xf32>
        %get3A_539 = arith.constant 1 : i32
        %get3A_540 = arith.constant 16 : i32
        %get3A_541 = arith.index_cast %get3A_539 : i32 to index
        %get3A_542 = arith.index_cast %get3A_540 : i32 to index
        %get3A_543 = arith.index_cast %select_n3A_374 : i32 to index
        %get3A_544 = arith.index_cast %add3A_394 : i32 to index
        %get3A_545 = tpu.vector_load %arg5[%get3A_541, %get3A_542, %get3A_543, %get3A_544] {strides = array<i32>} : memref<2x21x8x128xf32, #tpu.memory_space<vmem>>, vector<16xf32>,
        %exp3A_546 = math.exp %get3A_545 : vector<16xf32>
        %add3A_547 = arith.addf %add3A_538, %exp3A_546 : vector<16xf32>
        %get3A_548 = arith.constant 1 : i32
        %get3A_549 = arith.constant 17 : i32
        %get3A_550 = arith.index_cast %get3A_548 : i32 to index
        %get3A_551 = arith.index_cast %get3A_549 : i32 to index
        %get3A_552 = arith.index_cast %select_n3A_374 : i32 to index
        %get3A_553 = arith.index_cast %add3A_394 : i32 to index
        %get3A_554 = tpu.vector_load %arg5[%get3A_550, %get3A_551, %get3A_552, %get3A_553] {strides = array<i32>} : memref<2x21x8x128xf32, #tpu.memory_space<vmem>>, vector<16xf32>,
        %exp3A_555 = math.exp %get3A_554 : vector<16xf32>
        %add3A_556 = arith.addf %add3A_547, %exp3A_555 : vector<16xf32>
        %get3A_557 = arith.constant 1 : i32
        %get3A_558 = arith.constant 18 : i32
        %get3A_559 = arith.index_cast %get3A_557 : i32 to index
        %get3A_560 = arith.index_cast %get3A_558 : i32 to index
        %get3A_561 = arith.index_cast %select_n3A_374 : i32 to index
        %get3A_562 = arith.index_cast %add3A_394 : i32 to index
        %get3A_563 = tpu.vector_load %arg5[%get3A_559, %get3A_560, %get3A_561, %get3A_562] {strides = array<i32>} : memref<2x21x8x128xf32, #tpu.memory_space<vmem>>, vector<16xf32>,
        %exp3A_564 = math.exp %get3A_563 : vector<16xf32>
        %add3A_565 = arith.addf %add3A_556, %exp3A_564 : vector<16xf32>
        %get3A_566 = arith.constant 1 : i32
        %get3A_567 = arith.constant 19 : i32
        %get3A_568 = arith.index_cast %get3A_566 : i32 to index
        %get3A_569 = arith.index_cast %get3A_567 : i32 to index
        %get3A_570 = arith.index_cast %select_n3A_374 : i32 to index
        %get3A_571 = arith.index_cast %add3A_394 : i32 to index
        %get3A_572 = tpu.vector_load %arg5[%get3A_568, %get3A_569, %get3A_570, %get3A_571] {strides = array<i32>} : memref<2x21x8x128xf32, #tpu.memory_space<vmem>>, vector<16xf32>,
        %exp3A_573 = math.exp %get3A_572 : vector<16xf32>
        %add3A_574 = arith.addf %add3A_565, %exp3A_573 : vector<16xf32>
        %get3A_575 = arith.constant 1 : i32
        %get3A_576 = arith.constant 20 : i32
        %get3A_577 = arith.index_cast %get3A_575 : i32 to index
        %get3A_578 = arith.index_cast %get3A_576 : i32 to index
        %get3A_579 = arith.index_cast %select_n3A_374 : i32 to index
        %get3A_580 = arith.index_cast %add3A_394 : i32 to index
        %get3A_581 = tpu.vector_load %arg5[%get3A_577, %get3A_578, %get3A_579, %get3A_580] {strides = array<i32>} : memref<2x21x8x128xf32, #tpu.memory_space<vmem>>, vector<16xf32>,
        %exp3A_582 = math.exp %get3A_581 : vector<16xf32>
        %add3A_583 = arith.addf %add3A_574, %exp3A_582 : vector<16xf32>
        %div3A_584 = arith.constant 1.024000e+03 : f32
        %div3A_585 = vector.broadcast %div3A_584 : f32 to vector<16xf32>
        %div3A_586 = arith.divf %div3A_585, %add3A_583 : vector<16xf32>
        %get3A_587 = arith.constant 1 : i32
        %get3A_588 = arith.index_cast %get3A_587 : i32 to index
        %get3A_589 = arith.index_cast %select_n3A_374 : i32 to index
        %get3A_590 = arith.index_cast %add3A_394 : i32 to index
        %get3A_591 = tpu.vector_load %arg6[%get3A_588, %get3A_589, %get3A_590] {strides = array<i32>} : memref<2x8x128xi32, #tpu.memory_space<vmem>>, vector<16xi32>,
        %add3A_592 = arith.constant 16 : i32
        %add3A_593 = arith.addi %mul3A_392, %add3A_592 : i32
        %broadcast_in_dim3A_594 = arith.constant 0.000000e+00 : f32
        %broadcast_in_dim3A_595 = vector.broadcast %broadcast_in_dim3A_594 : f32 to vector<16xf32>
        %get3A_596 = arith.constant 1 : i32
        %get3A_597 = arith.constant 0 : i32
        %get3A_598 = arith.index_cast %get3A_596 : i32 to index
        %get3A_599 = arith.index_cast %get3A_597 : i32 to index
        %get3A_600 = arith.index_cast %select_n3A_374 : i32 to index
        %get3A_601 = arith.index_cast %add3A_593 : i32 to index
        %get3A_602 = tpu.vector_load %arg5[%get3A_598, %get3A_599, %get3A_600, %get3A_601] {strides = array<i32>} : memref<2x21x8x128xf32, #tpu.memory_space<vmem>>, vector<16xf32>,
        %exp3A_603 = math.exp %get3A_602 : vector<16xf32>
        %add3A_604 = arith.addf %broadcast_in_dim3A_595, %exp3A_603 : vector<16xf32>
        %get3A_605 = arith.constant 1 : i32
        %get3A_606 = arith.constant 1 : i32
        %get3A_607 = arith.index_cast %get3A_605 : i32 to index
        %get3A_608 = arith.index_cast %get3A_606 : i32 to index
        %get3A_609 = arith.index_cast %select_n3A_374 : i32 to index
        %get3A_610 = arith.index_cast %add3A_593 : i32 to index
        %get3A_611 = tpu.vector_load %arg5[%get3A_607, %get3A_608, %get3A_609, %get3A_610] {strides = array<i32>} : memref<2x21x8x128xf32, #tpu.memory_space<vmem>>, vector<16xf32>,
        %exp3A_612 = math.exp %get3A_611 : vector<16xf32>
        %add3A_613 = arith.addf %add3A_604, %exp3A_612 : vector<16xf32>
        %get3A_614 = arith.constant 1 : i32
        %get3A_615 = arith.constant 2 : i32
        %get3A_616 = arith.index_cast %get3A_614 : i32 to index
        %get3A_617 = arith.index_cast %get3A_615 : i32 to index
        %get3A_618 = arith.index_cast %select_n3A_374 : i32 to index
        %get3A_619 = arith.index_cast %add3A_593 : i32 to index
        %get3A_620 = tpu.vector_load %arg5[%get3A_616, %get3A_617, %get3A_618, %get3A_619] {strides = array<i32>} : memref<2x21x8x128xf32, #tpu.memory_space<vmem>>, vector<16xf32>,
        %exp3A_621 = math.exp %get3A_620 : vector<16xf32>
        %add3A_622 = arith.addf %add3A_613, %exp3A_621 : vector<16xf32>
        %get3A_623 = arith.constant 1 : i32
        %get3A_624 = arith.constant 3 : i32
        %get3A_625 = arith.index_cast %get3A_623 : i32 to index
        %get3A_626 = arith.index_cast %get3A_624 : i32 to index
        %get3A_627 = arith.index_cast %select_n3A_374 : i32 to index
        %get3A_628 = arith.index_cast %add3A_593 : i32 to index
        %get3A_629 = tpu.vector_load %arg5[%get3A_625, %get3A_626, %get3A_627, %get3A_628] {strides = array<i32>} : memref<2x21x8x128xf32, #tpu.memory_space<vmem>>, vector<16xf32>,
        %exp3A_630 = math.exp %get3A_629 : vector<16xf32>
        %add3A_631 = arith.addf %add3A_622, %exp3A_630 : vector<16xf32>
        %get3A_632 = arith.constant 1 : i32
        %get3A_633 = arith.constant 4 : i32
        %get3A_634 = arith.index_cast %get3A_632 : i32 to index
        %get3A_635 = arith.index_cast %get3A_633 : i32 to index
        %get3A_636 = arith.index_cast %select_n3A_374 : i32 to index
        %get3A_637 = arith.index_cast %add3A_593 : i32 to index
        %get3A_638 = tpu.vector_load %arg5[%get3A_634, %get3A_635, %get3A_636, %get3A_637] {strides = array<i32>} : memref<2x21x8x128xf32, #tpu.memory_space<vmem>>, vector<16xf32>,
        %exp3A_639 = math.exp %get3A_638 : vector<16xf32>
        %add3A_640 = arith.addf %add3A_631, %exp3A_639 : vector<16xf32>
        %get3A_641 = arith.constant 1 : i32
        %get3A_642 = arith.constant 5 : i32
        %get3A_643 = arith.index_cast %get3A_641 : i32 to index
        %get3A_644 = arith.index_cast %get3A_642 : i32 to index
        %get3A_645 = arith.index_cast %select_n3A_374 : i32 to index
        %get3A_646 = arith.index_cast %add3A_593 : i32 to index
        %get3A_647 = tpu.vector_load %arg5[%get3A_643, %get3A_644, %get3A_645, %get3A_646] {strides = array<i32>} : memref<2x21x8x128xf32, #tpu.memory_space<vmem>>, vector<16xf32>,
        %exp3A_648 = math.exp %get3A_647 : vector<16xf32>
        %add3A_649 = arith.addf %add3A_640, %exp3A_648 : vector<16xf32>
        %get3A_650 = arith.constant 1 : i32
        %get3A_651 = arith.constant 6 : i32
        %get3A_652 = arith.index_cast %get3A_650 : i32 to index
        %get3A_653 = arith.index_cast %get3A_651 : i32 to index
        %get3A_654 = arith.index_cast %select_n3A_374 : i32 to index
        %get3A_655 = arith.index_cast %add3A_593 : i32 to index
        %get3A_656 = tpu.vector_load %arg5[%get3A_652, %get3A_653, %get3A_654, %get3A_655] {strides = array<i32>} : memref<2x21x8x128xf32, #tpu.memory_space<vmem>>, vector<16xf32>,
        %exp3A_657 = math.exp %get3A_656 : vector<16xf32>
        %add3A_658 = arith.addf %add3A_649, %exp3A_657 : vector<16xf32>
        %get3A_659 = arith.constant 1 : i32
        %get3A_660 = arith.constant 7 : i32
        %get3A_661 = arith.index_cast %get3A_659 : i32 to index
        %get3A_662 = arith.index_cast %get3A_660 : i32 to index
        %get3A_663 = arith.index_cast %select_n3A_374 : i32 to index
        %get3A_664 = arith.index_cast %add3A_593 : i32 to index
        %get3A_665 = tpu.vector_load %arg5[%get3A_661, %get3A_662, %get3A_663, %get3A_664] {strides = array<i32>} : memref<2x21x8x128xf32, #tpu.memory_space<vmem>>, vector<16xf32>,
        %exp3A_666 = math.exp %get3A_665 : vector<16xf32>
        %add3A_667 = arith.addf %add3A_658, %exp3A_666 : vector<16xf32>
        %get3A_668 = arith.constant 1 : i32
        %get3A_669 = arith.constant 8 : i32
        %get3A_670 = arith.index_cast %get3A_668 : i32 to index
        %get3A_671 = arith.index_cast %get3A_669 : i32 to index
        %get3A_672 = arith.index_cast %select_n3A_374 : i32 to index
        %get3A_673 = arith.index_cast %add3A_593 : i32 to index
        %get3A_674 = tpu.vector_load %arg5[%get3A_670, %get3A_671, %get3A_672, %get3A_673] {strides = array<i32>} : memref<2x21x8x128xf32, #tpu.memory_space<vmem>>, vector<16xf32>,
        %exp3A_675 = math.exp %get3A_674 : vector<16xf32>
        %add3A_676 = arith.addf %add3A_667, %exp3A_675 : vector<16xf32>
        %get3A_677 = arith.constant 1 : i32
        %get3A_678 = arith.constant 9 : i32
        %get3A_679 = arith.index_cast %get3A_677 : i32 to index
        %get3A_680 = arith.index_cast %get3A_678 : i32 to index
        %get3A_681 = arith.index_cast %select_n3A_374 : i32 to index
        %get3A_682 = arith.index_cast %add3A_593 : i32 to index
        %get3A_683 = tpu.vector_load %arg5[%get3A_679, %get3A_680, %get3A_681, %get3A_682] {strides = array<i32>} : memref<2x21x8x128xf32, #tpu.memory_space<vmem>>, vector<16xf32>,
        %exp3A_684 = math.exp %get3A_683 : vector<16xf32>
        %add3A_685 = arith.addf %add3A_676, %exp3A_684 : vector<16xf32>
        %get3A_686 = arith.constant 1 : i32
        %get3A_687 = arith.constant 10 : i32
        %get3A_688 = arith.index_cast %get3A_686 : i32 to index
        %get3A_689 = arith.index_cast %get3A_687 : i32 to index
        %get3A_690 = arith.index_cast %select_n3A_374 : i32 to index
        %get3A_691 = arith.index_cast %add3A_593 : i32 to index
        %get3A_692 = tpu.vector_load %arg5[%get3A_688, %get3A_689, %get3A_690, %get3A_691] {strides = array<i32>} : memref<2x21x8x128xf32, #tpu.memory_space<vmem>>, vector<16xf32>,
        %exp3A_693 = math.exp %get3A_692 : vector<16xf32>
        %add3A_694 = arith.addf %add3A_685, %exp3A_693 : vector<16xf32>
        %get3A_695 = arith.constant 1 : i32
        %get3A_696 = arith.constant 11 : i32
        %get3A_697 = arith.index_cast %get3A_695 : i32 to index
        %get3A_698 = arith.index_cast %get3A_696 : i32 to index
        %get3A_699 = arith.index_cast %select_n3A_374 : i32 to index
        %get3A_700 = arith.index_cast %add3A_593 : i32 to index
        %get3A_701 = tpu.vector_load %arg5[%get3A_697, %get3A_698, %get3A_699, %get3A_700] {strides = array<i32>} : memref<2x21x8x128xf32, #tpu.memory_space<vmem>>, vector<16xf32>,
        %exp3A_702 = math.exp %get3A_701 : vector<16xf32>
        %add3A_703 = arith.addf %add3A_694, %exp3A_702 : vector<16xf32>
        %get3A_704 = arith.constant 1 : i32
        %get3A_705 = arith.constant 12 : i32
        %get3A_706 = arith.index_cast %get3A_704 : i32 to index
        %get3A_707 = arith.index_cast %get3A_705 : i32 to index
        %get3A_708 = arith.index_cast %select_n3A_374 : i32 to index
        %get3A_709 = arith.index_cast %add3A_593 : i32 to index
        %get3A_710 = tpu.vector_load %arg5[%get3A_706, %get3A_707, %get3A_708, %get3A_709] {strides = array<i32>} : memref<2x21x8x128xf32, #tpu.memory_space<vmem>>, vector<16xf32>,
        %exp3A_711 = math.exp %get3A_710 : vector<16xf32>
        %add3A_712 = arith.addf %add3A_703, %exp3A_711 : vector<16xf32>
        %get3A_713 = arith.constant 1 : i32
        %get3A_714 = arith.constant 13 : i32
        %get3A_715 = arith.index_cast %get3A_713 : i32 to index
        %get3A_716 = arith.index_cast %get3A_714 : i32 to index
        %get3A_717 = arith.index_cast %select_n3A_374 : i32 to index
        %get3A_718 = arith.index_cast %add3A_593 : i32 to index
        %get3A_719 = tpu.vector_load %arg5[%get3A_715, %get3A_716, %get3A_717, %get3A_718] {strides = array<i32>} : memref<2x21x8x128xf32, #tpu.memory_space<vmem>>, vector<16xf32>,
        %exp3A_720 = math.exp %get3A_719 : vector<16xf32>
        %add3A_721 = arith.addf %add3A_712, %exp3A_720 : vector<16xf32>
        %get3A_722 = arith.constant 1 : i32
        %get3A_723 = arith.constant 14 : i32
        %get3A_724 = arith.index_cast %get3A_722 : i32 to index
        %get3A_725 = arith.index_cast %get3A_723 : i32 to index
        %get3A_726 = arith.index_cast %select_n3A_374 : i32 to index
        %get3A_727 = arith.index_cast %add3A_593 : i32 to index
        %get3A_728 = tpu.vector_load %arg5[%get3A_724, %get3A_725, %get3A_726, %get3A_727] {strides = array<i32>} : memref<2x21x8x128xf32, #tpu.memory_space<vmem>>, vector<16xf32>,
        %exp3A_729 = math.exp %get3A_728 : vector<16xf32>
        %add3A_730 = arith.addf %add3A_721, %exp3A_729 : vector<16xf32>
        %get3A_731 = arith.constant 1 : i32
        %get3A_732 = arith.constant 15 : i32
        %get3A_733 = arith.index_cast %get3A_731 : i32 to index
        %get3A_734 = arith.index_cast %get3A_732 : i32 to index
        %get3A_735 = arith.index_cast %select_n3A_374 : i32 to index
        %get3A_736 = arith.index_cast %add3A_593 : i32 to index
        %get3A_737 = tpu.vector_load %arg5[%get3A_733, %get3A_734, %get3A_735, %get3A_736] {strides = array<i32>} : memref<2x21x8x128xf32, #tpu.memory_space<vmem>>, vector<16xf32>,
        %exp3A_738 = math.exp %get3A_737 : vector<16xf32>
        %add3A_739 = arith.addf %add3A_730, %exp3A_738 : vector<16xf32>
        %get3A_740 = arith.constant 1 : i32
        %get3A_741 = arith.constant 16 : i32
        %get3A_742 = arith.index_cast %get3A_740 : i32 to index
        %get3A_743 = arith.index_cast %get3A_741 : i32 to index
        %get3A_744 = arith.index_cast %select_n3A_374 : i32 to index
        %get3A_745 = arith.index_cast %add3A_593 : i32 to index
        %get3A_746 = tpu.vector_load %arg5[%get3A_742, %get3A_743, %get3A_744, %get3A_745] {strides = array<i32>} : memref<2x21x8x128xf32, #tpu.memory_space<vmem>>, vector<16xf32>,
        %exp3A_747 = math.exp %get3A_746 : vector<16xf32>
        %add3A_748 = arith.addf %add3A_739, %exp3A_747 : vector<16xf32>
        %get3A_749 = arith.constant 1 : i32
        %get3A_750 = arith.constant 17 : i32
        %get3A_751 = arith.index_cast %get3A_749 : i32 to index
        %get3A_752 = arith.index_cast %get3A_750 : i32 to index
        %get3A_753 = arith.index_cast %select_n3A_374 : i32 to index
        %get3A_754 = arith.index_cast %add3A_593 : i32 to index
        %get3A_755 = tpu.vector_load %arg5[%get3A_751, %get3A_752, %get3A_753, %get3A_754] {strides = array<i32>} : memref<2x21x8x128xf32, #tpu.memory_space<vmem>>, vector<16xf32>,
        %exp3A_756 = math.exp %get3A_755 : vector<16xf32>
        %add3A_757 = arith.addf %add3A_748, %exp3A_756 : vector<16xf32>
        %get3A_758 = arith.constant 1 : i32
        %get3A_759 = arith.constant 18 : i32
        %get3A_760 = arith.index_cast %get3A_758 : i32 to index
        %get3A_761 = arith.index_cast %get3A_759 : i32 to index
        %get3A_762 = arith.index_cast %select_n3A_374 : i32 to index
        %get3A_763 = arith.index_cast %add3A_593 : i32 to index
        %get3A_764 = tpu.vector_load %arg5[%get3A_760, %get3A_761, %get3A_762, %get3A_763] {strides = array<i32>} : memref<2x21x8x128xf32, #tpu.memory_space<vmem>>, vector<16xf32>,
        %exp3A_765 = math.exp %get3A_764 : vector<16xf32>
        %add3A_766 = arith.addf %add3A_757, %exp3A_765 : vector<16xf32>
        %get3A_767 = arith.constant 1 : i32
        %get3A_768 = arith.constant 19 : i32
        %get3A_769 = arith.index_cast %get3A_767 : i32 to index
        %get3A_770 = arith.index_cast %get3A_768 : i32 to index
        %get3A_771 = arith.index_cast %select_n3A_374 : i32 to index
        %get3A_772 = arith.index_cast %add3A_593 : i32 to index
        %get3A_773 = tpu.vector_load %arg5[%get3A_769, %get3A_770, %get3A_771, %get3A_772] {strides = array<i32>} : memref<2x21x8x128xf32, #tpu.memory_space<vmem>>, vector<16xf32>,
        %exp3A_774 = math.exp %get3A_773 : vector<16xf32>
        %add3A_775 = arith.addf %add3A_766, %exp3A_774 : vector<16xf32>
        %get3A_776 = arith.constant 1 : i32
        %get3A_777 = arith.constant 20 : i32
        %get3A_778 = arith.index_cast %get3A_776 : i32 to index
        %get3A_779 = arith.index_cast %get3A_777 : i32 to index
        %get3A_780 = arith.index_cast %select_n3A_374 : i32 to index
        %get3A_781 = arith.index_cast %add3A_593 : i32 to index
        %get3A_782 = tpu.vector_load %arg5[%get3A_778, %get3A_779, %get3A_780, %get3A_781] {strides = array<i32>} : memref<2x21x8x128xf32, #tpu.memory_space<vmem>>, vector<16xf32>,
        %exp3A_783 = math.exp %get3A_782 : vector<16xf32>
        %add3A_784 = arith.addf %add3A_775, %exp3A_783 : vector<16xf32>
        %div3A_785 = arith.constant 1.024000e+03 : f32
        %div3A_786 = vector.broadcast %div3A_785 : f32 to vector<16xf32>
        %div3A_787 = arith.divf %div3A_786, %add3A_784 : vector<16xf32>
        %get3A_788 = arith.constant 1 : i32
        %get3A_789 = arith.index_cast %get3A_788 : i32 to index
        %get3A_790 = arith.index_cast %select_n3A_374 : i32 to index
        %get3A_791 = arith.index_cast %add3A_593 : i32 to index
        %get3A_792 = tpu.vector_load %arg6[%get3A_789, %get3A_790, %get3A_791] {strides = array<i32>} : memref<2x8x128xi32, #tpu.memory_space<vmem>>, vector<16xi32>,
        %mul3A_793 = arith.mulf %exp3A, %div3A_586 : vector<16xf32>
        %convert_element_type3A_794 = arith.fptosi %mul3A_793 : vector<16xf32> to vector<16xi32>
        %min3A = arith.constant 1023 : i32
        %min3A_795 = vector.broadcast %min3A : i32 to vector<16xi32>
        %min3A_796 = arith.minsi %convert_element_type3A_794, %min3A_795 : vector<16xi32>
        %eq3A_797 = arith.constant 0 : i32
        %eq3A_798 = vector.broadcast %eq3A_797 : i32 to vector<16xi32>
        %eq3A_799 = arith.cmpi eq, %get3A_591, %eq3A_798 : vector<16xi32>
        %sub3A_800 = arith.constant 22527 : i32
        %sub3A_801 = vector.broadcast %sub3A_800 : i32 to vector<16xi32>
        %sub3A_802 = arith.subi %sub3A_801, %min3A_796 : vector<16xi32>
        %select_n3A_803 = arith.select %eq3A_799, %sub3A_802, %min3A_796 : vector<16xi1>, vector<16xi32>
        %add3A_804 = arith.constant 0 : i32
        %add3A_805 = vector.broadcast %add3A_804 : i32 to vector<16xi32>
        %add3A_806 = arith.addi %add3A_805, %select_n3A_803 : vector<16xi32>
        tpu.vector_store_idx %arg7[%add3A_806], %broadcast_in_dim3A_340 {add = true} : memref<43008xi32, #tpu.memory_space<vmem>>[vector<16xi32>], vector<16xi32>,
        %mul3A_807 = arith.mulf %exp3A_411, %div3A_586 : vector<16xf32>
        %convert_element_type3A_808 = arith.fptosi %mul3A_807 : vector<16xf32> to vector<16xi32>
        %min3A_809 = arith.constant 1023 : i32
        %min3A_810 = vector.broadcast %min3A_809 : i32 to vector<16xi32>
        %min3A_811 = arith.minsi %convert_element_type3A_808, %min3A_810 : vector<16xi32>
        %eq3A_812 = arith.constant 1 : i32
        %eq3A_813 = vector.broadcast %eq3A_812 : i32 to vector<16xi32>
        %eq3A_814 = arith.cmpi eq, %get3A_591, %eq3A_813 : vector<16xi32>
        %sub3A_815 = arith.constant 22527 : i32
        %sub3A_816 = vector.broadcast %sub3A_815 : i32 to vector<16xi32>
        %sub3A_817 = arith.subi %sub3A_816, %min3A_811 : vector<16xi32>
        %select_n3A_818 = arith.select %eq3A_814, %sub3A_817, %min3A_811 : vector<16xi1>, vector<16xi32>
        %add3A_819 = arith.constant 1024 : i32
        %add3A_820 = vector.broadcast %add3A_819 : i32 to vector<16xi32>
        %add3A_821 = arith.addi %add3A_820, %select_n3A_818 : vector<16xi32>
        tpu.vector_store_idx %arg7[%add3A_821], %broadcast_in_dim3A_340 {add = true} : memref<43008xi32, #tpu.memory_space<vmem>>[vector<16xi32>], vector<16xi32>,
        %mul3A_822 = arith.mulf %exp3A_420, %div3A_586 : vector<16xf32>
        %convert_element_type3A_823 = arith.fptosi %mul3A_822 : vector<16xf32> to vector<16xi32>
        %min3A_824 = arith.constant 1023 : i32
        %min3A_825 = vector.broadcast %min3A_824 : i32 to vector<16xi32>
        %min3A_826 = arith.minsi %convert_element_type3A_823, %min3A_825 : vector<16xi32>
        %eq3A_827 = arith.constant 2 : i32
        %eq3A_828 = vector.broadcast %eq3A_827 : i32 to vector<16xi32>
        %eq3A_829 = arith.cmpi eq, %get3A_591, %eq3A_828 : vector<16xi32>
        %sub3A_830 = arith.constant 22527 : i32
        %sub3A_831 = vector.broadcast %sub3A_830 : i32 to vector<16xi32>
        %sub3A_832 = arith.subi %sub3A_831, %min3A_826 : vector<16xi32>
        %select_n3A_833 = arith.select %eq3A_829, %sub3A_832, %min3A_826 : vector<16xi1>, vector<16xi32>
        %add3A_834 = arith.constant 2048 : i32
        %add3A_835 = vector.broadcast %add3A_834 : i32 to vector<16xi32>
        %add3A_836 = arith.addi %add3A_835, %select_n3A_833 : vector<16xi32>
        tpu.vector_store_idx %arg7[%add3A_836], %broadcast_in_dim3A_340 {add = true} : memref<43008xi32, #tpu.memory_space<vmem>>[vector<16xi32>], vector<16xi32>,
        %mul3A_837 = arith.mulf %exp3A_429, %div3A_586 : vector<16xf32>
        %convert_element_type3A_838 = arith.fptosi %mul3A_837 : vector<16xf32> to vector<16xi32>
        %min3A_839 = arith.constant 1023 : i32
        %min3A_840 = vector.broadcast %min3A_839 : i32 to vector<16xi32>
        %min3A_841 = arith.minsi %convert_element_type3A_838, %min3A_840 : vector<16xi32>
        %eq3A_842 = arith.constant 3 : i32
        %eq3A_843 = vector.broadcast %eq3A_842 : i32 to vector<16xi32>
        %eq3A_844 = arith.cmpi eq, %get3A_591, %eq3A_843 : vector<16xi32>
        %sub3A_845 = arith.constant 22527 : i32
        %sub3A_846 = vector.broadcast %sub3A_845 : i32 to vector<16xi32>
        %sub3A_847 = arith.subi %sub3A_846, %min3A_841 : vector<16xi32>
        %select_n3A_848 = arith.select %eq3A_844, %sub3A_847, %min3A_841 : vector<16xi1>, vector<16xi32>
        %add3A_849 = arith.constant 3072 : i32
        %add3A_850 = vector.broadcast %add3A_849 : i32 to vector<16xi32>
        %add3A_851 = arith.addi %add3A_850, %select_n3A_848 : vector<16xi32>
        tpu.vector_store_idx %arg7[%add3A_851], %broadcast_in_dim3A_340 {add = true} : memref<43008xi32, #tpu.memory_space<vmem>>[vector<16xi32>], vector<16xi32>,
        %mul3A_852 = arith.mulf %exp3A_438, %div3A_586 : vector<16xf32>
        %convert_element_type3A_853 = arith.fptosi %mul3A_852 : vector<16xf32> to vector<16xi32>
        %min3A_854 = arith.constant 1023 : i32
        %min3A_855 = vector.broadcast %min3A_854 : i32 to vector<16xi32>
        %min3A_856 = arith.minsi %convert_element_type3A_853, %min3A_855 : vector<16xi32>
        %eq3A_857 = arith.constant 4 : i32
        %eq3A_858 = vector.broadcast %eq3A_857 : i32 to vector<16xi32>
        %eq3A_859 = arith.cmpi eq, %get3A_591, %eq3A_858 : vector<16xi32>
        %sub3A_860 = arith.constant 22527 : i32
        %sub3A_861 = vector.broadcast %sub3A_860 : i32 to vector<16xi32>
        %sub3A_862 = arith.subi %sub3A_861, %min3A_856 : vector<16xi32>
        %select_n3A_863 = arith.select %eq3A_859, %sub3A_862, %min3A_856 : vector<16xi1>, vector<16xi32>
        %add3A_864 = arith.constant 4096 : i32
        %add3A_865 = vector.broadcast %add3A_864 : i32 to vector<16xi32>
        %add3A_866 = arith.addi %add3A_865, %select_n3A_863 : vector<16xi32>
        tpu.vector_store_idx %arg7[%add3A_866], %broadcast_in_dim3A_340 {add = true} : memref<43008xi32, #tpu.memory_space<vmem>>[vector<16xi32>], vector<16xi32>,
        %mul3A_867 = arith.mulf %exp3A_447, %div3A_586 : vector<16xf32>
        %convert_element_type3A_868 = arith.fptosi %mul3A_867 : vector<16xf32> to vector<16xi32>
        %min3A_869 = arith.constant 1023 : i32
        %min3A_870 = vector.broadcast %min3A_869 : i32 to vector<16xi32>
        %min3A_871 = arith.minsi %convert_element_type3A_868, %min3A_870 : vector<16xi32>
        %eq3A_872 = arith.constant 5 : i32
        %eq3A_873 = vector.broadcast %eq3A_872 : i32 to vector<16xi32>
        %eq3A_874 = arith.cmpi eq, %get3A_591, %eq3A_873 : vector<16xi32>
        %sub3A_875 = arith.constant 22527 : i32
        %sub3A_876 = vector.broadcast %sub3A_875 : i32 to vector<16xi32>
        %sub3A_877 = arith.subi %sub3A_876, %min3A_871 : vector<16xi32>
        %select_n3A_878 = arith.select %eq3A_874, %sub3A_877, %min3A_871 : vector<16xi1>, vector<16xi32>
        %add3A_879 = arith.constant 5120 : i32
        %add3A_880 = vector.broadcast %add3A_879 : i32 to vector<16xi32>
        %add3A_881 = arith.addi %add3A_880, %select_n3A_878 : vector<16xi32>
        tpu.vector_store_idx %arg7[%add3A_881], %broadcast_in_dim3A_340 {add = true} : memref<43008xi32, #tpu.memory_space<vmem>>[vector<16xi32>], vector<16xi32>,
        %mul3A_882 = arith.mulf %exp3A_456, %div3A_586 : vector<16xf32>
        %convert_element_type3A_883 = arith.fptosi %mul3A_882 : vector<16xf32> to vector<16xi32>
        %min3A_884 = arith.constant 1023 : i32
        %min3A_885 = vector.broadcast %min3A_884 : i32 to vector<16xi32>
        %min3A_886 = arith.minsi %convert_element_type3A_883, %min3A_885 : vector<16xi32>
        %eq3A_887 = arith.constant 6 : i32
        %eq3A_888 = vector.broadcast %eq3A_887 : i32 to vector<16xi32>
        %eq3A_889 = arith.cmpi eq, %get3A_591, %eq3A_888 : vector<16xi32>
        %sub3A_890 = arith.constant 22527 : i32
        %sub3A_891 = vector.broadcast %sub3A_890 : i32 to vector<16xi32>
        %sub3A_892 = arith.subi %sub3A_891, %min3A_886 : vector<16xi32>
        %select_n3A_893 = arith.select %eq3A_889, %sub3A_892, %min3A_886 : vector<16xi1>, vector<16xi32>
        %add3A_894 = arith.constant 6144 : i32
        %add3A_895 = vector.broadcast %add3A_894 : i32 to vector<16xi32>
        %add3A_896 = arith.addi %add3A_895, %select_n3A_893 : vector<16xi32>
        tpu.vector_store_idx %arg7[%add3A_896], %broadcast_in_dim3A_340 {add = true} : memref<43008xi32, #tpu.memory_space<vmem>>[vector<16xi32>], vector<16xi32>,
        %mul3A_897 = arith.mulf %exp3A_465, %div3A_586 : vector<16xf32>
        %convert_element_type3A_898 = arith.fptosi %mul3A_897 : vector<16xf32> to vector<16xi32>
        %min3A_899 = arith.constant 1023 : i32
        %min3A_900 = vector.broadcast %min3A_899 : i32 to vector<16xi32>
        %min3A_901 = arith.minsi %convert_element_type3A_898, %min3A_900 : vector<16xi32>
        %eq3A_902 = arith.constant 7 : i32
        %eq3A_903 = vector.broadcast %eq3A_902 : i32 to vector<16xi32>
        %eq3A_904 = arith.cmpi eq, %get3A_591, %eq3A_903 : vector<16xi32>
        %sub3A_905 = arith.constant 22527 : i32
        %sub3A_906 = vector.broadcast %sub3A_905 : i32 to vector<16xi32>
        %sub3A_907 = arith.subi %sub3A_906, %min3A_901 : vector<16xi32>
        %select_n3A_908 = arith.select %eq3A_904, %sub3A_907, %min3A_901 : vector<16xi1>, vector<16xi32>
        %add3A_909 = arith.constant 7168 : i32
        %add3A_910 = vector.broadcast %add3A_909 : i32 to vector<16xi32>
        %add3A_911 = arith.addi %add3A_910, %select_n3A_908 : vector<16xi32>
        tpu.vector_store_idx %arg7[%add3A_911], %broadcast_in_dim3A_340 {add = true} : memref<43008xi32, #tpu.memory_space<vmem>>[vector<16xi32>], vector<16xi32>,
        %mul3A_912 = arith.mulf %exp3A_474, %div3A_586 : vector<16xf32>
        %convert_element_type3A_913 = arith.fptosi %mul3A_912 : vector<16xf32> to vector<16xi32>
        %min3A_914 = arith.constant 1023 : i32
        %min3A_915 = vector.broadcast %min3A_914 : i32 to vector<16xi32>
        %min3A_916 = arith.minsi %convert_element_type3A_913, %min3A_915 : vector<16xi32>
        %eq3A_917 = arith.constant 8 : i32
        %eq3A_918 = vector.broadcast %eq3A_917 : i32 to vector<16xi32>
        %eq3A_919 = arith.cmpi eq, %get3A_591, %eq3A_918 : vector<16xi32>
        %sub3A_920 = arith.constant 22527 : i32
        %sub3A_921 = vector.broadcast %sub3A_920 : i32 to vector<16xi32>
        %sub3A_922 = arith.subi %sub3A_921, %min3A_916 : vector<16xi32>
        %select_n3A_923 = arith.select %eq3A_919, %sub3A_922, %min3A_916 : vector<16xi1>, vector<16xi32>
        %add3A_924 = arith.constant 8192 : i32
        %add3A_925 = vector.broadcast %add3A_924 : i32 to vector<16xi32>
        %add3A_926 = arith.addi %add3A_925, %select_n3A_923 : vector<16xi32>
        tpu.vector_store_idx %arg7[%add3A_926], %broadcast_in_dim3A_340 {add = true} : memref<43008xi32, #tpu.memory_space<vmem>>[vector<16xi32>], vector<16xi32>,
        %mul3A_927 = arith.mulf %exp3A_483, %div3A_586 : vector<16xf32>
        %convert_element_type3A_928 = arith.fptosi %mul3A_927 : vector<16xf32> to vector<16xi32>
        %min3A_929 = arith.constant 1023 : i32
        %min3A_930 = vector.broadcast %min3A_929 : i32 to vector<16xi32>
        %min3A_931 = arith.minsi %convert_element_type3A_928, %min3A_930 : vector<16xi32>
        %eq3A_932 = arith.constant 9 : i32
        %eq3A_933 = vector.broadcast %eq3A_932 : i32 to vector<16xi32>
        %eq3A_934 = arith.cmpi eq, %get3A_591, %eq3A_933 : vector<16xi32>
        %sub3A_935 = arith.constant 22527 : i32
        %sub3A_936 = vector.broadcast %sub3A_935 : i32 to vector<16xi32>
        %sub3A_937 = arith.subi %sub3A_936, %min3A_931 : vector<16xi32>
        %select_n3A_938 = arith.select %eq3A_934, %sub3A_937, %min3A_931 : vector<16xi1>, vector<16xi32>
        %add3A_939 = arith.constant 9216 : i32
        %add3A_940 = vector.broadcast %add3A_939 : i32 to vector<16xi32>
        %add3A_941 = arith.addi %add3A_940, %select_n3A_938 : vector<16xi32>
        tpu.vector_store_idx %arg7[%add3A_941], %broadcast_in_dim3A_340 {add = true} : memref<43008xi32, #tpu.memory_space<vmem>>[vector<16xi32>], vector<16xi32>,
        %mul3A_942 = arith.mulf %exp3A_492, %div3A_586 : vector<16xf32>
        %convert_element_type3A_943 = arith.fptosi %mul3A_942 : vector<16xf32> to vector<16xi32>
        %min3A_944 = arith.constant 1023 : i32
        %min3A_945 = vector.broadcast %min3A_944 : i32 to vector<16xi32>
        %min3A_946 = arith.minsi %convert_element_type3A_943, %min3A_945 : vector<16xi32>
        %eq3A_947 = arith.constant 10 : i32
        %eq3A_948 = vector.broadcast %eq3A_947 : i32 to vector<16xi32>
        %eq3A_949 = arith.cmpi eq, %get3A_591, %eq3A_948 : vector<16xi32>
        %sub3A_950 = arith.constant 22527 : i32
        %sub3A_951 = vector.broadcast %sub3A_950 : i32 to vector<16xi32>
        %sub3A_952 = arith.subi %sub3A_951, %min3A_946 : vector<16xi32>
        %select_n3A_953 = arith.select %eq3A_949, %sub3A_952, %min3A_946 : vector<16xi1>, vector<16xi32>
        %add3A_954 = arith.constant 10240 : i32
        %add3A_955 = vector.broadcast %add3A_954 : i32 to vector<16xi32>
        %add3A_956 = arith.addi %add3A_955, %select_n3A_953 : vector<16xi32>
        tpu.vector_store_idx %arg7[%add3A_956], %broadcast_in_dim3A_340 {add = true} : memref<43008xi32, #tpu.memory_space<vmem>>[vector<16xi32>], vector<16xi32>,
        %mul3A_957 = arith.mulf %exp3A_501, %div3A_586 : vector<16xf32>
        %convert_element_type3A_958 = arith.fptosi %mul3A_957 : vector<16xf32> to vector<16xi32>
        %min3A_959 = arith.constant 1023 : i32
        %min3A_960 = vector.broadcast %min3A_959 : i32 to vector<16xi32>
        %min3A_961 = arith.minsi %convert_element_type3A_958, %min3A_960 : vector<16xi32>
        %eq3A_962 = arith.constant 11 : i32
        %eq3A_963 = vector.broadcast %eq3A_962 : i32 to vector<16xi32>
        %eq3A_964 = arith.cmpi eq, %get3A_591, %eq3A_963 : vector<16xi32>
        %sub3A_965 = arith.constant 22527 : i32
        %sub3A_966 = vector.broadcast %sub3A_965 : i32 to vector<16xi32>
        %sub3A_967 = arith.subi %sub3A_966, %min3A_961 : vector<16xi32>
        %select_n3A_968 = arith.select %eq3A_964, %sub3A_967, %min3A_961 : vector<16xi1>, vector<16xi32>
        %add3A_969 = arith.constant 11264 : i32
        %add3A_970 = vector.broadcast %add3A_969 : i32 to vector<16xi32>
        %add3A_971 = arith.addi %add3A_970, %select_n3A_968 : vector<16xi32>
        tpu.vector_store_idx %arg7[%add3A_971], %broadcast_in_dim3A_340 {add = true} : memref<43008xi32, #tpu.memory_space<vmem>>[vector<16xi32>], vector<16xi32>,
        %mul3A_972 = arith.mulf %exp3A_510, %div3A_586 : vector<16xf32>
        %convert_element_type3A_973 = arith.fptosi %mul3A_972 : vector<16xf32> to vector<16xi32>
        %min3A_974 = arith.constant 1023 : i32
        %min3A_975 = vector.broadcast %min3A_974 : i32 to vector<16xi32>
        %min3A_976 = arith.minsi %convert_element_type3A_973, %min3A_975 : vector<16xi32>
        %eq3A_977 = arith.constant 12 : i32
        %eq3A_978 = vector.broadcast %eq3A_977 : i32 to vector<16xi32>
        %eq3A_979 = arith.cmpi eq, %get3A_591, %eq3A_978 : vector<16xi32>
        %sub3A_980 = arith.constant 22527 : i32
        %sub3A_981 = vector.broadcast %sub3A_980 : i32 to vector<16xi32>
        %sub3A_982 = arith.subi %sub3A_981, %min3A_976 : vector<16xi32>
        %select_n3A_983 = arith.select %eq3A_979, %sub3A_982, %min3A_976 : vector<16xi1>, vector<16xi32>
        %add3A_984 = arith.constant 12288 : i32
        %add3A_985 = vector.broadcast %add3A_984 : i32 to vector<16xi32>
        %add3A_986 = arith.addi %add3A_985, %select_n3A_983 : vector<16xi32>
        tpu.vector_store_idx %arg7[%add3A_986], %broadcast_in_dim3A_340 {add = true} : memref<43008xi32, #tpu.memory_space<vmem>>[vector<16xi32>], vector<16xi32>,
        %mul3A_987 = arith.mulf %exp3A_519, %div3A_586 : vector<16xf32>
        %convert_element_type3A_988 = arith.fptosi %mul3A_987 : vector<16xf32> to vector<16xi32>
        %min3A_989 = arith.constant 1023 : i32
        %min3A_990 = vector.broadcast %min3A_989 : i32 to vector<16xi32>
        %min3A_991 = arith.minsi %convert_element_type3A_988, %min3A_990 : vector<16xi32>
        %eq3A_992 = arith.constant 13 : i32
        %eq3A_993 = vector.broadcast %eq3A_992 : i32 to vector<16xi32>
        %eq3A_994 = arith.cmpi eq, %get3A_591, %eq3A_993 : vector<16xi32>
        %sub3A_995 = arith.constant 22527 : i32
        %sub3A_996 = vector.broadcast %sub3A_995 : i32 to vector<16xi32>
        %sub3A_997 = arith.subi %sub3A_996, %min3A_991 : vector<16xi32>
        %select_n3A_998 = arith.select %eq3A_994, %sub3A_997, %min3A_991 : vector<16xi1>, vector<16xi32>
        %add3A_999 = arith.constant 13312 : i32
        %add3A_1000 = vector.broadcast %add3A_999 : i32 to vector<16xi32>
        %add3A_1001 = arith.addi %add3A_1000, %select_n3A_998 : vector<16xi32>
        tpu.vector_store_idx %arg7[%add3A_1001], %broadcast_in_dim3A_340 {add = true} : memref<43008xi32, #tpu.memory_space<vmem>>[vector<16xi32>], vector<16xi32>,
        %mul3A_1002 = arith.mulf %exp3A_528, %div3A_586 : vector<16xf32>
        %convert_element_type3A_1003 = arith.fptosi %mul3A_1002 : vector<16xf32> to vector<16xi32>
        %min3A_1004 = arith.constant 1023 : i32
        %min3A_1005 = vector.broadcast %min3A_1004 : i32 to vector<16xi32>
        %min3A_1006 = arith.minsi %convert_element_type3A_1003, %min3A_1005 : vector<16xi32>
        %eq3A_1007 = arith.constant 14 : i32
        %eq3A_1008 = vector.broadcast %eq3A_1007 : i32 to vector<16xi32>
        %eq3A_1009 = arith.cmpi eq, %get3A_591, %eq3A_1008 : vector<16xi32>
        %sub3A_1010 = arith.constant 22527 : i32
        %sub3A_1011 = vector.broadcast %sub3A_1010 : i32 to vector<16xi32>
        %sub3A_1012 = arith.subi %sub3A_1011, %min3A_1006 : vector<16xi32>
        %select_n3A_1013 = arith.select %eq3A_1009, %sub3A_1012, %min3A_1006 : vector<16xi1>, vector<16xi32>
        %add3A_1014 = arith.constant 14336 : i32
        %add3A_1015 = vector.broadcast %add3A_1014 : i32 to vector<16xi32>
        %add3A_1016 = arith.addi %add3A_1015, %select_n3A_1013 : vector<16xi32>
        tpu.vector_store_idx %arg7[%add3A_1016], %broadcast_in_dim3A_340 {add = true} : memref<43008xi32, #tpu.memory_space<vmem>>[vector<16xi32>], vector<16xi32>,
        %mul3A_1017 = arith.mulf %exp3A_537, %div3A_586 : vector<16xf32>
        %convert_element_type3A_1018 = arith.fptosi %mul3A_1017 : vector<16xf32> to vector<16xi32>
        %min3A_1019 = arith.constant 1023 : i32
        %min3A_1020 = vector.broadcast %min3A_1019 : i32 to vector<16xi32>
        %min3A_1021 = arith.minsi %convert_element_type3A_1018, %min3A_1020 : vector<16xi32>
        %eq3A_1022 = arith.constant 15 : i32
        %eq3A_1023 = vector.broadcast %eq3A_1022 : i32 to vector<16xi32>
        %eq3A_1024 = arith.cmpi eq, %get3A_591, %eq3A_1023 : vector<16xi32>
        %sub3A_1025 = arith.constant 22527 : i32
        %sub3A_1026 = vector.broadcast %sub3A_1025 : i32 to vector<16xi32>
        %sub3A_1027 = arith.subi %sub3A_1026, %min3A_1021 : vector<16xi32>
        %select_n3A_1028 = arith.select %eq3A_1024, %sub3A_1027, %min3A_1021 : vector<16xi1>, vector<16xi32>
        %add3A_1029 = arith.constant 15360 : i32
        %add3A_1030 = vector.broadcast %add3A_1029 : i32 to vector<16xi32>
        %add3A_1031 = arith.addi %add3A_1030, %select_n3A_1028 : vector<16xi32>
        tpu.vector_store_idx %arg7[%add3A_1031], %broadcast_in_dim3A_340 {add = true} : memref<43008xi32, #tpu.memory_space<vmem>>[vector<16xi32>], vector<16xi32>,
        %mul3A_1032 = arith.mulf %exp3A_546, %div3A_586 : vector<16xf32>
        %convert_element_type3A_1033 = arith.fptosi %mul3A_1032 : vector<16xf32> to vector<16xi32>
        %min3A_1034 = arith.constant 1023 : i32
        %min3A_1035 = vector.broadcast %min3A_1034 : i32 to vector<16xi32>
        %min3A_1036 = arith.minsi %convert_element_type3A_1033, %min3A_1035 : vector<16xi32>
        %eq3A_1037 = arith.constant 16 : i32
        %eq3A_1038 = vector.broadcast %eq3A_1037 : i32 to vector<16xi32>
        %eq3A_1039 = arith.cmpi eq, %get3A_591, %eq3A_1038 : vector<16xi32>
        %sub3A_1040 = arith.constant 22527 : i32
        %sub3A_1041 = vector.broadcast %sub3A_1040 : i32 to vector<16xi32>
        %sub3A_1042 = arith.subi %sub3A_1041, %min3A_1036 : vector<16xi32>
        %select_n3A_1043 = arith.select %eq3A_1039, %sub3A_1042, %min3A_1036 : vector<16xi1>, vector<16xi32>
        %add3A_1044 = arith.constant 16384 : i32
        %add3A_1045 = vector.broadcast %add3A_1044 : i32 to vector<16xi32>
        %add3A_1046 = arith.addi %add3A_1045, %select_n3A_1043 : vector<16xi32>
        tpu.vector_store_idx %arg7[%add3A_1046], %broadcast_in_dim3A_340 {add = true} : memref<43008xi32, #tpu.memory_space<vmem>>[vector<16xi32>], vector<16xi32>,
        %mul3A_1047 = arith.mulf %exp3A_555, %div3A_586 : vector<16xf32>
        %convert_element_type3A_1048 = arith.fptosi %mul3A_1047 : vector<16xf32> to vector<16xi32>
        %min3A_1049 = arith.constant 1023 : i32
        %min3A_1050 = vector.broadcast %min3A_1049 : i32 to vector<16xi32>
        %min3A_1051 = arith.minsi %convert_element_type3A_1048, %min3A_1050 : vector<16xi32>
        %eq3A_1052 = arith.constant 17 : i32
        %eq3A_1053 = vector.broadcast %eq3A_1052 : i32 to vector<16xi32>
        %eq3A_1054 = arith.cmpi eq, %get3A_591, %eq3A_1053 : vector<16xi32>
        %sub3A_1055 = arith.constant 22527 : i32
        %sub3A_1056 = vector.broadcast %sub3A_1055 : i32 to vector<16xi32>
        %sub3A_1057 = arith.subi %sub3A_1056, %min3A_1051 : vector<16xi32>
        %select_n3A_1058 = arith.select %eq3A_1054, %sub3A_1057, %min3A_1051 : vector<16xi1>, vector<16xi32>
        %add3A_1059 = arith.constant 17408 : i32
        %add3A_1060 = vector.broadcast %add3A_1059 : i32 to vector<16xi32>
        %add3A_1061 = arith.addi %add3A_1060, %select_n3A_1058 : vector<16xi32>
        tpu.vector_store_idx %arg7[%add3A_1061], %broadcast_in_dim3A_340 {add = true} : memref<43008xi32, #tpu.memory_space<vmem>>[vector<16xi32>], vector<16xi32>,
        %mul3A_1062 = arith.mulf %exp3A_564, %div3A_586 : vector<16xf32>
        %convert_element_type3A_1063 = arith.fptosi %mul3A_1062 : vector<16xf32> to vector<16xi32>
        %min3A_1064 = arith.constant 1023 : i32
        %min3A_1065 = vector.broadcast %min3A_1064 : i32 to vector<16xi32>
        %min3A_1066 = arith.minsi %convert_element_type3A_1063, %min3A_1065 : vector<16xi32>
        %eq3A_1067 = arith.constant 18 : i32
        %eq3A_1068 = vector.broadcast %eq3A_1067 : i32 to vector<16xi32>
        %eq3A_1069 = arith.cmpi eq, %get3A_591, %eq3A_1068 : vector<16xi32>
        %sub3A_1070 = arith.constant 22527 : i32
        %sub3A_1071 = vector.broadcast %sub3A_1070 : i32 to vector<16xi32>
        %sub3A_1072 = arith.subi %sub3A_1071, %min3A_1066 : vector<16xi32>
        %select_n3A_1073 = arith.select %eq3A_1069, %sub3A_1072, %min3A_1066 : vector<16xi1>, vector<16xi32>
        %add3A_1074 = arith.constant 18432 : i32
        %add3A_1075 = vector.broadcast %add3A_1074 : i32 to vector<16xi32>
        %add3A_1076 = arith.addi %add3A_1075, %select_n3A_1073 : vector<16xi32>
        tpu.vector_store_idx %arg7[%add3A_1076], %broadcast_in_dim3A_340 {add = true} : memref<43008xi32, #tpu.memory_space<vmem>>[vector<16xi32>], vector<16xi32>,
        %mul3A_1077 = arith.mulf %exp3A_573, %div3A_586 : vector<16xf32>
        %convert_element_type3A_1078 = arith.fptosi %mul3A_1077 : vector<16xf32> to vector<16xi32>
        %min3A_1079 = arith.constant 1023 : i32
        %min3A_1080 = vector.broadcast %min3A_1079 : i32 to vector<16xi32>
        %min3A_1081 = arith.minsi %convert_element_type3A_1078, %min3A_1080 : vector<16xi32>
        %eq3A_1082 = arith.constant 19 : i32
        %eq3A_1083 = vector.broadcast %eq3A_1082 : i32 to vector<16xi32>
        %eq3A_1084 = arith.cmpi eq, %get3A_591, %eq3A_1083 : vector<16xi32>
        %sub3A_1085 = arith.constant 22527 : i32
        %sub3A_1086 = vector.broadcast %sub3A_1085 : i32 to vector<16xi32>
        %sub3A_1087 = arith.subi %sub3A_1086, %min3A_1081 : vector<16xi32>
        %select_n3A_1088 = arith.select %eq3A_1084, %sub3A_1087, %min3A_1081 : vector<16xi1>, vector<16xi32>
        %add3A_1089 = arith.constant 19456 : i32
        %add3A_1090 = vector.broadcast %add3A_1089 : i32 to vector<16xi32>
        %add3A_1091 = arith.addi %add3A_1090, %select_n3A_1088 : vector<16xi32>
        tpu.vector_store_idx %arg7[%add3A_1091], %broadcast_in_dim3A_340 {add = true} : memref<43008xi32, #tpu.memory_space<vmem>>[vector<16xi32>], vector<16xi32>,
        %mul3A_1092 = arith.mulf %exp3A_582, %div3A_586 : vector<16xf32>
        %convert_element_type3A_1093 = arith.fptosi %mul3A_1092 : vector<16xf32> to vector<16xi32>
        %min3A_1094 = arith.constant 1023 : i32
        %min3A_1095 = vector.broadcast %min3A_1094 : i32 to vector<16xi32>
        %min3A_1096 = arith.minsi %convert_element_type3A_1093, %min3A_1095 : vector<16xi32>
        %eq3A_1097 = arith.constant 20 : i32
        %eq3A_1098 = vector.broadcast %eq3A_1097 : i32 to vector<16xi32>
        %eq3A_1099 = arith.cmpi eq, %get3A_591, %eq3A_1098 : vector<16xi32>
        %sub3A_1100 = arith.constant 22527 : i32
        %sub3A_1101 = vector.broadcast %sub3A_1100 : i32 to vector<16xi32>
        %sub3A_1102 = arith.subi %sub3A_1101, %min3A_1096 : vector<16xi32>
        %select_n3A_1103 = arith.select %eq3A_1099, %sub3A_1102, %min3A_1096 : vector<16xi1>, vector<16xi32>
        %add3A_1104 = arith.constant 20480 : i32
        %add3A_1105 = vector.broadcast %add3A_1104 : i32 to vector<16xi32>
        %add3A_1106 = arith.addi %add3A_1105, %select_n3A_1103 : vector<16xi32>
        tpu.vector_store_idx %arg7[%add3A_1106], %broadcast_in_dim3A_340 {add = true} : memref<43008xi32, #tpu.memory_space<vmem>>[vector<16xi32>], vector<16xi32>,
        %mul3A_1107 = arith.mulf %exp3A_603, %div3A_787 : vector<16xf32>
        %convert_element_type3A_1108 = arith.fptosi %mul3A_1107 : vector<16xf32> to vector<16xi32>
        %min3A_1109 = arith.constant 1023 : i32
        %min3A_1110 = vector.broadcast %min3A_1109 : i32 to vector<16xi32>
        %min3A_1111 = arith.minsi %convert_element_type3A_1108, %min3A_1110 : vector<16xi32>
        %eq3A_1112 = arith.constant 0 : i32
        %eq3A_1113 = vector.broadcast %eq3A_1112 : i32 to vector<16xi32>
        %eq3A_1114 = arith.cmpi eq, %get3A_792, %eq3A_1113 : vector<16xi32>
        %sub3A_1115 = arith.constant 22527 : i32
        %sub3A_1116 = vector.broadcast %sub3A_1115 : i32 to vector<16xi32>
        %sub3A_1117 = arith.subi %sub3A_1116, %min3A_1111 : vector<16xi32>
        %select_n3A_1118 = arith.select %eq3A_1114, %sub3A_1117, %min3A_1111 : vector<16xi1>, vector<16xi32>
        %add3A_1119 = arith.constant 0 : i32
        %add3A_1120 = vector.broadcast %add3A_1119 : i32 to vector<16xi32>
        %add3A_1121 = arith.addi %add3A_1120, %select_n3A_1118 : vector<16xi32>
        tpu.vector_store_idx %arg7[%add3A_1121], %broadcast_in_dim3A_340 {add = true} : memref<43008xi32, #tpu.memory_space<vmem>>[vector<16xi32>], vector<16xi32>,
        %mul3A_1122 = arith.mulf %exp3A_612, %div3A_787 : vector<16xf32>
        %convert_element_type3A_1123 = arith.fptosi %mul3A_1122 : vector<16xf32> to vector<16xi32>
        %min3A_1124 = arith.constant 1023 : i32
        %min3A_1125 = vector.broadcast %min3A_1124 : i32 to vector<16xi32>
        %min3A_1126 = arith.minsi %convert_element_type3A_1123, %min3A_1125 : vector<16xi32>
        %eq3A_1127 = arith.constant 1 : i32
        %eq3A_1128 = vector.broadcast %eq3A_1127 : i32 to vector<16xi32>
        %eq3A_1129 = arith.cmpi eq, %get3A_792, %eq3A_1128 : vector<16xi32>
        %sub3A_1130 = arith.constant 22527 : i32
        %sub3A_1131 = vector.broadcast %sub3A_1130 : i32 to vector<16xi32>
        %sub3A_1132 = arith.subi %sub3A_1131, %min3A_1126 : vector<16xi32>
        %select_n3A_1133 = arith.select %eq3A_1129, %sub3A_1132, %min3A_1126 : vector<16xi1>, vector<16xi32>
        %add3A_1134 = arith.constant 1024 : i32
        %add3A_1135 = vector.broadcast %add3A_1134 : i32 to vector<16xi32>
        %add3A_1136 = arith.addi %add3A_1135, %select_n3A_1133 : vector<16xi32>
        tpu.vector_store_idx %arg7[%add3A_1136], %broadcast_in_dim3A_340 {add = true} : memref<43008xi32, #tpu.memory_space<vmem>>[vector<16xi32>], vector<16xi32>,
        %mul3A_1137 = arith.mulf %exp3A_621, %div3A_787 : vector<16xf32>
        %convert_element_type3A_1138 = arith.fptosi %mul3A_1137 : vector<16xf32> to vector<16xi32>
        %min3A_1139 = arith.constant 1023 : i32
        %min3A_1140 = vector.broadcast %min3A_1139 : i32 to vector<16xi32>
        %min3A_1141 = arith.minsi %convert_element_type3A_1138, %min3A_1140 : vector<16xi32>
        %eq3A_1142 = arith.constant 2 : i32
        %eq3A_1143 = vector.broadcast %eq3A_1142 : i32 to vector<16xi32>
        %eq3A_1144 = arith.cmpi eq, %get3A_792, %eq3A_1143 : vector<16xi32>
        %sub3A_1145 = arith.constant 22527 : i32
        %sub3A_1146 = vector.broadcast %sub3A_1145 : i32 to vector<16xi32>
        %sub3A_1147 = arith.subi %sub3A_1146, %min3A_1141 : vector<16xi32>
        %select_n3A_1148 = arith.select %eq3A_1144, %sub3A_1147, %min3A_1141 : vector<16xi1>, vector<16xi32>
        %add3A_1149 = arith.constant 2048 : i32
        %add3A_1150 = vector.broadcast %add3A_1149 : i32 to vector<16xi32>
        %add3A_1151 = arith.addi %add3A_1150, %select_n3A_1148 : vector<16xi32>
        tpu.vector_store_idx %arg7[%add3A_1151], %broadcast_in_dim3A_340 {add = true} : memref<43008xi32, #tpu.memory_space<vmem>>[vector<16xi32>], vector<16xi32>,
        %mul3A_1152 = arith.mulf %exp3A_630, %div3A_787 : vector<16xf32>
        %convert_element_type3A_1153 = arith.fptosi %mul3A_1152 : vector<16xf32> to vector<16xi32>
        %min3A_1154 = arith.constant 1023 : i32
        %min3A_1155 = vector.broadcast %min3A_1154 : i32 to vector<16xi32>
        %min3A_1156 = arith.minsi %convert_element_type3A_1153, %min3A_1155 : vector<16xi32>
        %eq3A_1157 = arith.constant 3 : i32
        %eq3A_1158 = vector.broadcast %eq3A_1157 : i32 to vector<16xi32>
        %eq3A_1159 = arith.cmpi eq, %get3A_792, %eq3A_1158 : vector<16xi32>
        %sub3A_1160 = arith.constant 22527 : i32
        %sub3A_1161 = vector.broadcast %sub3A_1160 : i32 to vector<16xi32>
        %sub3A_1162 = arith.subi %sub3A_1161, %min3A_1156 : vector<16xi32>
        %select_n3A_1163 = arith.select %eq3A_1159, %sub3A_1162, %min3A_1156 : vector<16xi1>, vector<16xi32>
        %add3A_1164 = arith.constant 3072 : i32
        %add3A_1165 = vector.broadcast %add3A_1164 : i32 to vector<16xi32>
        %add3A_1166 = arith.addi %add3A_1165, %select_n3A_1163 : vector<16xi32>
        tpu.vector_store_idx %arg7[%add3A_1166], %broadcast_in_dim3A_340 {add = true} : memref<43008xi32, #tpu.memory_space<vmem>>[vector<16xi32>], vector<16xi32>,
        %mul3A_1167 = arith.mulf %exp3A_639, %div3A_787 : vector<16xf32>
        %convert_element_type3A_1168 = arith.fptosi %mul3A_1167 : vector<16xf32> to vector<16xi32>
        %min3A_1169 = arith.constant 1023 : i32
        %min3A_1170 = vector.broadcast %min3A_1169 : i32 to vector<16xi32>
        %min3A_1171 = arith.minsi %convert_element_type3A_1168, %min3A_1170 : vector<16xi32>
        %eq3A_1172 = arith.constant 4 : i32
        %eq3A_1173 = vector.broadcast %eq3A_1172 : i32 to vector<16xi32>
        %eq3A_1174 = arith.cmpi eq, %get3A_792, %eq3A_1173 : vector<16xi32>
        %sub3A_1175 = arith.constant 22527 : i32
        %sub3A_1176 = vector.broadcast %sub3A_1175 : i32 to vector<16xi32>
        %sub3A_1177 = arith.subi %sub3A_1176, %min3A_1171 : vector<16xi32>
        %select_n3A_1178 = arith.select %eq3A_1174, %sub3A_1177, %min3A_1171 : vector<16xi1>, vector<16xi32>
        %add3A_1179 = arith.constant 4096 : i32
        %add3A_1180 = vector.broadcast %add3A_1179 : i32 to vector<16xi32>
        %add3A_1181 = arith.addi %add3A_1180, %select_n3A_1178 : vector<16xi32>
        tpu.vector_store_idx %arg7[%add3A_1181], %broadcast_in_dim3A_340 {add = true} : memref<43008xi32, #tpu.memory_space<vmem>>[vector<16xi32>], vector<16xi32>,
        %mul3A_1182 = arith.mulf %exp3A_648, %div3A_787 : vector<16xf32>
        %convert_element_type3A_1183 = arith.fptosi %mul3A_1182 : vector<16xf32> to vector<16xi32>
        %min3A_1184 = arith.constant 1023 : i32
        %min3A_1185 = vector.broadcast %min3A_1184 : i32 to vector<16xi32>
        %min3A_1186 = arith.minsi %convert_element_type3A_1183, %min3A_1185 : vector<16xi32>
        %eq3A_1187 = arith.constant 5 : i32
        %eq3A_1188 = vector.broadcast %eq3A_1187 : i32 to vector<16xi32>
        %eq3A_1189 = arith.cmpi eq, %get3A_792, %eq3A_1188 : vector<16xi32>
        %sub3A_1190 = arith.constant 22527 : i32
        %sub3A_1191 = vector.broadcast %sub3A_1190 : i32 to vector<16xi32>
        %sub3A_1192 = arith.subi %sub3A_1191, %min3A_1186 : vector<16xi32>
        %select_n3A_1193 = arith.select %eq3A_1189, %sub3A_1192, %min3A_1186 : vector<16xi1>, vector<16xi32>
        %add3A_1194 = arith.constant 5120 : i32
        %add3A_1195 = vector.broadcast %add3A_1194 : i32 to vector<16xi32>
        %add3A_1196 = arith.addi %add3A_1195, %select_n3A_1193 : vector<16xi32>
        tpu.vector_store_idx %arg7[%add3A_1196], %broadcast_in_dim3A_340 {add = true} : memref<43008xi32, #tpu.memory_space<vmem>>[vector<16xi32>], vector<16xi32>,
        %mul3A_1197 = arith.mulf %exp3A_657, %div3A_787 : vector<16xf32>
        %convert_element_type3A_1198 = arith.fptosi %mul3A_1197 : vector<16xf32> to vector<16xi32>
        %min3A_1199 = arith.constant 1023 : i32
        %min3A_1200 = vector.broadcast %min3A_1199 : i32 to vector<16xi32>
        %min3A_1201 = arith.minsi %convert_element_type3A_1198, %min3A_1200 : vector<16xi32>
        %eq3A_1202 = arith.constant 6 : i32
        %eq3A_1203 = vector.broadcast %eq3A_1202 : i32 to vector<16xi32>
        %eq3A_1204 = arith.cmpi eq, %get3A_792, %eq3A_1203 : vector<16xi32>
        %sub3A_1205 = arith.constant 22527 : i32
        %sub3A_1206 = vector.broadcast %sub3A_1205 : i32 to vector<16xi32>
        %sub3A_1207 = arith.subi %sub3A_1206, %min3A_1201 : vector<16xi32>
        %select_n3A_1208 = arith.select %eq3A_1204, %sub3A_1207, %min3A_1201 : vector<16xi1>, vector<16xi32>
        %add3A_1209 = arith.constant 6144 : i32
        %add3A_1210 = vector.broadcast %add3A_1209 : i32 to vector<16xi32>
        %add3A_1211 = arith.addi %add3A_1210, %select_n3A_1208 : vector<16xi32>
        tpu.vector_store_idx %arg7[%add3A_1211], %broadcast_in_dim3A_340 {add = true} : memref<43008xi32, #tpu.memory_space<vmem>>[vector<16xi32>], vector<16xi32>,
        %mul3A_1212 = arith.mulf %exp3A_666, %div3A_787 : vector<16xf32>
        %convert_element_type3A_1213 = arith.fptosi %mul3A_1212 : vector<16xf32> to vector<16xi32>
        %min3A_1214 = arith.constant 1023 : i32
        %min3A_1215 = vector.broadcast %min3A_1214 : i32 to vector<16xi32>
        %min3A_1216 = arith.minsi %convert_element_type3A_1213, %min3A_1215 : vector<16xi32>
        %eq3A_1217 = arith.constant 7 : i32
        %eq3A_1218 = vector.broadcast %eq3A_1217 : i32 to vector<16xi32>
        %eq3A_1219 = arith.cmpi eq, %get3A_792, %eq3A_1218 : vector<16xi32>
        %sub3A_1220 = arith.constant 22527 : i32
        %sub3A_1221 = vector.broadcast %sub3A_1220 : i32 to vector<16xi32>
        %sub3A_1222 = arith.subi %sub3A_1221, %min3A_1216 : vector<16xi32>
        %select_n3A_1223 = arith.select %eq3A_1219, %sub3A_1222, %min3A_1216 : vector<16xi1>, vector<16xi32>
        %add3A_1224 = arith.constant 7168 : i32
        %add3A_1225 = vector.broadcast %add3A_1224 : i32 to vector<16xi32>
        %add3A_1226 = arith.addi %add3A_1225, %select_n3A_1223 : vector<16xi32>
        tpu.vector_store_idx %arg7[%add3A_1226], %broadcast_in_dim3A_340 {add = true} : memref<43008xi32, #tpu.memory_space<vmem>>[vector<16xi32>], vector<16xi32>,
        %mul3A_1227 = arith.mulf %exp3A_675, %div3A_787 : vector<16xf32>
        %convert_element_type3A_1228 = arith.fptosi %mul3A_1227 : vector<16xf32> to vector<16xi32>
        %min3A_1229 = arith.constant 1023 : i32
        %min3A_1230 = vector.broadcast %min3A_1229 : i32 to vector<16xi32>
        %min3A_1231 = arith.minsi %convert_element_type3A_1228, %min3A_1230 : vector<16xi32>
        %eq3A_1232 = arith.constant 8 : i32
        %eq3A_1233 = vector.broadcast %eq3A_1232 : i32 to vector<16xi32>
        %eq3A_1234 = arith.cmpi eq, %get3A_792, %eq3A_1233 : vector<16xi32>
        %sub3A_1235 = arith.constant 22527 : i32
        %sub3A_1236 = vector.broadcast %sub3A_1235 : i32 to vector<16xi32>
        %sub3A_1237 = arith.subi %sub3A_1236, %min3A_1231 : vector<16xi32>
        %select_n3A_1238 = arith.select %eq3A_1234, %sub3A_1237, %min3A_1231 : vector<16xi1>, vector<16xi32>
        %add3A_1239 = arith.constant 8192 : i32
        %add3A_1240 = vector.broadcast %add3A_1239 : i32 to vector<16xi32>
        %add3A_1241 = arith.addi %add3A_1240, %select_n3A_1238 : vector<16xi32>
        tpu.vector_store_idx %arg7[%add3A_1241], %broadcast_in_dim3A_340 {add = true} : memref<43008xi32, #tpu.memory_space<vmem>>[vector<16xi32>], vector<16xi32>,
        %mul3A_1242 = arith.mulf %exp3A_684, %div3A_787 : vector<16xf32>
        %convert_element_type3A_1243 = arith.fptosi %mul3A_1242 : vector<16xf32> to vector<16xi32>
        %min3A_1244 = arith.constant 1023 : i32
        %min3A_1245 = vector.broadcast %min3A_1244 : i32 to vector<16xi32>
        %min3A_1246 = arith.minsi %convert_element_type3A_1243, %min3A_1245 : vector<16xi32>
        %eq3A_1247 = arith.constant 9 : i32
        %eq3A_1248 = vector.broadcast %eq3A_1247 : i32 to vector<16xi32>
        %eq3A_1249 = arith.cmpi eq, %get3A_792, %eq3A_1248 : vector<16xi32>
        %sub3A_1250 = arith.constant 22527 : i32
        %sub3A_1251 = vector.broadcast %sub3A_1250 : i32 to vector<16xi32>
        %sub3A_1252 = arith.subi %sub3A_1251, %min3A_1246 : vector<16xi32>
        %select_n3A_1253 = arith.select %eq3A_1249, %sub3A_1252, %min3A_1246 : vector<16xi1>, vector<16xi32>
        %add3A_1254 = arith.constant 9216 : i32
        %add3A_1255 = vector.broadcast %add3A_1254 : i32 to vector<16xi32>
        %add3A_1256 = arith.addi %add3A_1255, %select_n3A_1253 : vector<16xi32>
        tpu.vector_store_idx %arg7[%add3A_1256], %broadcast_in_dim3A_340 {add = true} : memref<43008xi32, #tpu.memory_space<vmem>>[vector<16xi32>], vector<16xi32>,
        %mul3A_1257 = arith.mulf %exp3A_693, %div3A_787 : vector<16xf32>
        %convert_element_type3A_1258 = arith.fptosi %mul3A_1257 : vector<16xf32> to vector<16xi32>
        %min3A_1259 = arith.constant 1023 : i32
        %min3A_1260 = vector.broadcast %min3A_1259 : i32 to vector<16xi32>
        %min3A_1261 = arith.minsi %convert_element_type3A_1258, %min3A_1260 : vector<16xi32>
        %eq3A_1262 = arith.constant 10 : i32
        %eq3A_1263 = vector.broadcast %eq3A_1262 : i32 to vector<16xi32>
        %eq3A_1264 = arith.cmpi eq, %get3A_792, %eq3A_1263 : vector<16xi32>
        %sub3A_1265 = arith.constant 22527 : i32
        %sub3A_1266 = vector.broadcast %sub3A_1265 : i32 to vector<16xi32>
        %sub3A_1267 = arith.subi %sub3A_1266, %min3A_1261 : vector<16xi32>
        %select_n3A_1268 = arith.select %eq3A_1264, %sub3A_1267, %min3A_1261 : vector<16xi1>, vector<16xi32>
        %add3A_1269 = arith.constant 10240 : i32
        %add3A_1270 = vector.broadcast %add3A_1269 : i32 to vector<16xi32>
        %add3A_1271 = arith.addi %add3A_1270, %select_n3A_1268 : vector<16xi32>
        tpu.vector_store_idx %arg7[%add3A_1271], %broadcast_in_dim3A_340 {add = true} : memref<43008xi32, #tpu.memory_space<vmem>>[vector<16xi32>], vector<16xi32>,
        %mul3A_1272 = arith.mulf %exp3A_702, %div3A_787 : vector<16xf32>
        %convert_element_type3A_1273 = arith.fptosi %mul3A_1272 : vector<16xf32> to vector<16xi32>
        %min3A_1274 = arith.constant 1023 : i32
        %min3A_1275 = vector.broadcast %min3A_1274 : i32 to vector<16xi32>
        %min3A_1276 = arith.minsi %convert_element_type3A_1273, %min3A_1275 : vector<16xi32>
        %eq3A_1277 = arith.constant 11 : i32
        %eq3A_1278 = vector.broadcast %eq3A_1277 : i32 to vector<16xi32>
        %eq3A_1279 = arith.cmpi eq, %get3A_792, %eq3A_1278 : vector<16xi32>
        %sub3A_1280 = arith.constant 22527 : i32
        %sub3A_1281 = vector.broadcast %sub3A_1280 : i32 to vector<16xi32>
        %sub3A_1282 = arith.subi %sub3A_1281, %min3A_1276 : vector<16xi32>
        %select_n3A_1283 = arith.select %eq3A_1279, %sub3A_1282, %min3A_1276 : vector<16xi1>, vector<16xi32>
        %add3A_1284 = arith.constant 11264 : i32
        %add3A_1285 = vector.broadcast %add3A_1284 : i32 to vector<16xi32>
        %add3A_1286 = arith.addi %add3A_1285, %select_n3A_1283 : vector<16xi32>
        tpu.vector_store_idx %arg7[%add3A_1286], %broadcast_in_dim3A_340 {add = true} : memref<43008xi32, #tpu.memory_space<vmem>>[vector<16xi32>], vector<16xi32>,
        %mul3A_1287 = arith.mulf %exp3A_711, %div3A_787 : vector<16xf32>
        %convert_element_type3A_1288 = arith.fptosi %mul3A_1287 : vector<16xf32> to vector<16xi32>
        %min3A_1289 = arith.constant 1023 : i32
        %min3A_1290 = vector.broadcast %min3A_1289 : i32 to vector<16xi32>
        %min3A_1291 = arith.minsi %convert_element_type3A_1288, %min3A_1290 : vector<16xi32>
        %eq3A_1292 = arith.constant 12 : i32
        %eq3A_1293 = vector.broadcast %eq3A_1292 : i32 to vector<16xi32>
        %eq3A_1294 = arith.cmpi eq, %get3A_792, %eq3A_1293 : vector<16xi32>
        %sub3A_1295 = arith.constant 22527 : i32
        %sub3A_1296 = vector.broadcast %sub3A_1295 : i32 to vector<16xi32>
        %sub3A_1297 = arith.subi %sub3A_1296, %min3A_1291 : vector<16xi32>
        %select_n3A_1298 = arith.select %eq3A_1294, %sub3A_1297, %min3A_1291 : vector<16xi1>, vector<16xi32>
        %add3A_1299 = arith.constant 12288 : i32
        %add3A_1300 = vector.broadcast %add3A_1299 : i32 to vector<16xi32>
        %add3A_1301 = arith.addi %add3A_1300, %select_n3A_1298 : vector<16xi32>
        tpu.vector_store_idx %arg7[%add3A_1301], %broadcast_in_dim3A_340 {add = true} : memref<43008xi32, #tpu.memory_space<vmem>>[vector<16xi32>], vector<16xi32>,
        %mul3A_1302 = arith.mulf %exp3A_720, %div3A_787 : vector<16xf32>
        %convert_element_type3A_1303 = arith.fptosi %mul3A_1302 : vector<16xf32> to vector<16xi32>
        %min3A_1304 = arith.constant 1023 : i32
        %min3A_1305 = vector.broadcast %min3A_1304 : i32 to vector<16xi32>
        %min3A_1306 = arith.minsi %convert_element_type3A_1303, %min3A_1305 : vector<16xi32>
        %eq3A_1307 = arith.constant 13 : i32
        %eq3A_1308 = vector.broadcast %eq3A_1307 : i32 to vector<16xi32>
        %eq3A_1309 = arith.cmpi eq, %get3A_792, %eq3A_1308 : vector<16xi32>
        %sub3A_1310 = arith.constant 22527 : i32
        %sub3A_1311 = vector.broadcast %sub3A_1310 : i32 to vector<16xi32>
        %sub3A_1312 = arith.subi %sub3A_1311, %min3A_1306 : vector<16xi32>
        %select_n3A_1313 = arith.select %eq3A_1309, %sub3A_1312, %min3A_1306 : vector<16xi1>, vector<16xi32>
        %add3A_1314 = arith.constant 13312 : i32
        %add3A_1315 = vector.broadcast %add3A_1314 : i32 to vector<16xi32>
        %add3A_1316 = arith.addi %add3A_1315, %select_n3A_1313 : vector<16xi32>
        tpu.vector_store_idx %arg7[%add3A_1316], %broadcast_in_dim3A_340 {add = true} : memref<43008xi32, #tpu.memory_space<vmem>>[vector<16xi32>], vector<16xi32>,
        %mul3A_1317 = arith.mulf %exp3A_729, %div3A_787 : vector<16xf32>
        %convert_element_type3A_1318 = arith.fptosi %mul3A_1317 : vector<16xf32> to vector<16xi32>
        %min3A_1319 = arith.constant 1023 : i32
        %min3A_1320 = vector.broadcast %min3A_1319 : i32 to vector<16xi32>
        %min3A_1321 = arith.minsi %convert_element_type3A_1318, %min3A_1320 : vector<16xi32>
        %eq3A_1322 = arith.constant 14 : i32
        %eq3A_1323 = vector.broadcast %eq3A_1322 : i32 to vector<16xi32>
        %eq3A_1324 = arith.cmpi eq, %get3A_792, %eq3A_1323 : vector<16xi32>
        %sub3A_1325 = arith.constant 22527 : i32
        %sub3A_1326 = vector.broadcast %sub3A_1325 : i32 to vector<16xi32>
        %sub3A_1327 = arith.subi %sub3A_1326, %min3A_1321 : vector<16xi32>
        %select_n3A_1328 = arith.select %eq3A_1324, %sub3A_1327, %min3A_1321 : vector<16xi1>, vector<16xi32>
        %add3A_1329 = arith.constant 14336 : i32
        %add3A_1330 = vector.broadcast %add3A_1329 : i32 to vector<16xi32>
        %add3A_1331 = arith.addi %add3A_1330, %select_n3A_1328 : vector<16xi32>
        tpu.vector_store_idx %arg7[%add3A_1331], %broadcast_in_dim3A_340 {add = true} : memref<43008xi32, #tpu.memory_space<vmem>>[vector<16xi32>], vector<16xi32>,
        %mul3A_1332 = arith.mulf %exp3A_738, %div3A_787 : vector<16xf32>
        %convert_element_type3A_1333 = arith.fptosi %mul3A_1332 : vector<16xf32> to vector<16xi32>
        %min3A_1334 = arith.constant 1023 : i32
        %min3A_1335 = vector.broadcast %min3A_1334 : i32 to vector<16xi32>
        %min3A_1336 = arith.minsi %convert_element_type3A_1333, %min3A_1335 : vector<16xi32>
        %eq3A_1337 = arith.constant 15 : i32
        %eq3A_1338 = vector.broadcast %eq3A_1337 : i32 to vector<16xi32>
        %eq3A_1339 = arith.cmpi eq, %get3A_792, %eq3A_1338 : vector<16xi32>
        %sub3A_1340 = arith.constant 22527 : i32
        %sub3A_1341 = vector.broadcast %sub3A_1340 : i32 to vector<16xi32>
        %sub3A_1342 = arith.subi %sub3A_1341, %min3A_1336 : vector<16xi32>
        %select_n3A_1343 = arith.select %eq3A_1339, %sub3A_1342, %min3A_1336 : vector<16xi1>, vector<16xi32>
        %add3A_1344 = arith.constant 15360 : i32
        %add3A_1345 = vector.broadcast %add3A_1344 : i32 to vector<16xi32>
        %add3A_1346 = arith.addi %add3A_1345, %select_n3A_1343 : vector<16xi32>
        tpu.vector_store_idx %arg7[%add3A_1346], %broadcast_in_dim3A_340 {add = true} : memref<43008xi32, #tpu.memory_space<vmem>>[vector<16xi32>], vector<16xi32>,
        %mul3A_1347 = arith.mulf %exp3A_747, %div3A_787 : vector<16xf32>
        %convert_element_type3A_1348 = arith.fptosi %mul3A_1347 : vector<16xf32> to vector<16xi32>
        %min3A_1349 = arith.constant 1023 : i32
        %min3A_1350 = vector.broadcast %min3A_1349 : i32 to vector<16xi32>
        %min3A_1351 = arith.minsi %convert_element_type3A_1348, %min3A_1350 : vector<16xi32>
        %eq3A_1352 = arith.constant 16 : i32
        %eq3A_1353 = vector.broadcast %eq3A_1352 : i32 to vector<16xi32>
        %eq3A_1354 = arith.cmpi eq, %get3A_792, %eq3A_1353 : vector<16xi32>
        %sub3A_1355 = arith.constant 22527 : i32
        %sub3A_1356 = vector.broadcast %sub3A_1355 : i32 to vector<16xi32>
        %sub3A_1357 = arith.subi %sub3A_1356, %min3A_1351 : vector<16xi32>
        %select_n3A_1358 = arith.select %eq3A_1354, %sub3A_1357, %min3A_1351 : vector<16xi1>, vector<16xi32>
        %add3A_1359 = arith.constant 16384 : i32
        %add3A_1360 = vector.broadcast %add3A_1359 : i32 to vector<16xi32>
        %add3A_1361 = arith.addi %add3A_1360, %select_n3A_1358 : vector<16xi32>
        tpu.vector_store_idx %arg7[%add3A_1361], %broadcast_in_dim3A_340 {add = true} : memref<43008xi32, #tpu.memory_space<vmem>>[vector<16xi32>], vector<16xi32>,
        %mul3A_1362 = arith.mulf %exp3A_756, %div3A_787 : vector<16xf32>
        %convert_element_type3A_1363 = arith.fptosi %mul3A_1362 : vector<16xf32> to vector<16xi32>
        %min3A_1364 = arith.constant 1023 : i32
        %min3A_1365 = vector.broadcast %min3A_1364 : i32 to vector<16xi32>
        %min3A_1366 = arith.minsi %convert_element_type3A_1363, %min3A_1365 : vector<16xi32>
        %eq3A_1367 = arith.constant 17 : i32
        %eq3A_1368 = vector.broadcast %eq3A_1367 : i32 to vector<16xi32>
        %eq3A_1369 = arith.cmpi eq, %get3A_792, %eq3A_1368 : vector<16xi32>
        %sub3A_1370 = arith.constant 22527 : i32
        %sub3A_1371 = vector.broadcast %sub3A_1370 : i32 to vector<16xi32>
        %sub3A_1372 = arith.subi %sub3A_1371, %min3A_1366 : vector<16xi32>
        %select_n3A_1373 = arith.select %eq3A_1369, %sub3A_1372, %min3A_1366 : vector<16xi1>, vector<16xi32>
        %add3A_1374 = arith.constant 17408 : i32
        %add3A_1375 = vector.broadcast %add3A_1374 : i32 to vector<16xi32>
        %add3A_1376 = arith.addi %add3A_1375, %select_n3A_1373 : vector<16xi32>
        tpu.vector_store_idx %arg7[%add3A_1376], %broadcast_in_dim3A_340 {add = true} : memref<43008xi32, #tpu.memory_space<vmem>>[vector<16xi32>], vector<16xi32>,
        %mul3A_1377 = arith.mulf %exp3A_765, %div3A_787 : vector<16xf32>
        %convert_element_type3A_1378 = arith.fptosi %mul3A_1377 : vector<16xf32> to vector<16xi32>
        %min3A_1379 = arith.constant 1023 : i32
        %min3A_1380 = vector.broadcast %min3A_1379 : i32 to vector<16xi32>
        %min3A_1381 = arith.minsi %convert_element_type3A_1378, %min3A_1380 : vector<16xi32>
        %eq3A_1382 = arith.constant 18 : i32
        %eq3A_1383 = vector.broadcast %eq3A_1382 : i32 to vector<16xi32>
        %eq3A_1384 = arith.cmpi eq, %get3A_792, %eq3A_1383 : vector<16xi32>
        %sub3A_1385 = arith.constant 22527 : i32
        %sub3A_1386 = vector.broadcast %sub3A_1385 : i32 to vector<16xi32>
        %sub3A_1387 = arith.subi %sub3A_1386, %min3A_1381 : vector<16xi32>
        %select_n3A_1388 = arith.select %eq3A_1384, %sub3A_1387, %min3A_1381 : vector<16xi1>, vector<16xi32>
        %add3A_1389 = arith.constant 18432 : i32
        %add3A_1390 = vector.broadcast %add3A_1389 : i32 to vector<16xi32>
        %add3A_1391 = arith.addi %add3A_1390, %select_n3A_1388 : vector<16xi32>
        tpu.vector_store_idx %arg7[%add3A_1391], %broadcast_in_dim3A_340 {add = true} : memref<43008xi32, #tpu.memory_space<vmem>>[vector<16xi32>], vector<16xi32>,
        %mul3A_1392 = arith.mulf %exp3A_774, %div3A_787 : vector<16xf32>
        %convert_element_type3A_1393 = arith.fptosi %mul3A_1392 : vector<16xf32> to vector<16xi32>
        %min3A_1394 = arith.constant 1023 : i32
        %min3A_1395 = vector.broadcast %min3A_1394 : i32 to vector<16xi32>
        %min3A_1396 = arith.minsi %convert_element_type3A_1393, %min3A_1395 : vector<16xi32>
        %eq3A_1397 = arith.constant 19 : i32
        %eq3A_1398 = vector.broadcast %eq3A_1397 : i32 to vector<16xi32>
        %eq3A_1399 = arith.cmpi eq, %get3A_792, %eq3A_1398 : vector<16xi32>
        %sub3A_1400 = arith.constant 22527 : i32
        %sub3A_1401 = vector.broadcast %sub3A_1400 : i32 to vector<16xi32>
        %sub3A_1402 = arith.subi %sub3A_1401, %min3A_1396 : vector<16xi32>
        %select_n3A_1403 = arith.select %eq3A_1399, %sub3A_1402, %min3A_1396 : vector<16xi1>, vector<16xi32>
        %add3A_1404 = arith.constant 19456 : i32
        %add3A_1405 = vector.broadcast %add3A_1404 : i32 to vector<16xi32>
        %add3A_1406 = arith.addi %add3A_1405, %select_n3A_1403 : vector<16xi32>
        tpu.vector_store_idx %arg7[%add3A_1406], %broadcast_in_dim3A_340 {add = true} : memref<43008xi32, #tpu.memory_space<vmem>>[vector<16xi32>], vector<16xi32>,
        %mul3A_1407 = arith.mulf %exp3A_783, %div3A_787 : vector<16xf32>
        %convert_element_type3A_1408 = arith.fptosi %mul3A_1407 : vector<16xf32> to vector<16xi32>
        %min3A_1409 = arith.constant 1023 : i32
        %min3A_1410 = vector.broadcast %min3A_1409 : i32 to vector<16xi32>
        %min3A_1411 = arith.minsi %convert_element_type3A_1408, %min3A_1410 : vector<16xi32>
        %eq3A_1412 = arith.constant 20 : i32
        %eq3A_1413 = vector.broadcast %eq3A_1412 : i32 to vector<16xi32>
        %eq3A_1414 = arith.cmpi eq, %get3A_792, %eq3A_1413 : vector<16xi32>
        %sub3A_1415 = arith.constant 22527 : i32
        %sub3A_1416 = vector.broadcast %sub3A_1415 : i32 to vector<16xi32>
        %sub3A_1417 = arith.subi %sub3A_1416, %min3A_1411 : vector<16xi32>
        %select_n3A_1418 = arith.select %eq3A_1414, %sub3A_1417, %min3A_1411 : vector<16xi1>, vector<16xi32>
        %add3A_1419 = arith.constant 20480 : i32
        %add3A_1420 = vector.broadcast %add3A_1419 : i32 to vector<16xi32>
        %add3A_1421 = arith.addi %add3A_1420, %select_n3A_1418 : vector<16xi32>
        tpu.vector_store_idx %arg7[%add3A_1421], %broadcast_in_dim3A_340 {add = true} : memref<43008xi32, #tpu.memory_space<vmem>>[vector<16xi32>], vector<16xi32>,
        %scan3A_1422 = arith.constant 0 : i32
        scf.yield %scan3A_1422 : i32
      }
      %scan3A_347 = arith.constant 32 : i32
      %scan3A_348 = arith.constant 0 : i32
      scf.yield %scan3A_348 : i32
    }
    %scan3A_121 = arith.constant 16 : i32
    %mul3A_122 = arith.constant 43008 : i32
    %mul3A_123 = arith.muli %add3A, %mul3A_122 : i32
    "tpu.region"() ({
      %run_scoped3A = tpu.sem_alloc : memref<!tpu.dma_semaphore, #tpu.memory_space<semaphore_mem>>
      %dma_start3A_124 = tpu.memref_slice %arg4[%mul3A_123] : memref<1376256xi32, #tpu.memory_space<hbm>> -> memref<43008xi32, #tpu.memory_space<hbm>>
      %dma_start3A_125 = tpu.memref_slice %arg4[%mul3A_123] : memref<1376256xi32, #tpu.memory_space<hbm>> -> memref<43008xi32, #tpu.memory_space<hbm>>
      tpu.enqueue_dma source(%arg7 : memref<43008xi32, #tpu.memory_space<vmem>>) target(%dma_start3A_125 : memref<43008xi32, #tpu.memory_space<hbm>>) target_semaphore(%run_scoped3A : memref<!tpu.dma_semaphore, #tpu.memory_space<semaphore_mem>>)
      %dma_wait3A = tpu.memref_slice %arg4[%mul3A_123] : memref<1376256xi32, #tpu.memory_space<hbm>> -> memref<43008xi32, #tpu.memory_space<hbm>>
      %dma_wait3A_126 = tpu.memref_slice %arg4[%mul3A_123] : memref<1376256xi32, #tpu.memory_space<hbm>> -> memref<43008xi32, #tpu.memory_space<hbm>>
      tpu.wait_dma2 semaphore(%run_scoped3A : memref<!tpu.dma_semaphore, #tpu.memory_space<semaphore_mem>>) src(%arg7 : memref<43008xi32, #tpu.memory_space<vmem>>) dst(%dma_wait3A_126 : memref<43008xi32, #tpu.memory_space<hbm>>)
      tpu.yield
    }) : () -> ()
    return
  }
}

module attributes {stable_mosaic.version = 14 : i64} {
  func.func @_tc_body(%arg0: memref<32x42x1024xi32, #tpu.memory_space<vmem>>, %arg1: memref<1x1xf32, #tpu.memory_space<vmem>>) attributes {dimension_semantics = [], scalar_prefetch = 0 : i64, scratch_operands = 0 : i64, tpu.core_type = #tpu.core_type<tc>} {
    %get3A = arith.constant 0 : index
    %get3A_0 = arith.constant 0 : index
    %get3A_1 = arith.constant 0 : index
    %get3A_2 = vector.load %arg0[%get3A, %get3A_0, %get3A_1] : memref<32x42x1024xi32, #tpu.memory_space<vmem>>, vector<32x42x1024xi32>
    %convert_element_type3A = arith.sitofp %get3A_2 : vector<32x42x1024xi32> to vector<32x42x1024xf32>
    %reduce_sum3A = arith.constant dense<0.000000e+00> : vector<42x1024xf32>
    %reduce_sum3A_3 = vector.multi_reduction <add>, %convert_element_type3A, %reduce_sum3A [0] : vector<32x42x1024xf32> to vector<42x1024xf32>
    %slice3A = vector.extract_strided_slice %reduce_sum3A_3 {offsets = [0, 0], sizes = [21, 1024], strides = [1, 1]} : vector<42x1024xf32> to vector<21x1024xf32>
    %slice3A_4 = vector.extract_strided_slice %reduce_sum3A_3 {offsets = [21, 0], sizes = [21, 1024], strides = [1, 1]} : vector<42x1024xf32> to vector<21x1024xf32>
    %iota3A = tpu.iota {dimensions = array<i32: 0>} : vector<1024x1024xi32>
    %iota3A_5 = tpu.iota {dimensions = array<i32: 1>} : vector<1024x1024xi32>
    %ge3A = arith.cmpi sge, %iota3A, %iota3A_5 : vector<1024x1024xi32>
    %convert_element_type3A_6 = arith.extui %ge3A : vector<1024x1024xi1> to vector<1024x1024xi32>
    %convert_element_type3A_7 = arith.sitofp %convert_element_type3A_6 : vector<1024x1024xi32> to vector<1024x1024xf32>
    %dot_general3A = arith.constant dense<0.000000e+00> : vector<21x1024xf32>
    %dot_general3A_8 = tpu.matmul %slice3A_4, %convert_element_type3A_7, %dot_general3A {dimension_numbers = #tpu.dot_dimension_numbers<[1], [0], [0], [1], [0, 0, 1, 1], [], []>, transpose_lhs_hint = false} : vector<21x1024xf32>, vector<1024x1024xf32>, vector<21x1024xf32> -> vector<21x1024xf32>
    %dot_general3A_9 = arith.constant dense<0.000000e+00> : vector<21x1024xf32>
    %dot_general3A_10 = tpu.matmul %slice3A, %convert_element_type3A_7, %dot_general3A_9 {dimension_numbers = #tpu.dot_dimension_numbers<[1], [0], [0], [1], [0, 0, 1, 1], [], []>, transpose_lhs_hint = false} : vector<21x1024xf32>, vector<1024x1024xf32>, vector<21x1024xf32> -> vector<21x1024xf32>
    %sub3A = arith.subf %dot_general3A_8, %slice3A_4 : vector<21x1024xf32>
    %sub3A_11 = arith.subf %dot_general3A_10, %slice3A : vector<21x1024xf32>
    %reduce_sum3A_12 = arith.constant dense<0.000000e+00> : vector<21xf32>
    %reduce_sum3A_13 = vector.multi_reduction <add>, %slice3A_4, %reduce_sum3A_12 [1] : vector<21x1024xf32> to vector<21xf32>
    %broadcast_in_dim3A = vector.shape_cast %reduce_sum3A_13 : vector<21xf32> to vector<21x1xf32>
    %sub3A_14 = vector.broadcast %broadcast_in_dim3A : vector<21x1xf32> to vector<21x1024xf32>
    %sub3A_15 = arith.subf %sub3A_14, %dot_general3A_8 : vector<21x1024xf32>
    %add3A = vector.broadcast %broadcast_in_dim3A : vector<21x1xf32> to vector<21x1024xf32>
    %add3A_16 = arith.addf %add3A, %dot_general3A_10 : vector<21x1024xf32>
    %max3A = arith.constant 1.000000e+00 : f32
    %max3A_17 = vector.broadcast %max3A : f32 to vector<21x1024xf32>
    %max3A_18 = arith.maximumf %add3A_16, %max3A_17 : vector<21x1024xf32>
    %div3A = arith.divf %sub3A_15, %max3A_18 : vector<21x1024xf32>
    %sub3A_19 = arith.constant 1.000000e+00 : f32
    %sub3A_20 = vector.broadcast %sub3A_19 : f32 to vector<21x1024xf32>
    %sub3A_21 = arith.subf %sub3A_20, %div3A : vector<21x1024xf32>
    %sub3A_22 = vector.broadcast %broadcast_in_dim3A : vector<21x1xf32> to vector<21x1024xf32>
    %sub3A_23 = arith.subf %sub3A_22, %sub3A : vector<21x1024xf32>
    %add3A_24 = vector.broadcast %broadcast_in_dim3A : vector<21x1xf32> to vector<21x1024xf32>
    %add3A_25 = arith.addf %add3A_24, %sub3A_11 : vector<21x1024xf32>
    %max3A_26 = arith.constant 1.000000e+00 : f32
    %max3A_27 = vector.broadcast %max3A_26 : f32 to vector<21x1024xf32>
    %max3A_28 = arith.maximumf %add3A_25, %max3A_27 : vector<21x1024xf32>
    %div3A_29 = arith.divf %sub3A_23, %max3A_28 : vector<21x1024xf32>
    %sub3A_30 = arith.constant 1.000000e+00 : f32
    %sub3A_31 = vector.broadcast %sub3A_30 : f32 to vector<21x1024xf32>
    %sub3A_32 = arith.subf %sub3A_31, %div3A_29 : vector<21x1024xf32>
    %sub3A_33 = arith.subf %sub3A_21, %sub3A_32 : vector<21x1024xf32>
    %iota3A_34 = tpu.iota {dimensions = array<i32: 1>} : vector<1x1024xi32>
    %convert_element_type3A_35 = arith.sitofp %iota3A_34 : vector<1x1024xi32> to vector<1x1024xf32>
    %add3A_36 = arith.constant 5.000000e-01 : f32
    %add3A_37 = vector.broadcast %add3A_36 : f32 to vector<1x1024xf32>
    %add3A_38 = arith.addf %convert_element_type3A_35, %add3A_37 : vector<1x1024xf32>
    %mul3A = arith.constant 9.765625E-4 : f32
    %mul3A_39 = vector.broadcast %mul3A : f32 to vector<1x1024xf32>
    %mul3A_40 = arith.mulf %add3A_38, %mul3A_39 : vector<1x1024xf32>
    %mul3A_41 = vector.broadcast %mul3A_40 : vector<1x1024xf32> to vector<21x1024xf32>
    %mul3A_42 = arith.mulf %mul3A_41, %sub3A_33 : vector<21x1024xf32>
    %reduce_sum3A_43 = arith.constant dense<0.000000e+00> : vector<21xf32>
    %reduce_sum3A_44 = vector.multi_reduction <add>, %mul3A_42, %reduce_sum3A_43 [1] : vector<21x1024xf32> to vector<21xf32>
    %broadcast_in_dim3A_45 = vector.shape_cast %reduce_sum3A_44 : vector<21xf32> to vector<21x1xf32>
    %gt3A = arith.constant 0.000000e+00 : f32
    %gt3A_46 = vector.broadcast %gt3A : f32 to vector<21x1xf32>
    %gt3A_47 = arith.cmpf ogt, %broadcast_in_dim3A, %gt3A_46 : vector<21x1xf32>
    %convert_element_type3A_48 = arith.extui %gt3A_47 : vector<21x1xi1> to vector<21x1xi32>
    %convert_element_type3A_49 = arith.sitofp %convert_element_type3A_48 : vector<21x1xi32> to vector<21x1xf32>
    %mul3A_50 = arith.mulf %broadcast_in_dim3A_45, %convert_element_type3A_49 : vector<21x1xf32>
    %reduce_sum3A_51 = vector.shape_cast %mul3A_50 : vector<21x1xf32> to vector<1x21x1xf32>
    %reduce_sum3A_52 = arith.constant dense<0.000000e+00> : vector<1xf32>
    %reduce_sum3A_53 = vector.multi_reduction <add>, %reduce_sum3A_51, %reduce_sum3A_52 [1, 2] : vector<1x21x1xf32> to vector<1xf32>
    %reduce_sum3A_54 = vector.shape_cast %reduce_sum3A_53 : vector<1xf32> to vector<1x1x1xf32>
    %reduce_sum3A_55 = vector.extract %reduce_sum3A_54[0, 0, 0] : f32 from vector<1x1x1xf32>
    %reduce_sum3A_56 = vector.shape_cast %convert_element_type3A_49 : vector<21x1xf32> to vector<1x21x1xf32>
    %reduce_sum3A_57 = arith.constant dense<0.000000e+00> : vector<1xf32>
    %reduce_sum3A_58 = vector.multi_reduction <add>, %reduce_sum3A_56, %reduce_sum3A_57 [1, 2] : vector<1x21x1xf32> to vector<1xf32>
    %reduce_sum3A_59 = vector.shape_cast %reduce_sum3A_58 : vector<1xf32> to vector<1x1x1xf32>
    %reduce_sum3A_60 = vector.extract %reduce_sum3A_59[0, 0, 0] : f32 from vector<1x1x1xf32>
    %max3A_61 = arith.constant 1.000000e+00 : f32
    %max3A_62 = arith.maximumf %reduce_sum3A_60, %max3A_61 : f32
    %div3A_63 = arith.divf %reduce_sum3A_55, %max3A_62 : f32
    %broadcast_in_dim3A_64 = vector.broadcast %div3A_63 : f32 to vector<1x1xf32>
    %swap3A = arith.constant 0 : index
    %swap3A_65 = arith.constant 0 : index
    %swap3A_66 = vector.load %arg1[%swap3A, %swap3A_65] : memref<1x1xf32, #tpu.memory_space<vmem>>, vector<1x1xf32>
    tpu.vector_store %arg1[%swap3A, %swap3A_65], %broadcast_in_dim3A_64 {strides = array<i32>} : memref<1x1xf32, #tpu.memory_space<vmem>>, vector<1x1xf32>,
    return
  }
}

</mosaic_0001>

<sc_bundles>
// kernel: kernel.4.cloned.1.call-start
scs
__scs_entry_jumppad:
0x0: {  	(pc) =	sbr.rel $0x88, $3  }
0x1: {  	(tag) =	ssettag $0x0;
	lr =	simm.s32 $0x1  }
0x2: {  	[smem:$0x3F9F] =	sst lr;
	_ =	strace $0xD0000000  }
0x3: {  	_ = 	snop  }
0x4: {  	_ = 	snop  }
0x5: {  	_ = 	snop  }
0x6: {  	_ = 	snop  }
0x7: {  	_ = 	snop  }
__scs_overlays_trampoline_lowered:
0x8: {  	[smem:$0x3FAE] =	sst s0  }
0x9: {  	[smem:$0x3FAF] =	sst s1  }
0xa: {  	[smem:$0x3FB0] =	sst s2  }
0xb: {  	[smem:$0x3FB1] =	sst s3  }
0xc: {  	[smem:$0x3FB2] =	sst s4  }
0xd: {  	[smem:$0x3FB3] =	sst s5  }
0xe: {  	[smem:$0x3FB4] =	sst s6  }
0xf: {  	[smem:$0x3FB5] =	sst s7  }
0x10: {  	[smem:$0x3FB6] =	sst s8  }
0x11: {  	[smem:$0x3FB7] =	sst s9;
	s0 =	simm.s32 @!p0 $0x0  }
0x12: {  	s1 =	sld [smem:$0x3F9D];
	s0 =	simm.s32 @p0 $0x1  }
0x13: {  	[smem:$0x3FB8] =	sst s0;
	s0 =	simm.s32 @!p1 $0x0  }
0x14: {  	s2 =	sld [smem:$0x3F9C];
	s0 =	simm.s32 @p1 $0x1  }
0x15: {  	[smem:$0x3FB9] =	sst s0;
	s0 =	simm.s32 @!p2 $0x0  }
0x16: {  	s3 =	sld [smem:$0x3FDB];
	s0 =	simm.s32 @p2 $0x1  }
0x17: {  	s4 =	simm.s32 $0x1BF5;
	[smem:$0x3FBB] =	sst s0  }
0x18: {  	s0 =	sld [smem:$0x3F9E];
	_ =	swait.ge [sflag:s4], $0x0  }
0x19: {  	s7 =	sld [smem:$0x3F9F]  }
0x1a: {  	s8 =	sadd.s32 $0xFFFFE003, lr  }
0x1b: {  	s9 =	sadd.s32 $0xFFFFFEF7, lr;
	s5 =	simm.s32 $0xFFFFFFFF;
	p2 =	slt.u32 s8, $0xFFFFF086  }
0x1c: {  	p1 =	slt.u32 s9, $0xF7A;
	s5 =	simm.s32 @!p2 $0x0  }
0x1d: {  	s5 =	simm.s32 @p1 $0x1;
	p0 =	seq.s32 s7, s2  }
0x1e: {  	s7 =	smul.u32 @!p0 $0xF7A, s2;
	p2 =	seq.s32 @!p0 s5, $0x0  }
0x1f: {  	s9 =	smul.u32 $0xF7A, s1;
	s8 =	simm.s32 @!p0 $0x1BF5;
	p2 =	por !p2, p0  }
0x20: {  	[sflag:s8] =	ssyncset.s32 @!p0 $0xFFFFF086;
	s6 =	sadd.s32 @!p0 s3, s7;
	s7 =	simm.s32 @!p0 $0x108  }
0x21: {  	s3 =	sadd.s32 s3, s9;
	s6 =	sadd.s32 @!p0 $0x88, s6;
	s7 =	simm.s32 @p2 $0x1082  }
0x22: {  	[simem:s7], [sflag:s8] =	dma.local @!p0 [hbm:s6], $0xF7A  }
0x23: {  	s9 =	sor.u32 $0xD0000000, s2;
	s6 =	simm.s32 $0x108;
	_ =	swait.ge @!p0 [sflag:s8], $0x0  }
0x24: {  	s3 =	sadd.s32 $0x88, s3;
	s6 =	simm.s32 @!p1 $0x1082;
	[sflag:s4] =	ssyncset.s32 $0xFFFFF086  }
0x25: {  	[simem:s6], [sflag:s4] =	dma.local [hbm:s3], $0xF7A  }
0x26: {  	[smem:$0x3F9F] =	sst s1;
	(tag) =	ssettag s2;
	_ =	strace s9  }
0x27: {  	s1 =	sld [smem:$0x3FAF]  }
0x28: {  	s2 =	sld [smem:$0x3FB0]  }
0x29: {  	s4 =	sld [smem:$0x3FB2]  }
0x2a: {  	p0 =	seq.s32 s5, $0x0;
	s5 =	sld [smem:$0x3FB3]  }
0x2b: {  	s6 =	sld [smem:$0x3FB4]  }
0x2c: {  	s7 =	sld [smem:$0x3FB5]  }
0x2d: {  	s3 =	simm.s32 $0x108;
	s8 =	sld [smem:$0x3FB6]  }
0x2e: {  	s3 =	simm.s32 @!p0 $0x1082;
	s9 =	sld [smem:$0x3FB7]  }
0x2f: {  	lr =	sadd.s32 s0, s3;
	s0 =	sld [smem:$0x3FAE]  }
0x30: {  	s3 =	sld [smem:$0x3FB1]  }
0x31: {  	[smem:$0x3FBA] =	sst s10  }
0x32: {  	s10 =	sld [smem:$0x3FB8];
	_ =	sdelay $0x3  }
0x33: {  	p0 =	seq.s32 s10, $0x1;
	s10 =	sld [smem:$0x3FBA];
	_ =	sdelay $0x3  }
0x34: {  	[smem:$0x3FBA] =	sst s10  }
0x35: {  	s10 =	sld [smem:$0x3FB9];
	_ =	sdelay $0x3  }
0x36: {  	p1 =	seq.s32 s10, $0x1;
	s10 =	sld [smem:$0x3FBA];
	_ =	sdelay $0x3  }
0x37: {  	[smem:$0x3FBA] =	sst s10  }
0x38: {  	s10 =	sld [smem:$0x3FBB]  }
0x39: {  	_ = 	snop;
	(pc) =	sbr.ind lr, $3  }
0x3a: {  	_ = 	snop  }
0x3b: {  	_ = 	snop  }
0x3c: {  	p2 =	seq.s32 s10, $0x1;
	s10 =	sld [smem:$0x3FBA]  }
0x3d: {  	_ =	shalt  }
0x3e: {  	_ =	shalt  }
0x3f: {  	_ =	shalt  }
0x40: {  	_ =	shalt  }
0x41: {  	_ =	shalt  }
0x42: {  	_ =	shalt  }
0x43: {  	_ =	shalt  }
0x44: {  	_ =	shalt  }
0x45: {  	_ =	shalt  }
0x46: {  	_ =	shalt  }
0x47: {  	_ =	shalt  }
0x48: {  	_ =	shalt  }
0x49: {  	_ =	shalt  }
0x4a: {  	_ =	shalt  }
0x4b: {  	_ =	shalt  }
0x4c: {  	_ =	shalt  }
0x4d: {  	_ =	shalt  }
0x4e: {  	_ =	shalt  }
0x4f: {  	_ =	shalt  }
0x50: {  	_ =	shalt  }
0x51: {  	_ =	shalt  }
0x52: {  	_ =	shalt  }
0x53: {  	_ =	shalt  }
0x54: {  	_ =	shalt  }
0x55: {  	_ =	shalt  }
0x56: {  	_ =	shalt  }
0x57: {  	_ =	shalt  }
0x58: {  	_ =	shalt  }
0x59: {  	_ =	shalt  }
0x5a: {  	_ =	shalt  }
0x5b: {  	_ =	shalt  }
0x5c: {  	_ =	shalt  }
0x5d: {  	_ =	shalt  }
0x5e: {  	_ =	shalt  }
0x5f: {  	_ =	shalt  }
0x60: {  	_ =	shalt  }
0x61: {  	_ =	shalt  }
0x62: {  	_ =	shalt  }
0x63: {  	_ =	shalt  }
0x64: {  	_ =	shalt  }
0x65: {  	_ =	shalt  }
0x66: {  	_ =	shalt  }
0x67: {  	_ =	shalt  }
0x68: {  	_ =	shalt  }
0x69: {  	_ =	shalt  }
0x6a: {  	_ =	shalt  }
0x6b: {  	_ =	shalt  }
0x6c: {  	_ =	shalt  }
0x6d: {  	_ =	shalt  }
0x6e: {  	_ =	shalt  }
0x6f: {  	_ =	shalt  }
0x70: {  	_ =	shalt  }
0x71: {  	_ =	shalt  }
0x72: {  	_ =	shalt  }
0x73: {  	_ =	shalt  }
0x74: {  	_ =	shalt  }
0x75: {  	_ =	shalt  }
0x76: {  	_ =	shalt  }
0x77: {  	_ =	shalt  }
0x78: {  	_ =	shalt  }
0x79: {  	_ =	shalt  }
0x7a: {  	_ =	shalt  }
0x7b: {  	_ =	shalt  }
0x7c: {  	_ =	shalt  }
0x7d: {  	_ =	shalt  }
0x7e: {  	_ =	shalt  }
0x7f: {  	_ =	shalt  }
0x80: {  	_ =	shalt  }
0x81: {  	_ =	shalt  }
0x82: {  	_ =	shalt  }
0x83: {  	_ =	shalt  }
0x84: {  	_ =	shalt  }
0x85: {  	_ =	shalt  }
0x86: {  	_ =	shalt  }
0x87: {  	_ =	shalt  }
.Lfunc_end0:
.L_simem_size_0:
called_computation_lowered:
.L_overlay_start_0:
0x88: {  	s2 =	sld [smem:$0x3FD9]  }
0x89: {  	s3 =	sld [smem:$0x3FFE];
	_ =	sdelay $0x1  }
0x8a: {  	s1 =	srdreg.scid  }
0x8b: {  	s0 =	sand.u32 $0x1, s1  }
0x8c: {  	s17 =	sshll.u32 s0, $0xA;
	s2 =	sadd.s32 s3, s2  }
0x8d: {  	s2 =	sadd.s32 s2, s17  }
0x8e: {  	[smem:$0x3FC6] =	sst s2  }
0x8f: {  	_ = 	snop  }
0x90: {  	s2 =	sld [smem:$0x3FC9]  }
0x91: {  	s18 =	sld [smem:$0x3FC8];
	(tm) =	ssettm $0x1  }
0x92: {  	s4 =	sld [smem:$0x3FFB];
	_ =	sdelay $0x3  }
0x93: {  	_ =	strace s4  }
0x94: {  	s4 =	sld [smem:$0x3FFC];
	_ =	sdelay $0x3  }
0x95: {  	_ =	strace s4  }
0x96: {  	s4 =	sld [smem:$0x3FFD];
	_ =	sdelay $0x3  }
0x97: {  	_ =	strace s4  }
0x98: {  	_ =	strace $0x8FFFFFFF  }
0x99: {  	s19 =	sld [smem:$0x3FDB];
	_ =	sdelay $0x1  }
0x9a: {  	s5 =	simm.s32 $_scs_section_size  }
0x9b: {  	s6 =	simm.s32 $_size__tile_overlayer_lowered;
	s7 =	simm.s32 $_tile_overlayer_lowered  }
0x9c: {  	s22 =	simm.s32 $0x1BFF;
	s21 =	sshll.u32 s7, $0x1;
	s4 =	sadd.s32 s5, s19  }
0x9d: {  	s8 =	simm.s32 $0x0;
	s20 =	sshll.u32 s6, $0x1;
	s6 =	sadd.s32 s21, s4  }
0x9e: {  	[timem:s8], [sflag:s22] =	dma.local [hbm:s6], s20  }
0x9f: {  	_ =	swait.ge [sflag:s22], s20  }
0xa0: {  	s5 =	ssub.s32 $0x0, s20;
	[sflag:s22] =	ssyncset.done $0x0  }
0xa1: {  	[sflag:s22] =	ssyncadd.s32 s5;
	_ =	sdelay $0x1  }
0xa2: {  	s23 =	simm.s32 $0x1B8B  }
0xa3: {  	_ =	swait.ge [sflag:s23], $0x1  }
0xa4: {  	[sflag:s23] =	ssyncset.done $0x0  }
0xa5: {  	s25 =	simm.s32 $0x1B8E;
	s24 =	sld [smem:$0x3FFE];
	[sflag:s23] =	ssyncadd.s32 $0xFFFFFFFF  }
0xa6: {  	s26 =	simm.s32 $execute0_lowered;
	[smem:$0x3FD2] =	sst s25  }
0xa7: {  	s6 =	sshll.u32 s26, $0x1;
	_ =	strace $0x80000046;
	[dreg:$0x1] =	wrdreg $0xFFFFFFFF  }
0xa8: {  	s28 =	simm.s32 $_size_execute0_lowered;
	s4 =	sadd.s32 s4, s6;
	[dreg:$0x0] =	wrdreg $0x0  }
0xa9: {  	s6 =	sshll.u32 s28, $0x1;
	[dreg:$0x2] =	wrdreg s4  }
0xaa: {  	[dreg:$0x3] =	wrdreg s6  }
0xab: {  	[dreg:$0x4] =	wrdreg $0xC0  }
0xac: {  	_ =	task [dreg:s8], $0x5FFFF  }
0xad: {  	[dreg:$0x1] =	wrdreg $0xFFFFFFFF  }
0xae: {  	[dreg:$0x0] =	wrdreg $0x60  }
0xaf: {  	[dreg:$0x2] =	wrdreg s2  }
0xb0: {  	[dreg:$0x3] =	wrdreg s18  }
0xb1: {  	[dreg:$0x4] =	wrdreg s24  }
0xb2: {  	[dreg:$0x5] =	wrdreg $0x9  }
0xb3: {  	_ =	task.clear_ibuf [dreg:s8], $0x6FFFF;
	_ =	strace $0x90000046  }
0xb4: {  	s29 =	simm.s32 $0x9;
	_ =	strace $0x80000048  }
0xb5: {  	_ =	swait.ge [sflag:s29], $0x1  }
0xb6: {  	[sflag:s29] =	ssyncadd.s32 $0xFFFFFFFF  }
0xb7: {  	_ =	strace $0x90000048  }
0xb8: {  	_ =	sfence  }
0xb9: {  	s30 =	sld [smem:$0x0];
	_ =	sdelay $0x2  }
0xba: {  	s31 =	sshll.u32 s1, $0xD;
	s1 =	sshrl.u32 s1, $0x2  }
0xbb: {  	s3 =	sand.u32 $0x4000, s31;
	s1 =	sadd.s32 s1, s30  }
0xbc: {  	s0 =	sor.u32 s3, s0;
	s1 =	sshll.u32 s1, $0x11  }
0xbd: {  	s0 =	sor.u32 s1, s0  }
0xbe: {  	s0 =	sadd.s32 $0x8F2B, s0  }
0xbf: {  	[sflag:s0] =	ssyncadd.remote.s32 $0x1  }
0xc0: {  	_ =	sfence.sel $0xFFFF  }
0xc1: {  	[dreg:$0x0] =	wrdreg $0xFFFFFFFF;
	(pc) =	sbr.abs _section_cstart, $3  }
0xc2: {  	[dreg:$0x1] =	wrdreg $0xFFFFFFFF  }
0xc3: {  	_ =	task.clear_ibuf [dreg:s8], $0x2FFFF;
	_ =	strace $0x9FFFFFFF  }
0xc4: {  	(tm) =	ssettm $0x7FFFFFFF  }
0xc5: {  	_ =	shalt  }
tec
execute0_lowered:
.L_overlay_start_1:
0x0: {  	(tag) =	ssettag $0x1  }
0x1: {  	s5 =	rddreg [dreg:$0x0]  }
0x2: {  	s6 =	rddreg [dreg:$0x1]  }
0x3: {  	s0 =	srdreg.scid;
	s1 =	rddreg [dreg:$0x2]  }
0x4: {  	s3 =	stileid.u32;
	s4 =	simm.s32 $0x0;
	s0 =	sand.u32 $0x1, s0  }
0x5: {  	s15 =	simm.s32 $0x1;
	[smem:$0x7FF] =	sst s4;
	s2 =	sshll.u32 s0, $0x4  }
0x6: {  	s0 =	ssub.s32 $0x2, s0;
	_ =	strace $0x80000047;
	s2 =	sor.u32 s3, s2  }
0x7: {  	s3 =	smul.u32 $0x1500, s2;
	s29 =	sshll.u32 s2, $0xA;
	s2 =	sshll.u32 s2, $0x3  }
0x8: {  	s28 =	sshrl.u32 s0, $0x1;
	[dreg:$0x4] =	wrdreg s2;
	s30 =	sadd.s32 s5, s29  }
0x9: {  	s0 =	ssub.s32 s0, s28;
	s31 =	sadd.s32 s6, s29;
	[dreg:$0x5] =	wrdreg s30  }
0xa: {  	s0 =	smax.u32 s0, $0x1;
	s1 =	sadd.s32 s3, s1;
	[dreg:$0x6] =	wrdreg s31  }
0xb: {  	s16 =	simm.s32 $0xB000;
	[dreg:$0x8] =	wrdreg s0;
	s1 =	sadd.s32 $0x400, s1  }
0xc: {  	v0 =	vimm.s32 $0x0;
	v1 =	vimm.s32 $0x1;
	s17 =	simm.s32 $0x2;
	s2 =	simm.s32 $0x0;
	[dreg:$0x7] =	wrdreg s1  }
.LBB2_1:
0xd: {  	[dreg:$0x9] =	wrdreg s2;
	s0 =	simm.s32 $0x40;
	s1 =	simm.s32 $0x0  }
.LBB2_2:
0xe: {  	p0 =	sne.s32 s0, $0x29FC0;
	[tilespmem:s1+$0xB000] =	vst v0;
	s1 =	smov.u32 s0;
	s0 =	sadd.s32 $0x40, s0  }
.Ltmp0:
0xf: {  	(pc) =	sbr.rel @p0 .LBB2_2-.Ltmp0, $2  }
0x10: {  	_ =	sdelay $0x2  }
0x11: {  	s1 =	sshra.s32 s1, $0x2  }
0x12: {  	s3 =	simm.s32 $0x0  }
0x13: {  	[tilespmem:s1+$0xB000] =	vst v0;
	s0 =	rddreg [dreg:$0x5];
	s29 =	simm.s32 $0x400;
	s2 =	simm.s32 $0x40000  }
0x14: {  	[tilespmem:s3], [sflag:$0x1] =	stream.strided.gather [hbm4b:s0+s29], $0x5400, s2, s29, $0x38;
	[tilespmem:$0x15800] =	vst v63  }
0x15: {  	s30 =	rddreg [dreg:$0x6];
	s31 =	simm.s32 $0xA800;
	s21 =	simm.s32 $0x0  }
0x16: {  	[tilespmem:s31], [sflag:$0x1] =	stream.linear.gather [hbm4b:s30+s3], $0x400, $0x38;
	[tilespmem:$0x15800] =	vst v63  }
.LBB2_4:
0x17: {  	s22 =	sshll.u32 s21, $0x1;
	s0 =	sshrl.u32 s21, $0x2  }
0x18: {  	s3 =	rddreg [dreg:$0x4];
	s26 =	sshll.u32 s21, $0xB;
	s1 =	sand.u32 $0x4, s22  }
0x19: {  	s4 =	rddreg [dreg:$0x0];
	s2 =	smul.u32 $0x540000, s0;
	s1 =	sor.u32 s3, s1  }
0x1a: {  	s28 =	simm.s32 $0x400;
	s3 =	sand.u32 $0x800, s26;
	s1 =	sshll.u32 s1, $0xA  }
0x1b: {  	s0 =	sshll.u32 s0, $0x12;
	s3 =	sor.u32 $0x400, s3;
	s2 =	sor.u32 s2, s1  }
0x1c: {  	s5 =	simm.s32 $0x40000;
	s0 =	sor.u32 s0, s1;
	s2 =	sor.u32 s3, s2  }
0x1d: {  	s6 =	simm.s32 $0x5400;
	s0 =	sor.u32 s3, s0;
	s2 =	sshrl.u32 s2, $0x3  }
0x1e: {  	s29 =	rddreg [dreg:$0x1];
	s0 =	sshrl.u32 s0, $0x3;
	s2 =	sadd.s32 s4, s2  }
0x1f: {  	[tilespmem:s6], [sflag:$0x2] =	stream.strided.gather [hbm4b:s2+s28], $0x5400, s5, s28, $0x38;
	[tilespmem:$0x15800] =	vst v63  }
0x20: {  	s30 =	simm.s32 $0xAC00;
	s31 =	simm.s32 $0x0;
	s0 =	sadd.s32 s29, s0  }
0x21: {  	[tilespmem:s30], [sflag:$0x2] =	stream.linear.gather [hbm4b:s0+s31], $0x400, $0x38;
	[tilespmem:$0x15800] =	vst v63  }
0x22: {  	_ =	swait.ge [sflag:s15], $0x5400  }
0x23: {  	[sflag:s15] =	ssyncset.done $0x0  }
0x24: {  	[sflag:s15] =	ssyncadd.s32 $0xFFFFAC00  }
0x25: {  	_ =	swait.ge [sflag:s15], $0x400  }
0x26: {  	s23 =	simm.s32 $0xA800;
	[sflag:s15] =	ssyncset.done $0x0  }
0x27: {  	s24 =	simm.s32 $0x0;
	s25 =	simm.s32 $0x0;
	[sflag:s15] =	ssyncadd.s32 $0xFFFFFC00  }
.LBB2_5:
0x28: {  	s26 =	sand.u32 $0x380, s25  }
0x29: {  	s18 =	sand.u32 $0x60, s25;
	v2 =	vld [tilespmem:s24+$0x0];
	s2 =	sor.u32 $0x400, s26  }
0x2a: {  	s0 =	sor.u32 s18, s2  }
0x2b: {  	s31 =	sor.u32 $0x800, s26;
	v3 =	vld [tilespmem:s0+$0x0]  }
0x2c: {  	s6 =	sor.u32 s18, s31  }
0x2d: {  	s29 =	sor.u32 $0xC00, s26;
	v4 =	vld [tilespmem:s6+$0x0]  }
0x2e: {  	s7 =	sor.u32 s18, s29;
	v2 =	vmul.f32 $1.442695020e+00, v2  }
0x2f: {  	s28 =	sor.u32 $0x1000, s26;
	v5 =	vld [tilespmem:s7+$0x0]  }
0x30: {  	s8 =	sor.u32 s18, s28;
	(erf) = vpow2.f32 v2;
	v2 =	vmul.f32 $1.442695020e+00, v3  }
0x31: {  	s30 =	sor.u32 $0x1400, s26;
	v3 =	vld [tilespmem:s8+$0x0]  }
0x32: {  	s9 =	sor.u32 s18, s30;
	(erf) = vpow2.f32 v2;
	v2 =	vmul.f32 $1.442695020e+00, v4  }
0x33: {  	s1 =	sor.u32 $0x1800, s26;
	v44 =	vld [tilespmem:s9+$0x0]  }
0x34: {  	s10 =	sor.u32 s18, s1;
	(erf) = vpow2.f32 v2;
	v2 =	vmul.f32 $1.442695020e+00, v5  }
0x35: {  	s12 =	sor.u32 $0x1C00, s26;
	v6 =	vld [tilespmem:s10+$0x0]  }
0x36: {  	s11 =	sor.u32 s18, s12;
	(erf) = vpow2.f32 v2;
	v2 =	vmul.f32 $1.442695020e+00, v3  }
0x37: {  	s4 =	sor.u32 $0x2000, s26;
	v3 =	vld [tilespmem:s11+$0x0]  }
0x38: {  	s13 =	sor.u32 s18, s4;
	(erf) = vpow2.f32 v2;
	v2 =	vmul.f32 $1.442695020e+00, v44  }
0x39: {  	v45 =	vld [tilespmem:s13+$0x0];
	s6 =	sor.u32 $0x2400, s26;
	v5 =	vpop (erf)  }
0x3a: {  	s14 =	sor.u32 s18, s6;
	v7 =	vadd.f32 $0.0e+00, v5;
	(erf) = vpow2.f32 v2;
	v2 =	vmul.f32 $1.442695020e+00, v6  }
0x3b: {  	s7 =	sor.u32 $0x2800, s26;
	v46 =	vld [tilespmem:s14+$0x0];
	v43 =	vpop (erf)  }
0x3c: {  	s19 =	sor.u32 s18, s7;
	v7 =	vadd.f32 v43, v7;
	(erf) = vpow2.f32 v2;
	v2 =	vmul.f32 $1.442695020e+00, v3  }
0x3d: {  	s8 =	sor.u32 $0x2C00, s26;
	v3 =	vld [tilespmem:s19+$0x0];
	v42 =	vpop (erf)  }
0x3e: {  	s20 =	sor.u32 s18, s8;
	v7 =	vadd.f32 v42, v7;
	(erf) = vpow2.f32 v2;
	v2 =	vmul.f32 $1.442695020e+00, v45  }
0x3f: {  	s9 =	sor.u32 $0x3000, s26;
	v47 =	vld [tilespmem:s20+$0x0];
	v34 =	vpop (erf)  }
0x40: {  	s3 =	sor.u32 s18, s9;
	v7 =	vadd.f32 v34, v7;
	(erf) = vpow2.f32 v2;
	v2 =	vmul.f32 $1.442695020e+00, v46  }
0x41: {  	v48 =	vld [tilespmem:s3+$0x0];
	s19 =	sor.u32 $0x3400, s26;
	v38 =	vpop (erf)  }
0x42: {  	s5 =	sor.u32 s18, s19;
	v7 =	vadd.f32 v38, v7;
	(erf) = vpow2.f32 v2;
	v2 =	vmul.f32 $1.442695020e+00, v3  }
0x43: {  	s13 =	sor.u32 $0x3800, s26;
	v3 =	vld [tilespmem:s5+$0x0];
	v41 =	vpop (erf)  }
0x44: {  	s10 =	sor.u32 s18, s13;
	v7 =	vadd.f32 v41, v7;
	(erf) = vpow2.f32 v2;
	v2 =	vmul.f32 $1.442695020e+00, v47  }
0x45: {  	v49 =	vld [tilespmem:s10+$0x0];
	s14 =	sor.u32 $0x3C00, s26;
	v40 =	vpop (erf)  }
0x46: {  	s11 =	sor.u32 s18, s14;
	v7 =	vadd.f32 v40, v7;
	(erf) = vpow2.f32 v2;
	v2 =	vmul.f32 $1.442695020e+00, v48  }
0x47: {  	s10 =	sor.u32 $0x4000, s26;
	v50 =	vld [tilespmem:s11+$0x0];
	v39 =	vpop (erf)  }
0x48: {  	s20 =	sor.u32 s18, s10;
	v7 =	vadd.f32 v39, v7;
	(erf) = vpow2.f32 v2;
	v2 =	vmul.f32 $1.442695020e+00, v3  }
0x49: {  	s11 =	sor.u32 $0x4400, s26;
	v3 =	vld [tilespmem:s20+$0x0];
	v37 =	vpop (erf)  }
0x4a: {  	s3 =	sor.u32 s18, s11;
	v7 =	vadd.f32 v37, v7;
	(erf) = vpow2.f32 v2;
	v2 =	vmul.f32 $1.442695020e+00, v49  }
0x4b: {  	v51 =	vld [tilespmem:s3+$0x0];
	s20 =	sor.u32 $0x4800, s26;
	v36 =	vpop (erf)  }
0x4c: {  	s5 =	sor.u32 s18, s20;
	v7 =	vadd.f32 v36, v7;
	(erf) = vpow2.f32 v2;
	v2 =	vmul.f32 $1.442695020e+00, v50  }
0x4d: {  	s0 =	sor.u32 $0x4C00, s26;
	v52 =	vld [tilespmem:s5+$0x0];
	v35 =	vpop (erf)  }
0x4e: {  	s3 =	sor.u32 s18, s0;
	v7 =	vadd.f32 v35, v7;
	(erf) = vpow2.f32 v2;
	v2 =	vmul.f32 $1.442695020e+00, v3  }
0x4f: {  	v3 =	vld [tilespmem:s3+$0x0];
	s3 =	sor.u32 $0x5000, s26;
	v33 =	vpop (erf)  }
0x50: {  	s5 =	sor.u32 s18, s3;
	v7 =	vadd.f32 v33, v7;
	(erf) = vpow2.f32 v2;
	v2 =	vmul.f32 $1.442695020e+00, v51  }
0x51: {  	v53 =	vld [tilespmem:s5+$0x0];
	v32 =	vpop (erf)  }
0x52: {  	v7 =	vadd.f32 v32, v7;
	(erf) = vpow2.f32 v2;
	v2 =	vmul.f32 $1.442695020e+00, v52  }
0x53: {  	v31 =	vpop (erf)  }
0x54: {  	v54 =	vadd.f32 v31, v7;
	(erf) = vpow2.f32 v2;
	v2 =	vmul.f32 $1.442695020e+00, v3  }
0x55: {  	v30 =	vpop (erf)  }
0x56: {  	v3 =	vadd.f32 v30, v54;
	(erf) = vpow2.f32 v2;
	v2 =	vmul.f32 $1.442695020e+00, v53  }
0x57: {  	v29 =	vpop (erf)  }
0x58: {  	v3 =	vadd.f32 v29, v3;
	(erf) = vpow2.f32 v2  }
0x59: {  	v28 =	vpop (erf)  }
0x5a: {  	v2 =	vadd.f32 v28, v3  }
0x5b: {  	v24 =	vpop (erf)  }
0x5c: {  	s18 =	sor.u32 $0x10, s18;
	v2 =	vadd.f32 v24, v2  }
0x5d: {  	s26 =	sor.u32 s26, s18;
	v21 =	vpop (erf)  }
0x5e: {  	v3 =	vld [tilespmem:s26+$0x0];
	v2 =	vadd.f32 v21, v2  }
0x5f: {  	s2 =	sor.u32 s18, s2;
	v20 =	vpop (erf)  }
0x60: {  	v55 =	vld [tilespmem:s2+$0x0];
	v2 =	vadd.f32 v20, v2  }
0x61: {  	s31 =	sor.u32 s18, s31;
	v16 =	vpop (erf)  }
0x62: {  	v56 =	vld [tilespmem:s31+$0x0];
	v2 =	vadd.f32 v16, v2  }
0x63: {  	s5 =	sor.u32 s18, s29;
	v3 =	vmul.f32 $1.442695020e+00, v3  }
0x64: {  	v57 =	vld [tilespmem:s5+$0x0];
	(erf) = vrcp.f32 v2  }
0x65: {  	s29 =	sor.u32 s18, s28;
	v2 =	vmul.f32 $1.442695020e+00, v55;
	(erf) = vpow2.f32 v3  }
0x66: {  	v3 =	vld [tilespmem:s29+$0x0]  }
0x67: {  	s31 =	sor.u32 s18, s30;
	(erf) = vpow2.f32 v2;
	v2 =	vmul.f32 $1.442695020e+00, v56  }
0x68: {  	v58 =	vld [tilespmem:s31+$0x0]  }
0x69: {  	s1 =	sor.u32 s18, s1;
	(erf) = vpow2.f32 v2;
	v2 =	vmul.f32 $1.442695020e+00, v57  }
0x6a: {  	v59 =	vld [tilespmem:s1+$0x0]  }
0x6b: {  	s2 =	sor.u32 s18, s12;
	(erf) = vpow2.f32 v2;
	v2 =	vmul.f32 $1.442695020e+00, v3  }
0x6c: {  	v3 =	vld [tilespmem:s2+$0x0]  }
0x6d: {  	s5 =	sor.u32 s18, s4;
	v44 =	vpop (erf);
	(erf) = vpow2.f32 v2;
	v2 =	vmul.f32 $1.442695020e+00, v58  }
0x6e: {  	v60 =	vld [tilespmem:s5+$0x0];
	v27 =	vpop (erf)  }
0x6f: {  	s6 =	sor.u32 s18, s6;
	v61 =	vadd.f32 $0.0e+00, v27;
	(erf) = vpow2.f32 v2;
	v2 =	vmul.f32 $1.442695020e+00, v59  }
0x70: {  	v62 =	vld [tilespmem:s6+$0x0];
	v25 =	vpop (erf)  }
0x71: {  	s7 =	sor.u32 s18, s7;
	v7 =	vadd.f32 v25, v61;
	(erf) = vpow2.f32 v2;
	v2 =	vmul.f32 $1.442695020e+00, v3  }
0x72: {  	v3 =	vld [tilespmem:s7+$0x0];
	v26 =	vpop (erf)  }
0x73: {  	s8 =	sor.u32 s18, s8;
	v7 =	vadd.f32 v26, v7;
	(erf) = vpow2.f32 v2;
	v2 =	vmul.f32 $1.442695020e+00, v60  }
0x74: {  	v63 =	vld [tilespmem:s8+$0x0];
	v23 =	vpop (erf)  }
0x75: {  	s9 =	sor.u32 s18, s9;
	v7 =	vadd.f32 v23, v7;
	(erf) = vpow2.f32 v2;
	v2 =	vmul.f32 $1.442695020e+00, v62  }
0x76: {  	v9 =	vld [tilespmem:s9+$0x0];
	v22 =	vpop (erf)  }
0x77: {  	s12 =	sor.u32 s18, s19;
	v7 =	vadd.f32 v22, v7;
	(erf) = vpow2.f32 v2;
	v2 =	vmul.f32 $1.442695020e+00, v3  }
0x78: {  	v3 =	vld [tilespmem:s12+$0x0];
	v19 =	vpop (erf)  }
0x79: {  	s13 =	sor.u32 s18, s13;
	v7 =	vadd.f32 v19, v7;
	(erf) = vpow2.f32 v2;
	v2 =	vmul.f32 $1.442695020e+00, v63  }
0x7a: {  	v10 =	vld [tilespmem:s13+$0x0];
	v17 =	vpop (erf)  }
0x7b: {  	s19 =	sor.u32 s18, s14;
	v7 =	vadd.f32 v17, v7;
	(erf) = vpow2.f32 v2;
	v2 =	vmul.f32 $1.442695020e+00, v9  }
0x7c: {  	v11 =	vld [tilespmem:s19+$0x0];
	v15 =	vpop (erf)  }
0x7d: {  	s28 =	sor.u32 s18, s10;
	v7 =	vadd.f32 v15, v7;
	(erf) = vpow2.f32 v2;
	v2 =	vmul.f32 $1.442695020e+00, v3  }
0x7e: {  	v3 =	vld [tilespmem:s28+$0x0];
	v18 =	vpop (erf)  }
0x7f: {  	s29 =	sor.u32 s18, s11;
	v7 =	vadd.f32 v18, v7;
	(erf) = vpow2.f32 v2;
	v2 =	vmul.f32 $1.442695020e+00, v10  }
0x80: {  	v45 =	vld [tilespmem:s29+$0x0];
	v14 =	vpop (erf)  }
0x81: {  	s30 =	sor.u32 s18, s20;
	v7 =	vadd.f32 v14, v7;
	(erf) = vpow2.f32 v2;
	v2 =	vmul.f32 $1.442695020e+00, v11  }
0x82: {  	v46 =	vld [tilespmem:s30+$0x0];
	v13 =	vpop (erf)  }
0x83: {  	v7 =	vadd.f32 v13, v7;
	(erf) = vpow2.f32 v2;
	v2 =	vmul.f32 $1.442695020e+00, v3  }
0x84: {  	s0 =	sor.u32 s18, s0;
	v12 =	vpop (erf)  }
0x85: {  	v3 =	vld [tilespmem:s0+$0x0];
	v7 =	vadd.f32 v12, v7;
	(erf) = vpow2.f32 v2;
	v2 =	vmul.f32 $1.442695020e+00, v45  }
0x86: {  	s31 =	sor.u32 s18, s3;
	v11 =	vpop (erf)  }
0x87: {  	v47 =	vld [tilespmem:s31+$0x0];
	v7 =	vadd.f32 v11, v7;
	(erf) = vpow2.f32 v2;
	v2 =	vmul.f32 $1.442695020e+00, v46  }
0x88: {  	v9 =	vpop (erf)  }
0x89: {  	v48 =	vadd.f32 v9, v7;
	(erf) = vpow2.f32 v2  }
0x8a: {  	v2 =	vmul.f32 $1.442695020e+00, v3;
	v10 =	vpop (erf)  }
0x8b: {  	v44 =	vmul.f32 $1.024000000e+03, v44;
	v3 =	vadd.f32 v10, v48  }
0x8c: {  	(erf) = vpow2.f32 v2;
	v2 =	vmul.f32 $1.442695020e+00, v47;
	v8 =	vpop (erf)  }
0x8d: {  	v5 =	vmul.f32 v44, v5;
	v49 =	vmul.f32 v44, v43;
	v3 =	vadd.f32 v8, v3  }
0x8e: {  	v42 =	vmul.f32 v44, v42;
	(erf) = vpow2.f32 v2;
	v7 =	vpop (erf)  }
0x8f: {  	v43 =	vld [tilespmem:s23+$0x0];
	v54 =	vmul.f32 v44, v38;
	v57 =	vmul.f32 v44, v41;
	v2 =	vadd.f32 v7, v3  }
0x90: {  	v16 =	vmul.f32 v44, v16;
	v5 =	vtrunc.f32 v5;
	v6 =	vpop (erf)  }
0x91: {  	v50 =	vtrunc.f32 v49;
	v42 =	vtrunc.f32 v42;
	v2 =	vadd.f32 v6, v2  }
0x92: {  	v56 =	vtrunc.f32 v54;
	v59 =	vtrunc.f32 v57;
	v4 =	vpop (erf)  }
0x93: {  	v16 =	vtrunc.f32 v16;
	v42 =	vcvt.f32.s32 v42;
	v2 =	vadd.f32 v4, v2  }
0x94: {  	v60 =	vmul.f32 v44, v40;
	vm6 =	veq.s32 v43, $0x0;
	v46 =	vcvt.f32.s32 v5  }
0x95: {  	vm7 =	veq.s32 v43, $0x1;
	vm8 =	vlt.s32 v42, $0x3FF;
	vm9 =	veq.s32 v43, $0x2;
	v3 =	vpop (erf)  }
0x96: {  	vm0 =	vlt.s32 v46, $0x3FF;
	v48 =	vmul.f32 v44, v34;
	v45 =	vadd.f32 v3, v2  }
0x97: {  	vm11 =	veq.s32 v43, $0x3;
	vm13 =	veq.s32 v43, $0x4;
	v46 =	vnsel vm0, $0x3FF, v46;
	v2 =	vpop (erf)  }
0x98: {  	v47 =	vsub.s32 $0x57FF, v46;
	v53 =	vtrunc.f32 v48;
	v45 =	vadd.f32 v2, v45  }
0x99: {  	v42 =	vnsel vm8, $0x3FF, v42;
	v34 =	vsel vm6, v47, v46;
	v46 =	vcvt.f32.s32 v53  }
0x9a: {  	v55 =	vsub.s32 $0x57FF, v42;
	(erf) = vrcp.f32 v45;
	v45 =	vcvt.f32.s32 v50  }
0x9b: {  	v62 =	vtrunc.f32 v60;
	vm15 =	veq.s32 v43, $0x5;
	v42 =	vsel vm9, v55, v42  }
0x9c: {  	v41 =	vadd.s32 $0x800, v42;
	vm10 =	vlt.s32 v46, $0x3FF;
	vm5 =	vlt.s32 v45, $0x3FF  }
0x9d: {  	v63 =	vmul.f32 v44, v39;
	v46 =	vnsel vm10, $0x3FF, v46;
	v45 =	vnsel vm5, $0x3FF, v45  }
0x9e: {  	v53 =	vmul.f32 v44, v36;
	v58 =	vsub.s32 $0x57FF, v46;
	v52 =	vsub.s32 $0x57FF, v45  }
0x9f: {  	v42 =	vsel vm11, v58, v46;
	v46 =	vcvt.f32.s32 v59;
	v45 =	vsel vm7, v52, v45  }
0xa0: {  	v49 =	vtrunc.f32 v63;
	v38 =	vadd.s32 $0x400, v45;
	v45 =	vcvt.f32.s32 v56  }
0xa1: {  	v55 =	vtrunc.f32 v53;
	v59 =	vmul.f32 v44, v33;
	vm14 =	vlt.s32 v46, $0x3FF  }
0xa2: {  	v50 =	vmul.f32 v44, v37;
	v56 =	vmul.f32 v44, v35;
	vm12 =	vlt.s32 v45, $0x3FF  }
0xa3: {  	v40 =	vadd.s32 $0xC00, v42;
	v46 =	vnsel vm14, $0x3FF, v46;
	v45 =	vnsel vm12, $0x3FF, v45  }
0xa4: {  	v52 =	vtrunc.f32 v50;
	v58 =	vtrunc.f32 v56;
	v51 =	vpop (erf);
	v61 =	vsub.s32 $0x57FF, v45  }
0xa5: {  	v5 =	vmul.f32 $1.024000000e+03, v51;
	v42 =	vsel vm13, v61, v45;
	v45 =	vcvt.f32.s32 v62  }
0xa6: {  	v48 =	vsub.s32 $0x57FF, v46;
	v61 =	vtrunc.f32 v59;
	v62 =	vmul.f32 v44, v32  }
0xa7: {  	v39 =	vadd.s32 $0x1000, v42;
	v42 =	vsel vm15, v48, v46;
	v46 =	vcvt.f32.s32 v49  }
0xa8: {  	v49 =	vmul.f32 v44, v31;
	v25 =	vmul.f32 v5, v25  }
0xa9: {  	v26 =	vmul.f32 v5, v26;
	v22 =	vmul.f32 v5, v22  }
0xaa: {  	v15 =	vmul.f32 v5, v15;
	v18 =	vmul.f32 v5, v18  }
0xab: {  	v14 =	vmul.f32 v5, v14;
	v13 =	vmul.f32 v5, v13  }
0xac: {  	v12 =	vmul.f32 v5, v12;
	v11 =	vmul.f32 v5, v11  }
0xad: {  	v9 =	vmul.f32 v5, v9;
	v10 =	vmul.f32 v5, v10  }
0xae: {  	v8 =	vmul.f32 v5, v8;
	v7 =	vmul.f32 v5, v7  }
0xaf: {  	v6 =	vmul.f32 v5, v6;
	v4 =	vmul.f32 v5, v4  }
0xb0: {  	v3 =	vmul.f32 v5, v3;
	v2 =	vmul.f32 v5, v2  }
0xb1: {  	v48 =	vtrunc.f32 v62;
	v25 =	vtrunc.f32 v25  }
0xb2: {  	v15 =	vtrunc.f32 v15;
	v18 =	vtrunc.f32 v18  }
0xb3: {  	vm9 =	veq.s32 v43, $0x8;
	v14 =	vtrunc.f32 v14;
	v13 =	vtrunc.f32 v13  }
0xb4: {  	vm11 =	veq.s32 v43, $0x9;
	v12 =	vtrunc.f32 v12;
	v11 =	vtrunc.f32 v11  }
0xb5: {  	vm5 =	veq.s32 v43, $0x6;
	v9 =	vtrunc.f32 v9;
	v10 =	vtrunc.f32 v10  }
0xb6: {  	vm7 =	veq.s32 v43, $0x7;
	v8 =	vtrunc.f32 v8;
	v7 =	vtrunc.f32 v7  }
0xb7: {  	vm13 =	veq.s32 v43, $0xA;
	v6 =	vtrunc.f32 v6;
	v4 =	vtrunc.f32 v4  }
0xb8: {  	vm15 =	veq.s32 v43, $0xB;
	v3 =	vtrunc.f32 v3;
	v2 =	vtrunc.f32 v2  }
0xb9: {  	vm4 =	vlt.s32 v45, $0x3FF;
	v15 =	vcvt.f32.s32 v15;
	v18 =	vcvt.f32.s32 v18  }
0xba: {  	v37 =	vadd.s32 $0x1400, v42;
	v14 =	vcvt.f32.s32 v14;
	v13 =	vcvt.f32.s32 v13  }
0xbb: {  	v45 =	vnsel vm4, $0x3FF, v45;
	v12 =	vcvt.f32.s32 v12;
	v11 =	vcvt.f32.s32 v11  }
0xbc: {  	vm6 =	vlt.s32 v46, $0x3FF;
	v9 =	vcvt.f32.s32 v9;
	v10 =	vcvt.f32.s32 v10  }
0xbd: {  	v51 =	vsub.s32 $0x57FF, v45;
	v8 =	vcvt.f32.s32 v8;
	v7 =	vcvt.f32.s32 v7  }
0xbe: {  	v46 =	vnsel vm6, $0x3FF, v46;
	v6 =	vcvt.f32.s32 v6;
	v4 =	vcvt.f32.s32 v4  }
0xbf: {  	v3 =	vcvt.f32.s32 v3;
	v2 =	vcvt.f32.s32 v2;
	v42 =	vsel vm5, v51, v45  }
0xc0: {  	v45 =	vcvt.f32.s32 v52;
	v54 =	vsub.s32 $0x57FF, v46;
	v51 =	vtrunc.f32 v49  }
0xc1: {  	v52 =	vmul.f32 v44, v30;
	vm5 =	veq.s32 v43, $0xC;
	v36 =	vadd.s32 $0x1800, v42  }
0xc2: {  	v42 =	vsel vm7, v54, v46;
	v46 =	vcvt.f32.s32 v55;
	vm8 =	vlt.s32 v45, $0x3FF  }
0xc3: {  	v55 =	vmul.f32 v44, v29;
	vm7 =	veq.s32 v43, $0xD;
	v45 =	vnsel vm8, $0x3FF, v45  }
0xc4: {  	v35 =	vadd.s32 $0x1C00, v42;
	vm10 =	vlt.s32 v46, $0x3FF;
	v57 =	vsub.s32 $0x57FF, v45  }
0xc5: {  	v54 =	vtrunc.f32 v52;
	v46 =	vnsel vm10, $0x3FF, v46;
	v42 =	vsel vm9, v57, v45  }
0xc6: {  	v45 =	vcvt.f32.s32 v58;
	v60 =	vsub.s32 $0x57FF, v46;
	v57 =	vtrunc.f32 v55  }
0xc7: {  	v58 =	vmul.f32 v44, v28;
	vm9 =	veq.s32 v43, $0xE;
	v33 =	vadd.s32 $0x2000, v42  }
0xc8: {  	v42 =	vsel vm11, v60, v46;
	v46 =	vcvt.f32.s32 v61;
	vm12 =	vlt.s32 v45, $0x3FF  }
0xc9: {  	v61 =	vmul.f32 v44, v24;
	vm11 =	veq.s32 v43, $0xF;
	v45 =	vnsel vm12, $0x3FF, v45  }
0xca: {  	v32 =	vadd.s32 $0x2400, v42;
	vm14 =	vlt.s32 v46, $0x3FF;
	v63 =	vsub.s32 $0x57FF, v45  }
0xcb: {  	v60 =	vtrunc.f32 v58;
	v46 =	vnsel vm14, $0x3FF, v46;
	v42 =	vsel vm13, v63, v45  }
0xcc: {  	v45 =	vcvt.f32.s32 v48;
	v50 =	vsub.s32 $0x57FF, v46;
	v63 =	vtrunc.f32 v61  }
0xcd: {  	v48 =	vmul.f32 v44, v21;
	vm13 =	veq.s32 v43, $0x10;
	v61 =	vcvt.f32.s32 v25  }
0xce: {  	v31 =	vadd.s32 $0x2800, v42;
	v42 =	vsel vm15, v50, v46;
	v46 =	vcvt.f32.s32 v51  }
0xcf: {  	v51 =	vmul.f32 v44, v20;
	vm15 =	veq.s32 v43, $0x11;
	vm4 =	vlt.s32 v45, $0x3FF  }
0xd0: {  	v30 =	vadd.s32 $0x2C00, v42;
	v45 =	vnsel vm4, $0x3FF, v45;
	vm6 =	vlt.s32 v46, $0x3FF  }
0xd1: {  	v50 =	vtrunc.f32 v48;
	v53 =	vsub.s32 $0x57FF, v45;
	v46 =	vnsel vm6, $0x3FF, v46  }
0xd2: {  	v42 =	vsel vm5, v53, v45;
	v45 =	vcvt.f32.s32 v54;
	v56 =	vsub.s32 $0x57FF, v46  }
0xd3: {  	v53 =	vtrunc.f32 v51;
	vm5 =	veq.s32 v43, $0x12;
	v29 =	vadd.s32 $0x3000, v42  }
0xd4: {  	v42 =	vsel vm7, v56, v46;
	v46 =	vcvt.f32.s32 v57;
	v56 =	vcvt.f32.s32 v16  }
0xd5: {  	v57 =	vmul.f32 v5, v27;
	vm7 =	veq.s32 v43, $0x13;
	vm8 =	vlt.s32 v45, $0x3FF  }
0xd6: {  	v16 =	vld [tilespmem:s26+$0xA800];
	v28 =	vadd.s32 $0x3400, v42;
	v45 =	vnsel vm8, $0x3FF, v45;
	vm10 =	vlt.s32 v46, $0x3FF  }
0xd7: {  	vm8 =	vlt.s32 v56, $0x3FF;
	v59 =	vsub.s32 $0x57FF, v45;
	v46 =	vnsel vm10, $0x3FF, v46  }
0xd8: {  	v42 =	vsel vm9, v59, v45;
	v45 =	vcvt.f32.s32 v60;
	v62 =	vsub.s32 $0x57FF, v46  }
0xd9: {  	v59 =	vtrunc.f32 v57;
	vm9 =	veq.s32 v43, $0x14;
	v24 =	vadd.s32 $0x3800, v42  }
0xda: {  	v42 =	vsel vm11, v62, v46;
	v46 =	vcvt.f32.s32 v63;
	v62 =	vtrunc.f32 v26  }
0xdb: {  	vm11 =	veq.s32 v16, $0x0;
	vm12 =	vlt.s32 v45, $0x3FF;
	v21 =	vadd.s32 $0x3C00, v42  }
0xdc: {  	v48 =	vcvt.f32.s32 v62;
	v45 =	vnsel vm12, $0x3FF, v45;
	vm14 =	vlt.s32 v46, $0x3FF  }
0xdd: {  	vm12 =	vlt.s32 v61, $0x3FF;
	v49 =	vsub.s32 $0x57FF, v45;
	v46 =	vnsel vm14, $0x3FF, v46  }
0xde: {  	vm14 =	veq.s32 v16, $0x1;
	v42 =	vsel vm13, v49, v45;
	v45 =	vcvt.f32.s32 v50  }
0xdf: {  	v52 =	vsub.s32 $0x57FF, v46;
	v49 =	vmul.f32 v5, v23;
	v50 =	vnsel vm12, $0x3FF, v61  }
0xe0: {  	vm13 =	vlt.s32 v48, $0x3FF;
	vm12 =	vlt.s32 v15, $0x3FF;
	v20 =	vadd.s32 $0x4000, v42  }
0xe1: {  	v42 =	vsel vm15, v52, v46;
	v46 =	vcvt.f32.s32 v53;
	v51 =	vnsel vm13, $0x3FF, v48  }
0xe2: {  	vm15 =	veq.s32 v16, $0x2;
	v53 =	vtrunc.f32 v22;
	v15 =	vnsel vm12, $0x3FF, v15  }
0xe3: {  	vm13 =	vlt.s32 v18, $0x3FF;
	vm12 =	vlt.s32 v9, $0x3FF;
	vm4 =	vlt.s32 v45, $0x3FF  }
0xe4: {  	v42 =	vadd.s32 $0x4400, v42;
	v26 =	vtrunc.f32 v49;
	v52 =	vsub.s32 $0x57FF, v51  }
0xe5: {  	v18 =	vnsel vm13, $0x3FF, v18;
	v48 =	vsub.s32 $0x57FF, v15;
	v9 =	vnsel vm12, $0x3FF, v9  }
0xe6: {  	vm13 =	vlt.s32 v10, $0x3FF;
	vm12 =	vlt.s32 v3, $0x3FF;
	v45 =	vnsel vm4, $0x3FF, v45  }
0xe7: {  	vm6 =	vlt.s32 v46, $0x3FF;
	v26 =	vcvt.f32.s32 v26;
	v49 =	vsub.s32 $0x57FF, v18  }
0xe8: {  	v10 =	vnsel vm13, $0x3FF, v10;
	v3 =	vnsel vm12, $0x3FF, v3;
	vm13 =	vlt.s32 v2, $0x3FF  }
0xe9: {  	v54 =	vsub.s32 $0x57FF, v45;
	v55 =	vnsel vm6, $0x3FF, v46;
	v46 =	vnsel vm8, $0x3FF, v56  }
0xea: {  	v56 =	vmul.f32 v5, v19;
	v2 =	vnsel vm13, $0x3FF, v2;
	v44 =	vsel vm5, v54, v45  }
0xeb: {  	v58 =	vsub.s32 $0x57FF, v55;
	v45 =	vcvt.f32.s32 v59;
	v60 =	vsub.s32 $0x57FF, v46  }
0xec: {  	vm4 =	vlt.s32 v26, $0x3FF;
	v54 =	vcvt.f32.s32 v53;
	vm5 =	veq.s32 v16, $0x3  }
0xed: {  	v59 =	vmul.f32 v5, v17;
	v27 =	vadd.s32 $0x4800, v44;
	v44 =	vsel vm7, v58, v55  }
0xee: {  	[tilespmem:v34+s16+$0x0] =	vst.idx.add.s32.msk $0xffff, v1;
	v43 =	vsel vm9, v60, v46;
	v46 =	vsub.s32 $0x57FF, v50;
	v26 =	vnsel vm4, $0x3FF, v26  }
0xef: {  	[tilespmem:v38+s16+$0x0] =	vst.idx.add.s32.msk $0xffff, v1;
	vm7 =	veq.s32 v16, $0x4;
	v57 =	vtrunc.f32 v56;
	vm9 =	veq.s32 v16, $0x5  }
0xf0: {  	[tilespmem:v41+s16+$0x0] =	vst.idx.add.s32.msk $0xffff, v1;
	vm4 =	vlt.s32 v14, $0x3FF;
	v56 =	vsub.s32 $0x57FF, v10;
	vm10 =	vlt.s32 v45, $0x3FF  }
0xf1: {  	[tilespmem:v40+s16+$0x0] =	vst.idx.add.s32.msk $0xffff, v1;
	v23 =	vadd.s32 $0x4C00, v44;
	v44 =	vsel vm14, v46, v50;
	v22 =	vadd.s32 $0x5000, v43  }
0xf2: {  	[tilespmem:v39+s16+$0x0] =	vst.idx.add.s32.msk $0xffff, v1;
	v55 =	vsub.s32 $0x57FF, v26;
	vm6 =	vlt.s32 v54, $0x3FF;
	v61 =	vtrunc.f32 v59  }
0xf3: {  	[tilespmem:v37+s16+$0x0] =	vst.idx.add.s32.msk $0xffff, v1;
	vm14 =	veq.s32 v16, $0x7;
	v14 =	vnsel vm4, $0x3FF, v14;
	vm4 =	vlt.s32 v8, $0x3FF  }
0xf4: {  	[tilespmem:v36+s16+$0x0] =	vst.idx.add.s32.msk $0xffff, v1;
	v45 =	vnsel vm10, $0x3FF, v45;
	v19 =	vadd.s32 $0x400, v44;
	v26 =	vsel vm5, v55, v26  }
0xf5: {  	[tilespmem:v35+s16+$0x0] =	vst.idx.add.s32.msk $0xffff, v1;
	v43 =	vnsel vm6, $0x3FF, v54;
	v44 =	vcvt.f32.s32 v57;
	v15 =	vsel vm14, v48, v15  }
0xf6: {  	[tilespmem:v33+s16+$0x0] =	vst.idx.add.s32.msk $0xffff, v1;
	vm5 =	veq.s32 v16, $0x9;
	vm6 =	vlt.s32 v13, $0x3FF;
	vm14 =	veq.s32 v16, $0xD  }
0xf7: {  	[tilespmem:v32+s16+$0x0] =	vst.idx.add.s32.msk $0xffff, v1;
	v55 =	vsub.s32 $0x57FF, v9;
	v8 =	vnsel vm4, $0x3FF, v8;
	v63 =	vsub.s32 $0x57FF, v45  }
0xf8: {  	[tilespmem:v31+s16+$0x0] =	vst.idx.add.s32.msk $0xffff, v1;
	v58 =	vsub.s32 $0x57FF, v43;
	v26 =	vadd.s32 $0xC00, v26;
	v15 =	vadd.s32 $0x1C00, v15  }
0xf9: {  	[tilespmem:v30+s16+$0x0] =	vst.idx.add.s32.msk $0xffff, v1;
	v13 =	vnsel vm6, $0x3FF, v13;
	v9 =	vsel vm14, v55, v9;
	v57 =	vsub.s32 $0x57FF, v8  }
0xfa: {  	[tilespmem:v29+s16+$0x0] =	vst.idx.add.s32.msk $0xffff, v1;
	vm6 =	vlt.s32 v7, $0x3FF;
	vm14 =	veq.s32 v16, $0x13;
	v25 =	vsel vm11, v63, v45  }
0xfb: {  	[tilespmem:v28+s16+$0x0] =	vst.idx.add.s32.msk $0xffff, v1;
	v45 =	vsel vm15, v52, v51;
	v60 =	vsel vm7, v58, v43;
	vm8 =	vlt.s32 v44, $0x3FF  }
0xfc: {  	[tilespmem:v24+s16+$0x0] =	vst.idx.add.s32.msk $0xffff, v1;
	v43 =	vcvt.f32.s32 v61;
	vm11 =	veq.s32 v16, $0x6;
	vm15 =	veq.s32 v16, $0x8  }
0xfd: {  	[tilespmem:v21+s16+$0x0] =	vst.idx.add.s32.msk $0xffff, v1;
	v51 =	vsub.s32 $0x57FF, v14;
	vm7 =	veq.s32 v16, $0xA;
	v52 =	vsub.s32 $0x57FF, v13  }
0xfe: {  	[tilespmem:v20+s16+$0x0] =	vst.idx.add.s32.msk $0xffff, v1;
	v9 =	vadd.s32 $0x3400, v9;
	v7 =	vnsel vm6, $0x3FF, v7;
	v45 =	vadd.s32 $0x800, v45  }
0xff: {  	[tilespmem:v42+s16+$0x0] =	vst.idx.add.s32.msk $0xffff, v1;
	v17 =	vadd.s32 $0x1000, v60;
	v44 =	vnsel vm8, $0x3FF, v44;
	v18 =	vsel vm15, v49, v18  }
0x100: {  	v14 =	vsel vm5, v51, v14;
	v13 =	vsel vm7, v52, v13;
	[tilespmem:v27+s16+$0x0] =	vst.idx.add.s32.msk $0xffff, v1;
	vm10 =	vlt.s32 v43, $0x3FF  }
0x101: {  	vm8 =	vlt.s32 v12, $0x3FF;
	v62 =	vsub.s32 $0x57FF, v44;
	[tilespmem:v23+s16+$0x0] =	vst.idx.add.s32.msk $0xffff, v1;
	v43 =	vnsel vm10, $0x3FF, v43  }
0x102: {  	vm15 =	veq.s32 v16, $0xE;
	v44 =	vsel vm9, v62, v44;
	[tilespmem:v22+s16+$0x0] =	vst.idx.add.s32.msk $0xffff, v1;
	v63 =	vsub.s32 $0x57FF, v43  }
0x103: {  	vm5 =	veq.s32 v16, $0xF;
	v44 =	vadd.s32 $0x1400, v44;
	v43 =	vsel vm11, v63, v43;
	[tilespmem:v25+s16+$0x0] =	vst.idx.add.s32.msk $0xffff, v1  }
0x104: {  	vm7 =	veq.s32 v16, $0x10;
	v58 =	vsub.s32 $0x57FF, v7;
	v50 =	vadd.s32 $0x1800, v43;
	[tilespmem:v19+s16+$0x0] =	vst.idx.add.s32.msk $0xffff, v1  }
0x105: {  	v18 =	vadd.s32 $0x2000, v18;
	v14 =	vadd.s32 $0x2400, v14;
	v13 =	vadd.s32 $0x2800, v13;
	[tilespmem:v45+s16+$0x0] =	vst.idx.add.s32.msk $0xffff, v1  }
0x106: {  	v12 =	vnsel vm8, $0x3FF, v12;
	v10 =	vsel vm15, v56, v10;
	vm10 =	vlt.s32 v11, $0x3FF;
	[tilespmem:v26+s16+$0x0] =	vst.idx.add.s32.msk $0xffff, v1  }
0x107: {  	vm9 =	veq.s32 v16, $0xB;
	v53 =	vsub.s32 $0x57FF, v12;
	v11 =	vnsel vm10, $0x3FF, v11;
	[tilespmem:v17+s16+$0x0] =	vst.idx.add.s32.msk $0xffff, v1  }
0x108: {  	v12 =	vsel vm9, v53, v12;
	vm11 =	veq.s32 v16, $0xC;
	v54 =	vsub.s32 $0x57FF, v11;
	[tilespmem:v44+s16+$0x0] =	vst.idx.add.s32.msk $0xffff, v1  }
0x109: {  	v8 =	vsel vm5, v57, v8;
	v12 =	vadd.s32 $0x2C00, v12;
	v11 =	vsel vm11, v54, v11;
	[tilespmem:v50+s16+$0x0] =	vst.idx.add.s32.msk $0xffff, v1  }
0x10a: {  	v7 =	vsel vm7, v58, v7;
	vm8 =	vlt.s32 v6, $0x3FF;
	v11 =	vadd.s32 $0x3000, v11;
	[tilespmem:v15+s16+$0x0] =	vst.idx.add.s32.msk $0xffff, v1  }
0x10b: {  	vm15 =	veq.s32 v16, $0x14;
	v10 =	vadd.s32 $0x3800, v10;
	v8 =	vadd.s32 $0x3C00, v8;
	[tilespmem:v18+s16+$0x0] =	vst.idx.add.s32.msk $0xffff, v1  }
0x10c: {  	v7 =	vadd.s32 $0x4000, v7;
	v6 =	vnsel vm8, $0x3FF, v6;
	vm10 =	vlt.s32 v4, $0x3FF;
	[tilespmem:v14+s16+$0x0] =	vst.idx.add.s32.msk $0xffff, v1  }
0x10d: {  	vm9 =	veq.s32 v16, $0x11;
	v59 =	vsub.s32 $0x57FF, v6;
	v4 =	vnsel vm10, $0x3FF, v4;
	[tilespmem:v13+s16+$0x0] =	vst.idx.add.s32.msk $0xffff, v1  }
0x10e: {  	v60 =	vsel vm9, v59, v6;
	vm11 =	veq.s32 v16, $0x12;
	v61 =	vsub.s32 $0x57FF, v4;
	[tilespmem:v12+s16+$0x0] =	vst.idx.add.s32.msk $0xffff, v1  }
0x10f: {  	v62 =	vsub.s32 $0x57FF, v3;
	v5 =	vadd.s32 $0x4400, v60;
	v4 =	vsel vm11, v61, v4;
	[tilespmem:v11+s16+$0x0] =	vst.idx.add.s32.msk $0xffff, v1  }
0x110: {  	v3 =	vsel vm14, v62, v3;
	v63 =	vsub.s32 $0x57FF, v2;
	v4 =	vadd.s32 $0x4800, v4;
	[tilespmem:v9+s16+$0x0] =	vst.idx.add.s32.msk $0xffff, v1  }
0x111: {  	v3 =	vadd.s32 $0x4C00, v3;
	v2 =	vsel vm15, v63, v2;
	[tilespmem:v10+s16+$0x0] =	vst.idx.add.s32.msk $0xffff, v1  }
0x112: {  	p0 =	sne.s32 s25, $0x3E0;
	v2 =	vadd.s32 $0x5000, v2;
	[tilespmem:v8+s16+$0x0] =	vst.idx.add.s32.msk $0xffff, v1  }
.Ltmp1:
0x113: {  	[tilespmem:v7+s16+$0x0] =	vst.idx.add.s32.msk $0xffff, v1;
	(pc) =	sbr.rel @p0 .LBB2_5-.Ltmp1, $4  }
0x114: {  	[tilespmem:v5+s16+$0x0] =	vst.idx.add.s32.msk $0xffff, v1  }
0x115: {  	[tilespmem:v4+s16+$0x0] =	vst.idx.add.s32.msk $0xffff, v1  }
0x116: {  	[tilespmem:v3+s16+$0x0] =	vst.idx.add.s32.msk $0xffff, v1  }
0x117: {  	s24 =	sadd.s32 $0x20, s24;
	s25 =	sadd.s32 $0x20, s25;
	s23 =	sadd.s32 $0x20, s23;
	[tilespmem:v2+s16+$0x0] =	vst.idx.add.s32.msk $0xffff, v1  }
0x118: {  	p0 =	seq.s32 s21, $0xF  }
0x119: {  	s0 =	sadd.s32 @!p0 $0x2, s22  }
0x11a: {  	s2 =	rddreg [dreg:$0x4];
	s1 =	sand.u32 @!p0 $0x6, s0  }
0x11b: {  	s1 =	sor.u32 @!p0 s2, s1;
	s2 =	sand.u32 @!p0 $0x1, s21  }
0x11c: {  	s2 =	sor.u32 @!p0 s2, s1  }
0x11d: {  	p1 =	seq.s32 @!p0 s2, $0x0  }
0x11e: {  	s2 =	simm.s32 @!p0 $0x1;
	p1 =	por !p1, p0  }
0x11f: {  	s3 =	sshrl.u32 @!p0 s0, $0x3;
	s1 =	sshrl.u32 @!p0 s1, $0x2;
	s2 =	simm.s32 @p1 $0x0  }
0x120: {  	s4 =	smul.u32 @!p0 $0x540000, s3;
	s1 =	ssub.s32 @!p0 s1, s2  }
0x121: {  	s0 =	sshll.u32 @!p0 s0, $0xA;
	s1 =	sshll.u32 @!p0 s1, $0xC  }
0x122: {  	s0 =	sand.u32 @!p0 $0x800, s0;
	s2 =	sadd.s32 @!p0 s4, s1  }
0x123: {  	s2 =	sor.u32 @!p0 s0, s2  }
0x124: {  	s5 =	simm.s32 @!p0 $0x40000;
	s4 =	rddreg [dreg:$0x0];
	s2 =	sshrl.u32 @!p0 s2, $0x3  }
0x125: {  	s6 =	simm.s32 @!p0 $0x0;
	s2 =	sadd.s32 @!p0 s4, s2;
	s4 =	simm.s32 @!p0 $0x400  }
0x126: {  	[tilespmem:s6], [sflag:$0x1] =	stream.strided.gather @!p0 [hbm4b:s2+s4], $0x5400, s5, s4, $0x38;
	[tilespmem:$0x15800] =	vst v63  }
0x127: {  	s2 =	sshll.u32 @!p0 s3, $0x12  }
0x128: {  	s1 =	sadd.s32 @!p0 s2, s1  }
0x129: {  	s0 =	sor.u32 @!p0 s0, s1  }
0x12a: {  	s1 =	rddreg [dreg:$0x1];
	s0 =	sshrl.u32 @!p0 s0, $0x3  }
0x12b: {  	s0 =	sadd.s32 @!p0 s1, s0;
	s1 =	simm.s32 @!p0 $0xA800  }
0x12c: {  	[tilespmem:s1], [sflag:$0x1] =	stream.linear.gather @!p0 [hbm4b:s0+s6], $0x400, $0x38;
	[tilespmem:$0x15800] =	vst v63  }
0x12d: {  	_ =	swait.ge [sflag:s17], $0x5400  }
0x12e: {  	[sflag:s17] =	ssyncset.done $0x0  }
0x12f: {  	[sflag:s17] =	ssyncadd.s32 $0xFFFFAC00  }
0x130: {  	_ =	swait.ge [sflag:s17], $0x400  }
0x131: {  	[sflag:s17] =	ssyncset.done $0x0  }
0x132: {  	s22 =	simm.s32 $0x0;
	[sflag:s17] =	ssyncadd.s32 $0xFFFFFC00  }
.LBB2_7:
0x133: {  	s25 =	sand.u32 $0x380, s22  }
0x134: {  	s24 =	sand.u32 $0x60, s22;
	s7 =	sor.u32 $0x5400, s25  }
0x135: {  	s0 =	sor.u32 s24, s7  }
0x136: {  	s2 =	sor.u32 $0x5800, s25;
	v2 =	vld [tilespmem:s0+$0x0]  }
0x137: {  	s6 =	sor.u32 s24, s2  }
0x138: {  	s1 =	sor.u32 $0x5C00, s25;
	v3 =	vld [tilespmem:s6+$0x0]  }
0x139: {  	s8 =	sor.u32 s24, s1  }
0x13a: {  	s28 =	sor.u32 $0x6000, s25;
	v4 =	vld [tilespmem:s8+$0x0]  }
0x13b: {  	s9 =	sor.u32 s24, s28;
	v2 =	vmul.f32 $1.442695020e+00, v2  }
0x13c: {  	s26 =	sor.u32 $0x6400, s25;
	v5 =	vld [tilespmem:s9+$0x0]  }
0x13d: {  	s10 =	sor.u32 s24, s26;
	(erf) = vpow2.f32 v2;
	v2 =	vmul.f32 $1.442695020e+00, v3  }
0x13e: {  	s29 =	sor.u32 $0x6800, s25;
	v3 =	vld [tilespmem:s10+$0x0]  }
0x13f: {  	s11 =	sor.u32 s24, s29;
	(erf) = vpow2.f32 v2;
	v2 =	vmul.f32 $1.442695020e+00, v4  }
0x140: {  	s30 =	sor.u32 $0x6C00, s25;
	v45 =	vld [tilespmem:s11+$0x0]  }
0x141: {  	s12 =	sor.u32 s24, s30;
	(erf) = vpow2.f32 v2;
	v2 =	vmul.f32 $1.442695020e+00, v5  }
0x142: {  	s4 =	sor.u32 $0x7000, s25;
	v6 =	vld [tilespmem:s12+$0x0]  }
0x143: {  	s13 =	sor.u32 s24, s4;
	(erf) = vpow2.f32 v2;
	v2 =	vmul.f32 $1.442695020e+00, v3  }
0x144: {  	s6 =	sor.u32 $0x7400, s25;
	v3 =	vld [tilespmem:s13+$0x0]  }
0x145: {  	s14 =	sor.u32 s24, s6;
	(erf) = vpow2.f32 v2;
	v2 =	vmul.f32 $1.442695020e+00, v45  }
0x146: {  	s12 =	sor.u32 $0x7800, s25;
	v46 =	vld [tilespmem:s14+$0x0];
	v5 =	vpop (erf)  }
0x147: {  	s18 =	sor.u32 s24, s12;
	v7 =	vadd.f32 $0.0e+00, v5;
	(erf) = vpow2.f32 v2;
	v2 =	vmul.f32 $1.442695020e+00, v6  }
0x148: {  	s31 =	sor.u32 $0x7C00, s25;
	v47 =	vld [tilespmem:s18+$0x0];
	v43 =	vpop (erf)  }
0x149: {  	s19 =	sor.u32 s24, s31;
	v7 =	vadd.f32 v43, v7;
	(erf) = vpow2.f32 v2;
	v2 =	vmul.f32 $1.442695020e+00, v3  }
0x14a: {  	s8 =	sor.u32 $0x8000, s25;
	v3 =	vld [tilespmem:s19+$0x0];
	v42 =	vpop (erf)  }
0x14b: {  	s20 =	sor.u32 s24, s8;
	v7 =	vadd.f32 v42, v7;
	(erf) = vpow2.f32 v2;
	v2 =	vmul.f32 $1.442695020e+00, v46  }
0x14c: {  	s9 =	sor.u32 $0x8400, s25;
	v48 =	vld [tilespmem:s20+$0x0];
	v35 =	vpop (erf)  }
0x14d: {  	s23 =	sor.u32 s24, s9;
	v7 =	vadd.f32 v35, v7;
	(erf) = vpow2.f32 v2;
	v2 =	vmul.f32 $1.442695020e+00, v47  }
0x14e: {  	v49 =	vld [tilespmem:s23+$0x0];
	s18 =	sor.u32 $0x8800, s25;
	v38 =	vpop (erf)  }
0x14f: {  	s3 =	sor.u32 s24, s18;
	v7 =	vadd.f32 v38, v7;
	(erf) = vpow2.f32 v2;
	v2 =	vmul.f32 $1.442695020e+00, v3  }
0x150: {  	s13 =	sor.u32 $0x8C00, s25;
	v3 =	vld [tilespmem:s3+$0x0];
	v41 =	vpop (erf)  }
0x151: {  	s5 =	sor.u32 s24, s13;
	v7 =	vadd.f32 v41, v7;
	(erf) = vpow2.f32 v2;
	v2 =	vmul.f32 $1.442695020e+00, v48  }
0x152: {  	s14 =	sor.u32 $0x9000, s25;
	v50 =	vld [tilespmem:s5+$0x0];
	v40 =	vpop (erf)  }
0x153: {  	s10 =	sor.u32 s24, s14;
	v7 =	vadd.f32 v40, v7;
	(erf) = vpow2.f32 v2;
	v2 =	vmul.f32 $1.442695020e+00, v49  }
0x154: {  	v51 =	vld [tilespmem:s10+$0x0];
	s10 =	sor.u32 $0x9400, s25;
	v39 =	vpop (erf)  }
0x155: {  	s11 =	sor.u32 s24, s10;
	v7 =	vadd.f32 v39, v7;
	(erf) = vpow2.f32 v2;
	v2 =	vmul.f32 $1.442695020e+00, v3  }
0x156: {  	v3 =	vld [tilespmem:s11+$0x0];
	s11 =	sor.u32 $0x9800, s25;
	v37 =	vpop (erf)  }
0x157: {  	s19 =	sor.u32 s24, s11;
	v7 =	vadd.f32 v37, v7;
	(erf) = vpow2.f32 v2;
	v2 =	vmul.f32 $1.442695020e+00, v50  }
0x158: {  	v52 =	vld [tilespmem:s19+$0x0];
	s19 =	sor.u32 $0x9C00, s25;
	v36 =	vpop (erf)  }
0x159: {  	s20 =	sor.u32 s24, s19;
	v7 =	vadd.f32 v36, v7;
	(erf) = vpow2.f32 v2;
	v2 =	vmul.f32 $1.442695020e+00, v51  }
0x15a: {  	s0 =	sor.u32 $0xA000, s25;
	v53 =	vld [tilespmem:s20+$0x0];
	v34 =	vpop (erf)  }
0x15b: {  	s3 =	sor.u32 s24, s0;
	v7 =	vadd.f32 v34, v7;
	(erf) = vpow2.f32 v2;
	v2 =	vmul.f32 $1.442695020e+00, v3  }
0x15c: {  	s20 =	sor.u32 $0xA400, s25;
	v3 =	vld [tilespmem:s3+$0x0];
	v33 =	vpop (erf)  }
0x15d: {  	s23 =	sor.u32 s24, s20;
	v7 =	vadd.f32 v33, v7;
	(erf) = vpow2.f32 v2;
	v2 =	vmul.f32 $1.442695020e+00, v52  }
0x15e: {  	v54 =	vld [tilespmem:s23+$0x0];
	v32 =	vpop (erf)  }
0x15f: {  	v7 =	vadd.f32 v32, v7;
	(erf) = vpow2.f32 v2;
	v2 =	vmul.f32 $1.442695020e+00, v53  }
0x160: {  	v31 =	vpop (erf)  }
0x161: {  	v55 =	vadd.f32 v31, v7;
	(erf) = vpow2.f32 v2;
	v2 =	vmul.f32 $1.442695020e+00, v3  }
0x162: {  	v30 =	vpop (erf)  }
0x163: {  	v3 =	vadd.f32 v30, v55;
	(erf) = vpow2.f32 v2;
	v2 =	vmul.f32 $1.442695020e+00, v54  }
0x164: {  	v29 =	vpop (erf)  }
0x165: {  	v3 =	vadd.f32 v29, v3;
	(erf) = vpow2.f32 v2  }
0x166: {  	v28 =	vpop (erf)  }
0x167: {  	v2 =	vadd.f32 v28, v3  }
0x168: {  	v25 =	vpop (erf)  }
0x169: {  	s23 =	sor.u32 $0x10, s24;
	v2 =	vadd.f32 v25, v2  }
0x16a: {  	s5 =	sor.u32 s23, s7;
	v22 =	vpop (erf)  }
0x16b: {  	v3 =	vld [tilespmem:s5+$0x0];
	v2 =	vadd.f32 v22, v2  }
0x16c: {  	s2 =	sor.u32 s23, s2;
	v20 =	vpop (erf)  }
0x16d: {  	v56 =	vld [tilespmem:s2+$0x0];
	v2 =	vadd.f32 v20, v2  }
0x16e: {  	s1 =	sor.u32 s23, s1;
	v18 =	vpop (erf)  }
0x16f: {  	v57 =	vld [tilespmem:s1+$0x0];
	v2 =	vadd.f32 v18, v2  }
0x170: {  	s7 =	sor.u32 s23, s28;
	v3 =	vmul.f32 $1.442695020e+00, v3  }
0x171: {  	(erf) = vrcp.f32 v2;
	v2 =	vld [tilespmem:s7+$0x0]  }
0x172: {  	s28 =	sor.u32 s23, s26;
	(erf) = vpow2.f32 v3;
	v3 =	vmul.f32 $1.442695020e+00, v56  }
0x173: {  	v58 =	vld [tilespmem:s28+$0x0]  }
0x174: {  	s2 =	sor.u32 s23, s29;
	(erf) = vpow2.f32 v3;
	v3 =	vmul.f32 $1.442695020e+00, v57  }
0x175: {  	v59 =	vld [tilespmem:s2+$0x0]  }
0x176: {  	s3 =	sor.u32 s23, s30;
	(erf) = vpow2.f32 v3;
	v2 =	vmul.f32 $1.442695020e+00, v2  }
0x177: {  	v3 =	vld [tilespmem:s3+$0x0]  }
0x178: {  	s4 =	sor.u32 s23, s4;
	(erf) = vpow2.f32 v2;
	v2 =	vmul.f32 $1.442695020e+00, v58  }
0x179: {  	v60 =	vld [tilespmem:s4+$0x0]  }
0x17a: {  	s5 =	sor.u32 s23, s6;
	v44 =	vpop (erf);
	(erf) = vpow2.f32 v2;
	v2 =	vmul.f32 $1.442695020e+00, v59  }
0x17b: {  	v61 =	vld [tilespmem:s5+$0x0];
	v27 =	vpop (erf)  }
0x17c: {  	s6 =	sor.u32 s23, s12;
	v62 =	vadd.f32 $0.0e+00, v27;
	(erf) = vpow2.f32 v2;
	v2 =	vmul.f32 $1.442695020e+00, v3  }
0x17d: {  	v3 =	vld [tilespmem:s6+$0x0];
	v24 =	vpop (erf)  }
0x17e: {  	s7 =	sor.u32 s23, s31;
	v7 =	vadd.f32 v24, v62;
	(erf) = vpow2.f32 v2;
	v2 =	vmul.f32 $1.442695020e+00, v60  }
0x17f: {  	v63 =	vld [tilespmem:s7+$0x0];
	v26 =	vpop (erf)  }
0x180: {  	s8 =	sor.u32 s23, s8;
	v7 =	vadd.f32 v26, v7;
	(erf) = vpow2.f32 v2;
	v2 =	vmul.f32 $1.442695020e+00, v61  }
0x181: {  	v9 =	vld [tilespmem:s8+$0x0];
	v23 =	vpop (erf)  }
0x182: {  	s9 =	sor.u32 s23, s9;
	v7 =	vadd.f32 v23, v7;
	(erf) = vpow2.f32 v2;
	v2 =	vmul.f32 $1.442695020e+00, v3  }
0x183: {  	v3 =	vld [tilespmem:s9+$0x0];
	v21 =	vpop (erf)  }
0x184: {  	s12 =	sor.u32 s23, s18;
	v7 =	vadd.f32 v21, v7;
	(erf) = vpow2.f32 v2;
	v2 =	vmul.f32 $1.442695020e+00, v63  }
0x185: {  	v10 =	vld [tilespmem:s12+$0x0];
	v19 =	vpop (erf)  }
0x186: {  	s13 =	sor.u32 s23, s13;
	v7 =	vadd.f32 v19, v7;
	(erf) = vpow2.f32 v2;
	v2 =	vmul.f32 $1.442695020e+00, v9  }
0x187: {  	v11 =	vld [tilespmem:s13+$0x0];
	v16 =	vpop (erf)  }
0x188: {  	s14 =	sor.u32 s23, s14;
	v7 =	vadd.f32 v16, v7;
	(erf) = vpow2.f32 v2;
	v2 =	vmul.f32 $1.442695020e+00, v3  }
0x189: {  	v3 =	vld [tilespmem:s14+$0x0];
	v15 =	vpop (erf)  }
0x18a: {  	s18 =	sor.u32 s23, s10;
	v7 =	vadd.f32 v15, v7;
	(erf) = vpow2.f32 v2;
	v2 =	vmul.f32 $1.442695020e+00, v10  }
0x18b: {  	v45 =	vld [tilespmem:s18+$0x0];
	v17 =	vpop (erf)  }
0x18c: {  	s26 =	sor.u32 s23, s11;
	v7 =	vadd.f32 v17, v7;
	(erf) = vpow2.f32 v2;
	v2 =	vmul.f32 $1.442695020e+00, v11  }
0x18d: {  	v46 =	vld [tilespmem:s26+$0x0];
	v14 =	vpop (erf)  }
0x18e: {  	s28 =	sor.u32 s23, s19;
	v7 =	vadd.f32 v14, v7;
	(erf) = vpow2.f32 v2;
	v2 =	vmul.f32 $1.442695020e+00, v3  }
0x18f: {  	v3 =	vld [tilespmem:s28+$0x0];
	v13 =	vpop (erf)  }
0x190: {  	v7 =	vadd.f32 v13, v7;
	(erf) = vpow2.f32 v2;
	v2 =	vmul.f32 $1.442695020e+00, v45  }
0x191: {  	s0 =	sor.u32 s23, s0;
	v12 =	vpop (erf)  }
0x192: {  	v47 =	vld [tilespmem:s0+$0x0];
	v7 =	vadd.f32 v12, v7;
	(erf) = vpow2.f32 v2;
	v2 =	vmul.f32 $1.442695020e+00, v46  }
0x193: {  	s29 =	sor.u32 s23, s20;
	v11 =	vpop (erf)  }
0x194: {  	v48 =	vld [tilespmem:s29+$0x0];
	v7 =	vadd.f32 v11, v7;
	(erf) = vpow2.f32 v2;
	v2 =	vmul.f32 $1.442695020e+00, v3  }
0x195: {  	v9 =	vpop (erf)  }
0x196: {  	v44 =	vmul.f32 $1.024000000e+03, v44;
	v3 =	vadd.f32 v9, v7;
	(erf) = vpow2.f32 v2  }
0x197: {  	v2 =	vmul.f32 $1.442695020e+00, v47;
	v10 =	vpop (erf)  }
0x198: {  	v5 =	vmul.f32 v44, v5;
	v3 =	vadd.f32 v10, v3  }
0x199: {  	(erf) = vpow2.f32 v2;
	v2 =	vmul.f32 $1.442695020e+00, v48;
	v8 =	vpop (erf)  }
0x19a: {  	v49 =	vmul.f32 v44, v43;
	v42 =	vmul.f32 v44, v42;
	v3 =	vadd.f32 v8, v3  }
0x19b: {  	s25 =	sor.u32 $0xAC00, s25;
	v54 =	vmul.f32 v44, v38;
	(erf) = vpow2.f32 v2;
	v7 =	vpop (erf)  }
0x19c: {  	s30 =	sor.u32 s24, s25;
	v57 =	vmul.f32 v44, v41;
	v18 =	vmul.f32 v44, v18;
	v2 =	vadd.f32 v7, v3  }
0x19d: {  	v43 =	vld [tilespmem:s30+$0x0];
	v60 =	vmul.f32 v44, v40;
	v5 =	vtrunc.f32 v5;
	v6 =	vpop (erf)  }
0x19e: {  	v50 =	vtrunc.f32 v49;
	v42 =	vtrunc.f32 v42;
	v2 =	vadd.f32 v6, v2  }
0x19f: {  	v56 =	vtrunc.f32 v54;
	v59 =	vtrunc.f32 v57;
	v4 =	vpop (erf)  }
0x1a0: {  	v18 =	vtrunc.f32 v18;
	v42 =	vcvt.f32.s32 v42;
	v2 =	vadd.f32 v4, v2  }
0x1a1: {  	v62 =	vtrunc.f32 v60;
	v46 =	vcvt.f32.s32 v5  }
0x1a2: {  	vm6 =	veq.s32 v43, $0x0;
	vm7 =	veq.s32 v43, $0x1;
	vm8 =	vlt.s32 v42, $0x3FF;
	v3 =	vpop (erf)  }
0x1a3: {  	vm0 =	vlt.s32 v46, $0x3FF;
	v48 =	vmul.f32 v44, v35;
	v45 =	vadd.f32 v3, v2  }
0x1a4: {  	vm9 =	veq.s32 v43, $0x2;
	vm11 =	veq.s32 v43, $0x3;
	v46 =	vnsel vm0, $0x3FF, v46;
	v2 =	vpop (erf)  }
0x1a5: {  	v47 =	vsub.s32 $0x57FF, v46;
	v53 =	vtrunc.f32 v48;
	v45 =	vadd.f32 v2, v45  }
0x1a6: {  	vm13 =	veq.s32 v43, $0x4;
	v35 =	vsel vm6, v47, v46;
	v46 =	vcvt.f32.s32 v53  }
0x1a7: {  	v42 =	vnsel vm8, $0x3FF, v42;
	(erf) = vrcp.f32 v45;
	v45 =	vcvt.f32.s32 v50  }
0x1a8: {  	vm15 =	veq.s32 v43, $0x5;
	v55 =	vsub.s32 $0x57FF, v42;
	v63 =	vmul.f32 v44, v39  }
0x1a9: {  	v42 =	vsel vm9, v55, v42;
	vm10 =	vlt.s32 v46, $0x3FF;
	vm5 =	vlt.s32 v45, $0x3FF  }
0x1aa: {  	v41 =	vadd.s32 $0x800, v42;
	v46 =	vnsel vm10, $0x3FF, v46;
	v45 =	vnsel vm5, $0x3FF, v45  }
0x1ab: {  	v53 =	vmul.f32 v44, v36;
	v58 =	vsub.s32 $0x57FF, v46;
	v52 =	vsub.s32 $0x57FF, v45  }
0x1ac: {  	v42 =	vsel vm11, v58, v46;
	v46 =	vcvt.f32.s32 v59;
	v45 =	vsel vm7, v52, v45  }
0x1ad: {  	v49 =	vtrunc.f32 v63;
	v38 =	vadd.s32 $0x400, v45;
	v45 =	vcvt.f32.s32 v56  }
0x1ae: {  	v55 =	vtrunc.f32 v53;
	v59 =	vmul.f32 v44, v33;
	vm14 =	vlt.s32 v46, $0x3FF  }
0x1af: {  	v50 =	vmul.f32 v44, v37;
	v56 =	vmul.f32 v44, v34;
	vm12 =	vlt.s32 v45, $0x3FF  }
0x1b0: {  	v40 =	vadd.s32 $0xC00, v42;
	v46 =	vnsel vm14, $0x3FF, v46;
	v45 =	vnsel vm12, $0x3FF, v45  }
0x1b1: {  	v52 =	vtrunc.f32 v50;
	v58 =	vtrunc.f32 v56;
	v51 =	vpop (erf);
	v61 =	vsub.s32 $0x57FF, v45  }
0x1b2: {  	v5 =	vmul.f32 $1.024000000e+03, v51;
	v42 =	vsel vm13, v61, v45;
	v45 =	vcvt.f32.s32 v62  }
0x1b3: {  	v48 =	vsub.s32 $0x57FF, v46;
	v61 =	vtrunc.f32 v59;
	v62 =	vmul.f32 v44, v32  }
0x1b4: {  	v39 =	vadd.s32 $0x1000, v42;
	v42 =	vsel vm15, v48, v46;
	v46 =	vcvt.f32.s32 v49  }
0x1b5: {  	v49 =	vmul.f32 v44, v31;
	v24 =	vmul.f32 v5, v24  }
0x1b6: {  	v26 =	vmul.f32 v5, v26;
	v21 =	vmul.f32 v5, v21  }
0x1b7: {  	v15 =	vmul.f32 v5, v15;
	v17 =	vmul.f32 v5, v17  }
0x1b8: {  	v14 =	vmul.f32 v5, v14;
	v13 =	vmul.f32 v5, v13  }
0x1b9: {  	v12 =	vmul.f32 v5, v12;
	v11 =	vmul.f32 v5, v11  }
0x1ba: {  	v9 =	vmul.f32 v5, v9;
	v10 =	vmul.f32 v5, v10  }
0x1bb: {  	v8 =	vmul.f32 v5, v8;
	v7 =	vmul.f32 v5, v7  }
0x1bc: {  	v6 =	vmul.f32 v5, v6;
	v4 =	vmul.f32 v5, v4  }
0x1bd: {  	v3 =	vmul.f32 v5, v3;
	v2 =	vmul.f32 v5, v2  }
0x1be: {  	v48 =	vtrunc.f32 v62;
	v24 =	vtrunc.f32 v24  }
0x1bf: {  	v15 =	vtrunc.f32 v15;
	v17 =	vtrunc.f32 v17  }
0x1c0: {  	vm9 =	veq.s32 v43, $0x8;
	v14 =	vtrunc.f32 v14;
	v13 =	vtrunc.f32 v13  }
0x1c1: {  	vm11 =	veq.s32 v43, $0x9;
	v12 =	vtrunc.f32 v12;
	v11 =	vtrunc.f32 v11  }
0x1c2: {  	vm5 =	veq.s32 v43, $0x6;
	v9 =	vtrunc.f32 v9;
	v10 =	vtrunc.f32 v10  }
0x1c3: {  	vm7 =	veq.s32 v43, $0x7;
	v8 =	vtrunc.f32 v8;
	v7 =	vtrunc.f32 v7  }
0x1c4: {  	vm13 =	veq.s32 v43, $0xA;
	v6 =	vtrunc.f32 v6;
	v4 =	vtrunc.f32 v4  }
0x1c5: {  	vm15 =	veq.s32 v43, $0xB;
	v3 =	vtrunc.f32 v3;
	v2 =	vtrunc.f32 v2  }
0x1c6: {  	vm4 =	vlt.s32 v45, $0x3FF;
	v15 =	vcvt.f32.s32 v15;
	v17 =	vcvt.f32.s32 v17  }
0x1c7: {  	v37 =	vadd.s32 $0x1400, v42;
	v14 =	vcvt.f32.s32 v14;
	v13 =	vcvt.f32.s32 v13  }
0x1c8: {  	v45 =	vnsel vm4, $0x3FF, v45;
	v12 =	vcvt.f32.s32 v12;
	v11 =	vcvt.f32.s32 v11  }
0x1c9: {  	vm6 =	vlt.s32 v46, $0x3FF;
	v9 =	vcvt.f32.s32 v9;
	v10 =	vcvt.f32.s32 v10  }
0x1ca: {  	v51 =	vsub.s32 $0x57FF, v45;
	v8 =	vcvt.f32.s32 v8;
	v7 =	vcvt.f32.s32 v7  }
0x1cb: {  	v46 =	vnsel vm6, $0x3FF, v46;
	v6 =	vcvt.f32.s32 v6;
	v4 =	vcvt.f32.s32 v4  }
0x1cc: {  	v3 =	vcvt.f32.s32 v3;
	v2 =	vcvt.f32.s32 v2;
	v42 =	vsel vm5, v51, v45  }
0x1cd: {  	v45 =	vcvt.f32.s32 v52;
	v54 =	vsub.s32 $0x57FF, v46;
	v51 =	vtrunc.f32 v49  }
0x1ce: {  	v52 =	vmul.f32 v44, v30;
	vm5 =	veq.s32 v43, $0xC;
	v36 =	vadd.s32 $0x1800, v42  }
0x1cf: {  	v42 =	vsel vm7, v54, v46;
	v46 =	vcvt.f32.s32 v55;
	vm8 =	vlt.s32 v45, $0x3FF  }
0x1d0: {  	v55 =	vmul.f32 v44, v29;
	vm7 =	veq.s32 v43, $0xD;
	v45 =	vnsel vm8, $0x3FF, v45  }
0x1d1: {  	v34 =	vadd.s32 $0x1C00, v42;
	vm10 =	vlt.s32 v46, $0x3FF;
	v57 =	vsub.s32 $0x57FF, v45  }
0x1d2: {  	v54 =	vtrunc.f32 v52;
	v46 =	vnsel vm10, $0x3FF, v46;
	v42 =	vsel vm9, v57, v45  }
0x1d3: {  	v45 =	vcvt.f32.s32 v58;
	v60 =	vsub.s32 $0x57FF, v46;
	v57 =	vtrunc.f32 v55  }
0x1d4: {  	v58 =	vmul.f32 v44, v28;
	vm9 =	veq.s32 v43, $0xE;
	v33 =	vadd.s32 $0x2000, v42  }
0x1d5: {  	v42 =	vsel vm11, v60, v46;
	v46 =	vcvt.f32.s32 v61;
	vm12 =	vlt.s32 v45, $0x3FF  }
0x1d6: {  	v61 =	vmul.f32 v44, v25;
	vm11 =	veq.s32 v43, $0xF;
	v45 =	vnsel vm12, $0x3FF, v45  }
0x1d7: {  	v32 =	vadd.s32 $0x2400, v42;
	vm14 =	vlt.s32 v46, $0x3FF;
	v63 =	vsub.s32 $0x57FF, v45  }
0x1d8: {  	v60 =	vtrunc.f32 v58;
	v46 =	vnsel vm14, $0x3FF, v46;
	v42 =	vsel vm13, v63, v45  }
0x1d9: {  	v45 =	vcvt.f32.s32 v48;
	v50 =	vsub.s32 $0x57FF, v46;
	v63 =	vtrunc.f32 v61  }
0x1da: {  	v48 =	vmul.f32 v44, v22;
	vm13 =	veq.s32 v43, $0x10;
	v61 =	vcvt.f32.s32 v24  }
0x1db: {  	v31 =	vadd.s32 $0x2800, v42;
	v42 =	vsel vm15, v50, v46;
	v46 =	vcvt.f32.s32 v51  }
0x1dc: {  	v51 =	vmul.f32 v44, v20;
	vm15 =	veq.s32 v43, $0x11;
	vm4 =	vlt.s32 v45, $0x3FF  }
0x1dd: {  	v30 =	vadd.s32 $0x2C00, v42;
	v45 =	vnsel vm4, $0x3FF, v45;
	vm6 =	vlt.s32 v46, $0x3FF  }
0x1de: {  	v50 =	vtrunc.f32 v48;
	v53 =	vsub.s32 $0x57FF, v45;
	v46 =	vnsel vm6, $0x3FF, v46  }
0x1df: {  	v42 =	vsel vm5, v53, v45;
	v45 =	vcvt.f32.s32 v54;
	v56 =	vsub.s32 $0x57FF, v46  }
0x1e0: {  	v53 =	vtrunc.f32 v51;
	vm5 =	veq.s32 v43, $0x12;
	v29 =	vadd.s32 $0x3000, v42  }
0x1e1: {  	v42 =	vsel vm7, v56, v46;
	v46 =	vcvt.f32.s32 v57;
	v56 =	vcvt.f32.s32 v18  }
0x1e2: {  	s31 =	sor.u32 s23, s25;
	v57 =	vmul.f32 v5, v27;
	vm7 =	veq.s32 v43, $0x13;
	vm8 =	vlt.s32 v45, $0x3FF  }
0x1e3: {  	v18 =	vld [tilespmem:s31+$0x0];
	v28 =	vadd.s32 $0x3400, v42;
	v45 =	vnsel vm8, $0x3FF, v45;
	vm10 =	vlt.s32 v46, $0x3FF  }
0x1e4: {  	vm8 =	vlt.s32 v56, $0x3FF;
	v59 =	vsub.s32 $0x57FF, v45;
	v46 =	vnsel vm10, $0x3FF, v46  }
0x1e5: {  	v42 =	vsel vm9, v59, v45;
	v45 =	vcvt.f32.s32 v60;
	v62 =	vsub.s32 $0x57FF, v46  }
0x1e6: {  	v59 =	vtrunc.f32 v57;
	vm9 =	veq.s32 v43, $0x14;
	v25 =	vadd.s32 $0x3800, v42  }
0x1e7: {  	v42 =	vsel vm11, v62, v46;
	v46 =	vcvt.f32.s32 v63;
	v62 =	vtrunc.f32 v26  }
0x1e8: {  	vm11 =	veq.s32 v18, $0x0;
	vm12 =	vlt.s32 v45, $0x3FF;
	v22 =	vadd.s32 $0x3C00, v42  }
0x1e9: {  	v48 =	vcvt.f32.s32 v62;
	v45 =	vnsel vm12, $0x3FF, v45;
	vm14 =	vlt.s32 v46, $0x3FF  }
0x1ea: {  	vm12 =	vlt.s32 v61, $0x3FF;
	v49 =	vsub.s32 $0x57FF, v45;
	v46 =	vnsel vm14, $0x3FF, v46  }
0x1eb: {  	vm14 =	veq.s32 v18, $0x1;
	v42 =	vsel vm13, v49, v45;
	v45 =	vcvt.f32.s32 v50  }
0x1ec: {  	v52 =	vsub.s32 $0x57FF, v46;
	v49 =	vmul.f32 v5, v23;
	v50 =	vnsel vm12, $0x3FF, v61  }
0x1ed: {  	vm13 =	vlt.s32 v48, $0x3FF;
	vm12 =	vlt.s32 v15, $0x3FF;
	v20 =	vadd.s32 $0x4000, v42  }
0x1ee: {  	v42 =	vsel vm15, v52, v46;
	v46 =	vcvt.f32.s32 v53;
	v51 =	vnsel vm13, $0x3FF, v48  }
0x1ef: {  	vm15 =	veq.s32 v18, $0x2;
	v53 =	vtrunc.f32 v21;
	v15 =	vnsel vm12, $0x3FF, v15  }
0x1f0: {  	vm13 =	vlt.s32 v17, $0x3FF;
	vm12 =	vlt.s32 v9, $0x3FF;
	vm4 =	vlt.s32 v45, $0x3FF  }
0x1f1: {  	v42 =	vadd.s32 $0x4400, v42;
	v26 =	vtrunc.f32 v49;
	v52 =	vsub.s32 $0x57FF, v51  }
0x1f2: {  	v17 =	vnsel vm13, $0x3FF, v17;
	v48 =	vsub.s32 $0x57FF, v15;
	v9 =	vnsel vm12, $0x3FF, v9  }
0x1f3: {  	vm13 =	vlt.s32 v10, $0x3FF;
	vm12 =	vlt.s32 v3, $0x3FF;
	v45 =	vnsel vm4, $0x3FF, v45  }
0x1f4: {  	vm6 =	vlt.s32 v46, $0x3FF;
	v26 =	vcvt.f32.s32 v26;
	v49 =	vsub.s32 $0x57FF, v17  }
0x1f5: {  	v10 =	vnsel vm13, $0x3FF, v10;
	v3 =	vnsel vm12, $0x3FF, v3;
	vm13 =	vlt.s32 v2, $0x3FF  }
0x1f6: {  	v54 =	vsub.s32 $0x57FF, v45;
	v55 =	vnsel vm6, $0x3FF, v46;
	v46 =	vnsel vm8, $0x3FF, v56  }
0x1f7: {  	v56 =	vmul.f32 v5, v19;
	v2 =	vnsel vm13, $0x3FF, v2;
	v44 =	vsel vm5, v54, v45  }
0x1f8: {  	v58 =	vsub.s32 $0x57FF, v55;
	v45 =	vcvt.f32.s32 v59;
	v60 =	vsub.s32 $0x57FF, v46  }
0x1f9: {  	vm4 =	vlt.s32 v26, $0x3FF;
	v54 =	vcvt.f32.s32 v53;
	vm5 =	veq.s32 v18, $0x3  }
0x1fa: {  	v59 =	vmul.f32 v5, v16;
	v27 =	vadd.s32 $0x4800, v44;
	v44 =	vsel vm7, v58, v55  }
0x1fb: {  	[tilespmem:v35+s16+$0x0] =	vst.idx.add.s32.msk $0xffff, v1;
	v43 =	vsel vm9, v60, v46;
	v46 =	vsub.s32 $0x57FF, v50;
	v26 =	vnsel vm4, $0x3FF, v26  }
0x1fc: {  	[tilespmem:v38+s16+$0x0] =	vst.idx.add.s32.msk $0xffff, v1;
	vm7 =	veq.s32 v18, $0x4;
	v57 =	vtrunc.f32 v56;
	vm9 =	veq.s32 v18, $0x5  }
0x1fd: {  	[tilespmem:v41+s16+$0x0] =	vst.idx.add.s32.msk $0xffff, v1;
	vm4 =	vlt.s32 v14, $0x3FF;
	v56 =	vsub.s32 $0x57FF, v10;
	vm10 =	vlt.s32 v45, $0x3FF  }
0x1fe: {  	[tilespmem:v40+s16+$0x0] =	vst.idx.add.s32.msk $0xffff, v1;
	v23 =	vadd.s32 $0x4C00, v44;
	v44 =	vsel vm14, v46, v50;
	v21 =	vadd.s32 $0x5000, v43  }
0x1ff: {  	[tilespmem:v39+s16+$0x0] =	vst.idx.add.s32.msk $0xffff, v1;
	v55 =	vsub.s32 $0x57FF, v26;
	vm6 =	vlt.s32 v54, $0x3FF;
	v61 =	vtrunc.f32 v59  }
0x200: {  	[tilespmem:v37+s16+$0x0] =	vst.idx.add.s32.msk $0xffff, v1;
	vm14 =	veq.s32 v18, $0x7;
	v14 =	vnsel vm4, $0x3FF, v14;
	vm4 =	vlt.s32 v8, $0x3FF  }
0x201: {  	[tilespmem:v36+s16+$0x0] =	vst.idx.add.s32.msk $0xffff, v1;
	v45 =	vnsel vm10, $0x3FF, v45;
	v19 =	vadd.s32 $0x400, v44;
	v26 =	vsel vm5, v55, v26  }
0x202: {  	[tilespmem:v34+s16+$0x0] =	vst.idx.add.s32.msk $0xffff, v1;
	v43 =	vnsel vm6, $0x3FF, v54;
	v44 =	vcvt.f32.s32 v57;
	v15 =	vsel vm14, v48, v15  }
0x203: {  	[tilespmem:v33+s16+$0x0] =	vst.idx.add.s32.msk $0xffff, v1;
	vm5 =	veq.s32 v18, $0x9;
	vm6 =	vlt.s32 v13, $0x3FF;
	vm14 =	veq.s32 v18, $0xD  }
0x204: {  	[tilespmem:v32+s16+$0x0] =	vst.idx.add.s32.msk $0xffff, v1;
	v55 =	vsub.s32 $0x57FF, v9;
	v8 =	vnsel vm4, $0x3FF, v8;
	v63 =	vsub.s32 $0x57FF, v45  }
0x205: {  	[tilespmem:v31+s16+$0x0] =	vst.idx.add.s32.msk $0xffff, v1;
	v58 =	vsub.s32 $0x57FF, v43;
	v26 =	vadd.s32 $0xC00, v26;
	v15 =	vadd.s32 $0x1C00, v15  }
0x206: {  	[tilespmem:v30+s16+$0x0] =	vst.idx.add.s32.msk $0xffff, v1;
	v13 =	vnsel vm6, $0x3FF, v13;
	v9 =	vsel vm14, v55, v9;
	v57 =	vsub.s32 $0x57FF, v8  }
0x207: {  	[tilespmem:v29+s16+$0x0] =	vst.idx.add.s32.msk $0xffff, v1;
	vm6 =	vlt.s32 v7, $0x3FF;
	vm14 =	veq.s32 v18, $0x13;
	v24 =	vsel vm11, v63, v45  }
0x208: {  	[tilespmem:v28+s16+$0x0] =	vst.idx.add.s32.msk $0xffff, v1;
	v45 =	vsel vm15, v52, v51;
	v60 =	vsel vm7, v58, v43;
	vm8 =	vlt.s32 v44, $0x3FF  }
0x209: {  	[tilespmem:v25+s16+$0x0] =	vst.idx.add.s32.msk $0xffff, v1;
	v43 =	vcvt.f32.s32 v61;
	vm11 =	veq.s32 v18, $0x6;
	vm15 =	veq.s32 v18, $0x8  }
0x20a: {  	[tilespmem:v22+s16+$0x0] =	vst.idx.add.s32.msk $0xffff, v1;
	v51 =	vsub.s32 $0x57FF, v14;
	vm7 =	veq.s32 v18, $0xA;
	v52 =	vsub.s32 $0x57FF, v13  }
0x20b: {  	[tilespmem:v20+s16+$0x0] =	vst.idx.add.s32.msk $0xffff, v1;
	v9 =	vadd.s32 $0x3400, v9;
	v7 =	vnsel vm6, $0x3FF, v7;
	v45 =	vadd.s32 $0x800, v45  }
0x20c: {  	[tilespmem:v42+s16+$0x0] =	vst.idx.add.s32.msk $0xffff, v1;
	v16 =	vadd.s32 $0x1000, v60;
	v44 =	vnsel vm8, $0x3FF, v44;
	v17 =	vsel vm15, v49, v17  }
0x20d: {  	v14 =	vsel vm5, v51, v14;
	v13 =	vsel vm7, v52, v13;
	[tilespmem:v27+s16+$0x0] =	vst.idx.add.s32.msk $0xffff, v1;
	vm10 =	vlt.s32 v43, $0x3FF  }
0x20e: {  	vm8 =	vlt.s32 v12, $0x3FF;
	v62 =	vsub.s32 $0x57FF, v44;
	[tilespmem:v23+s16+$0x0] =	vst.idx.add.s32.msk $0xffff, v1;
	v43 =	vnsel vm10, $0x3FF, v43  }
0x20f: {  	vm15 =	veq.s32 v18, $0xE;
	v44 =	vsel vm9, v62, v44;
	[tilespmem:v21+s16+$0x0] =	vst.idx.add.s32.msk $0xffff, v1;
	v63 =	vsub.s32 $0x57FF, v43  }
0x210: {  	vm5 =	veq.s32 v18, $0xF;
	v44 =	vadd.s32 $0x1400, v44;
	v43 =	vsel vm11, v63, v43;
	[tilespmem:v24+s16+$0x0] =	vst.idx.add.s32.msk $0xffff, v1  }
0x211: {  	vm7 =	veq.s32 v18, $0x10;
	v58 =	vsub.s32 $0x57FF, v7;
	v50 =	vadd.s32 $0x1800, v43;
	[tilespmem:v19+s16+$0x0] =	vst.idx.add.s32.msk $0xffff, v1  }
0x212: {  	v17 =	vadd.s32 $0x2000, v17;
	v14 =	vadd.s32 $0x2400, v14;
	v13 =	vadd.s32 $0x2800, v13;
	[tilespmem:v45+s16+$0x0] =	vst.idx.add.s32.msk $0xffff, v1  }
0x213: {  	v12 =	vnsel vm8, $0x3FF, v12;
	v10 =	vsel vm15, v56, v10;
	vm10 =	vlt.s32 v11, $0x3FF;
	[tilespmem:v26+s16+$0x0] =	vst.idx.add.s32.msk $0xffff, v1  }
0x214: {  	vm9 =	veq.s32 v18, $0xB;
	v53 =	vsub.s32 $0x57FF, v12;
	v11 =	vnsel vm10, $0x3FF, v11;
	[tilespmem:v16+s16+$0x0] =	vst.idx.add.s32.msk $0xffff, v1  }
0x215: {  	v12 =	vsel vm9, v53, v12;
	vm11 =	veq.s32 v18, $0xC;
	v54 =	vsub.s32 $0x57FF, v11;
	[tilespmem:v44+s16+$0x0] =	vst.idx.add.s32.msk $0xffff, v1  }
0x216: {  	v8 =	vsel vm5, v57, v8;
	v12 =	vadd.s32 $0x2C00, v12;
	v11 =	vsel vm11, v54, v11;
	[tilespmem:v50+s16+$0x0] =	vst.idx.add.s32.msk $0xffff, v1  }
0x217: {  	v7 =	vsel vm7, v58, v7;
	vm8 =	vlt.s32 v6, $0x3FF;
	v11 =	vadd.s32 $0x3000, v11;
	[tilespmem:v15+s16+$0x0] =	vst.idx.add.s32.msk $0xffff, v1  }
0x218: {  	vm15 =	veq.s32 v18, $0x14;
	v10 =	vadd.s32 $0x3800, v10;
	v8 =	vadd.s32 $0x3C00, v8;
	[tilespmem:v17+s16+$0x0] =	vst.idx.add.s32.msk $0xffff, v1  }
0x219: {  	v7 =	vadd.s32 $0x4000, v7;
	v6 =	vnsel vm8, $0x3FF, v6;
	vm10 =	vlt.s32 v4, $0x3FF;
	[tilespmem:v14+s16+$0x0] =	vst.idx.add.s32.msk $0xffff, v1  }
0x21a: {  	vm9 =	veq.s32 v18, $0x11;
	v59 =	vsub.s32 $0x57FF, v6;
	v4 =	vnsel vm10, $0x3FF, v4;
	[tilespmem:v13+s16+$0x0] =	vst.idx.add.s32.msk $0xffff, v1  }
0x21b: {  	v60 =	vsel vm9, v59, v6;
	vm11 =	veq.s32 v18, $0x12;
	v61 =	vsub.s32 $0x57FF, v4;
	[tilespmem:v12+s16+$0x0] =	vst.idx.add.s32.msk $0xffff, v1  }
0x21c: {  	v62 =	vsub.s32 $0x57FF, v3;
	v5 =	vadd.s32 $0x4400, v60;
	v4 =	vsel vm11, v61, v4;
	[tilespmem:v11+s16+$0x0] =	vst.idx.add.s32.msk $0xffff, v1  }
0x21d: {  	v3 =	vsel vm14, v62, v3;
	v63 =	vsub.s32 $0x57FF, v2;
	v4 =	vadd.s32 $0x4800, v4;
	[tilespmem:v9+s16+$0x0] =	vst.idx.add.s32.msk $0xffff, v1  }
0x21e: {  	v3 =	vadd.s32 $0x4C00, v3;
	v2 =	vsel vm15, v63, v2;
	[tilespmem:v10+s16+$0x0] =	vst.idx.add.s32.msk $0xffff, v1  }
0x21f: {  	p0 =	sne.s32 s22, $0x3E0;
	v2 =	vadd.s32 $0x5000, v2;
	[tilespmem:v8+s16+$0x0] =	vst.idx.add.s32.msk $0xffff, v1  }
.Ltmp2:
0x220: {  	[tilespmem:v7+s16+$0x0] =	vst.idx.add.s32.msk $0xffff, v1;
	(pc) =	sbr.rel @p0 .LBB2_7-.Ltmp2, $4  }
0x221: {  	[tilespmem:v5+s16+$0x0] =	vst.idx.add.s32.msk $0xffff, v1  }
0x222: {  	[tilespmem:v4+s16+$0x0] =	vst.idx.add.s32.msk $0xffff, v1  }
0x223: {  	[tilespmem:v3+s16+$0x0] =	vst.idx.add.s32.msk $0xffff, v1  }
0x224: {  	s22 =	sadd.s32 $0x20, s22;
	[tilespmem:v2+s16+$0x0] =	vst.idx.add.s32.msk $0xffff, v1  }
0x225: {  	s21 =	sadd.s32 $0x1, s21  }
0x226: {  	p0 =	sne.s32 s21, $0x10  }
.Ltmp3:
0x227: {  	_ = 	snop;
	(pc) =	sbr.rel @p0 .LBB2_4-.Ltmp3, $1  }
0x228: {  	_ =	sdelay $0x3  }
0x229: {  	s0 =	simm.s32 $0x0;
	s1 =	rddreg [dreg:$0x7];
	s30 =	simm.s32 $0x3  }
0x22a: {  	[hbm4b:s1+s0] =	stream.linear.scatter [tilespmem:s16], [sflag:$0x3], $0xA800, $0x38;
	[tilespmem:$0x15800] =	vst v63  }
0x22b: {  	_ =	swait.ge [sflag:s30], $0xA800  }
0x22c: {  	s2 =	rddreg [dreg:$0x9]  }
0x22d: {  	s31 =	rddreg [dreg:$0x8];
	s2 =	sadd.s32 $0x1, s2  }
0x22e: {  	p0 =	sne.s32 s2, s31  }
.Ltmp4:
0x22f: {  	_ = 	snop;
	(pc) =	sbr.rel @p0 .LBB2_1-.Ltmp4, $3  }
0x230: {  	_ =	sdelay $0x1  }
0x231: {  	[sflag:s30] =	ssyncset.done $0x0  }
0x232: {  	[sflag:s30] =	ssyncadd.s32 $0xFFFF5800  }
0x233: {  	_ =	sfence.sel $0x180000  }
0x234: {  	[bflag:$0x0] =	sbarrier.arrive $0xFFFF  }
0x235: {  	_ =	strace $0x90000047  }
0x236: {  	s0 =	stileid.u32;
	[bflag:$0x2] =	sbarrier.arrive $0xFFFF  }
0x237: {  	p0 =	sne.s32 s0, $0x0;
	s0 =	rddreg [dreg:$0x3]  }
0x238: {  	s0 =	sadd.s32 @!p0 $0x100000, s0  }
0x239: {  	[sflag:s0] =	ssyncadd.tile.s32 @!p0 $0x1;
	_ =	shalt  }
.Lfunc_end2:
_tile_overlayer_lowered:
.L_overlay_start_2:
0x23a: {  	(tag) =	ssettag $0x2  }
0x23b: {  	s0 =	rddreg [dreg:$0x0];
	s2 =	stileid.u32  }
0x23c: {  	s1 =	rddreg [dreg:$0x1];
	p0 =	sne.s32 s2, $0x0  }
0x23d: {  	s3 =	rddreg [dreg:$0x2];
	[bflag:$0x3] =	sbarrier.arrive $0xFFFF;
	s2 =	simm.s32 @!p0 $0x1C03  }
0x23e: {  	[timem:s3], [sflag:s2] =	dma.local @!p0 [hbm:s0], s1  }
0x23f: {  	s0 =	simm.s32 @!p0 $0x3  }
0x240: {  	_ =	swait.ge @!p0 [sflag:s0], s1  }
0x241: {  	s1 =	ssub.s32 @!p0 $0x0, s1;
	[sflag:s0] =	ssyncset.done @!p0 $0x0  }
0x242: {  	[sflag:s0] =	ssyncadd.s32 @!p0 s1  }
0x243: {  	[bflag:$0x3] =	sbarrier.arrive $0xFFFF  }
0x244: {  	_ =	shalt  }

</sc_bundles>
